<compile_context>
chip_gen: v7x
topology: tpu7x:2x2x1
jax: 0.10.2.dev20260603
libtpu: 0.0.44.dev20260713+nightly
codegen_flags: <defaults>
</compile_context>

<pallas_src>
import functools

import jax
import jax.numpy as jnp
from jax import lax
from jax.experimental import pallas as pl
from jax.experimental.pallas import tpu as pltpu
from jax.experimental.pallas import tpu_sc as plsc

_OC, _IC, _K = 192, 192, 3
_B, _H, _W = 8, 56, 56
_RST = 64
_MOUT = _H * _RST
_XSROWS = 60 * _RST
_TOTAL = _OC * _IC * _K * _K
_NW = 32
_ROWS = _TOTAL // _NW
_OCPW = _OC // _NW
_JBLK = _OCPW * _IC
_CH = 4096
_SENTINEL = 1 << 30


def _make_weight_scatter(nnz_pad):
    mesh = plsc.VectorSubcoreMesh(core_axis_name="c", subcore_axis_name="s")

    @functools.partial(
        pl.kernel,
        out_type=jax.ShapeDtypeStruct((_TOTAL,), jnp.float32),
        mesh=mesh,
        compiler_params=pltpu.CompilerParams(needs_layout_passes=False),
        scratch_types=[
            pltpu.VMEM((_CH,), jnp.int32),
            pltpu.VMEM((_CH,), jnp.float32),
            pltpu.VMEM((48,), jnp.int32),
            pltpu.VMEM((_ROWS,), jnp.float32),
            pltpu.SemaphoreType.DMA,
        ],
    )
    def weight_scatter(idx_hbm, val_hbm, bnd_hbm, out_hbm,
                       idx_v, val_v, bnd_v, tr_v, sem):
        wid = lax.axis_index("s") * 2 + lax.axis_index("c")
        base = wid * _ROWS
        c3 = pltpu.async_copy(bnd_hbm, bnd_v, sem)

        def zero_body(i, carry):
            tr_v[pl.ds(pl.multiple_of(i * 16, 16), 16)] = jnp.zeros(
                (16,), jnp.float32)
            return carry

        lax.fori_loop(0, _ROWS // 16, zero_body, 0)
        c3.wait()

        lanes = lax.iota(jnp.int32, 16)

        def read_bound(k):
            ch = k // 16
            ln = k % 16
            v0 = bnd_v[pl.ds(pl.multiple_of(ch * 16, 16), 16)]
            return jnp.sum(jnp.where(lanes == ln, v0, 0))

        lo = read_bound(wid)
        hi = read_bound(wid + 1)

        st0 = (lo // 8) * 8
        nc = (hi - st0 + _CH - 1) // _CH

        def chunk_body(c, carry):
            start = jnp.minimum(st0 + c * _CH, nnz_pad - _CH)
            ci = pltpu.async_copy(idx_hbm.at[pl.ds(start, _CH)], idx_v, sem)
            cv = pltpu.async_copy(val_hbm.at[pl.ds(start, _CH)], val_v, sem)
            ci.wait()
            cv.wait()

            def scan_body(i, carry2):
                off = pl.multiple_of(i * 16, 16)
                idx = idx_v[pl.ds(off, 16)]
                val = val_v[pl.ds(off, 16)]
                loc = idx - base
                mask = (loc >= 0) & (loc < _ROWS)
                loc = jnp.where(mask, loc, 0)
                ocl = loc // (_IC * _K * _K)
                rem = loc - ocl * (_IC * _K * _K)
                ic = rem // (_K * _K)
                j = rem - ic * (_K * _K)
                tidx = j * _JBLK + ocl * _IC + ic
                plsc.store_scatter(tr_v, [tidx], val, mask=mask)
                return carry2

            i0 = jnp.maximum(lo - start, 0) // 16
            i1 = jnp.minimum((hi - start + 15) // 16, _CH // 16)
            lax.fori_loop(i0, i1, scan_body, 0)
            return carry

        lax.fori_loop(0, nc, chunk_body, 0)

        for j in range(_K * _K):
            pltpu.sync_copy(
                tr_v.at[pl.ds(j * _JBLK, _JBLK)],
                out_hbm.at[pl.ds(j * (_OC * _IC) + wid * _JBLK, _JBLK)])

    return weight_scatter


def _conv_body(x_ref, w_ref, b_ref, o_ref, xs, wb):
    b = pl.program_id(0)

    @pl.when(b == 0)
    def _():
        xs[...] = jnp.zeros((_XSROWS, _IC), jnp.bfloat16)
        wb[...] = w_ref[...].astype(jnp.bfloat16)

    for r in range(_H):
        xs[pl.ds(_RST * (r + 2), _W), :] = x_ref[0, r].astype(jnp.bfloat16)

    xv = xs[...]
    xup = pltpu.roll(xv, 1, 0)
    xdn = pltpu.roll(xv, _XSROWS - 1, 0)

    acc = b_ref[...] + jnp.zeros((_MOUT, _OC), jnp.float32)
    for kx in range(_K):
        base = _RST * (kx + 1)
        for ky, arr in ((0, xup), (1, xv), (2, xdn)):
            acc = acc + lax.dot_general(
                arr[base:base + _MOUT, :],
                wb[kx * _K + ky],
                (((1,), (1,)), ((), ())),
                preferred_element_type=jnp.float32,
            )

    for h in range(_H):
        o_ref[0, h] = acc[_RST * h:_RST * h + _W, :]


def kernel(input, W_val, bias, W_idx):
    nnz = W_val.shape[0]
    oc, ic, kx, ky = W_idx[0], W_idx[1], W_idx[2], W_idx[3]
    flat = ((oc * _IC + ic) * _K + kx) * _K + ky
    nnz_pad = -(-nnz // 16) * 16
    pad = nnz_pad - nnz
    flat_p = jnp.concatenate(
        [flat, jnp.full((pad,), _SENTINEL, jnp.int32)])
    val_p = jnp.concatenate([W_val, jnp.zeros((pad,), jnp.float32)])
    bases = jnp.arange(_NW + 1, dtype=jnp.int32) * _ROWS
    bnd = jnp.sum(flat_p[None, :] < bases[:, None], axis=1).astype(jnp.int32)
    bnd = jnp.pad(bnd, (0, 48 - (_NW + 1)))

    dense_flat = _make_weight_scatter(nnz_pad)(flat_p, val_p, bnd)
    w9 = dense_flat.reshape(_K * _K, _OC, _IC)

    x_nhwc = jnp.transpose(input, (0, 2, 3, 1))
    out = pl.pallas_call(
        _conv_body,
        grid=(_B,),
        in_specs=[
            pl.BlockSpec((1, _H, _W, _IC), lambda b: (b, 0, 0, 0)),
            pl.BlockSpec((_K * _K, _OC, _IC), lambda b: (0, 0, 0)),
            pl.BlockSpec((1, _OC), lambda b: (0, 0)),
        ],
        out_specs=pl.BlockSpec((1, _H, _W, _OC), lambda b: (b, 0, 0, 0)),
        out_shape=jax.ShapeDtypeStruct((_B, _H, _W, _OC), jnp.float32),
        scratch_shapes=[
            pltpu.VMEM((_XSROWS, _IC), jnp.bfloat16),
            pltpu.VMEM((_K * _K, _OC, _IC), jnp.bfloat16),
        ],
    )(x_nhwc, w9, bias.reshape(1, _OC))
    return jnp.transpose(out, (0, 3, 1, 2))

# --- scband reference (transcript-rebuilt; emitter-appended) ---
"""Pipeline reference for scband-sparse-conv2d-64312840290399 (READ-ONLY COPY).

The authoritative reference and input builder live on the scoring server;
editing this copy changes nothing except your own understanding.
"""

import jax, jax.numpy as jnp
import numpy as np

OC, IC, K = 192, 192, 3
PAD, STRIDE = 1, 1
DENSITY = 0.1
B, H, W = 8, 56, 56


def setup_inputs(seed: int = 0) -> dict:
    key = jax.random.key(seed)
    k1, k2, k3 = jax.random.split(key, 3)
    x = jax.random.normal(k1, (B, IC, H, W), dtype=jnp.float32)
    numel = OC * IC * K * K
    nnz = int(numel * DENSITY)
    rng = np.random.default_rng(0)
    flat_idx = np.sort(rng.choice(numel, size=nnz, replace=False)).astype(np.int32)
    oc = flat_idx // (IC * K * K)
    rem = flat_idx % (IC * K * K)
    ic = rem // (K * K)
    rem2 = rem % (K * K)
    kx = rem2 // K
    ky = rem2 % K
    W_idx = jnp.asarray(np.stack([oc, ic, kx, ky], axis=0), dtype=jnp.int32)
    W_val = jax.random.normal(k2, (nnz,), dtype=jnp.float32) * 0.05
    bias = jax.random.normal(k3, (OC,), dtype=jnp.float32) * 0.01
    return {"input": x, "W_val": W_val, "bias": bias, "W_idx": W_idx}


def reference(input, W_val, bias, W_idx):
    # SparseConvFunction: scatter sparse weight values into the dense kernel
    # layout [OC, IC, K, K] (the sparse format stores per-nnz (oc, ic, kx, ky)
    # coordinates), then run the conv with the given stride/padding and add bias.
    oc, ic, kx, ky = W_idx[0], W_idx[1], W_idx[2], W_idx[3]
    dense_w = jnp.zeros((OC, IC, K, K), dtype=W_val.dtype).at[oc, ic, kx, ky].add(W_val)
    out = jax.lax.conv_general_dilated(
        input, dense_w,
        window_strides=(STRIDE, STRIDE),
        padding=[(PAD, PAD), (PAD, PAD)],
        dimension_numbers=("NCHW", "OIHW", "NCHW"),
    )
    out = out + bias[None, :, None, None]
    return out

if __name__ == "__main__":
    import jax
    _d = setup_inputs()
    print(jax.jit(kernel)(*tuple(_d.values())))

</pallas_src>

<mosaic_0001>
#map = affine_map<(d0, d1) -> (0)>
module attributes {stable_mosaic.version = 14 : i64} {
  func.func @weight_scatter(%arg0: i32, %arg1: i32, %arg2: memref<33184xi32, #tpu.memory_space<hbm>>, %arg3: memref<33184xf32, #tpu.memory_space<hbm>>, %arg4: memref<48xi32, #tpu.memory_space<hbm>>, %arg5: memref<331776xf32, #tpu.memory_space<hbm>>, %arg6: memref<4096xi32, #tpu.memory_space<vmem>>, %arg7: memref<4096xf32, #tpu.memory_space<vmem>>, %arg8: memref<48xi32, #tpu.memory_space<vmem>>, %arg9: memref<10368xf32, #tpu.memory_space<vmem>>, %arg10: memref<!tpu.dma_semaphore, #tpu.memory_space<semaphore_mem>>) attributes {dimension_semantics = [#tpu.dimension_semantics<core_parallel>, #tpu.dimension_semantics<subcore_parallel>], iteration_bounds = array<i64: 2, 16>, scalar_prefetch = 0 : i64, scratch_operands = 5 : i64, tpu.core_type = #tpu.core_type<sc_vector_subcore>, window_params = [{transform_indices = #map}, {transform_indices = #map}, {transform_indices = #map}, {transform_indices = #map}]} {
    %mul3A = arith.constant 2 : i32
    %mul3A_0 = arith.muli %arg1, %mul3A : i32
    %add3A = arith.addi %mul3A_0, %arg0 : i32
    %mul3A_1 = arith.constant 10368 : i32
    %mul3A_2 = arith.muli %add3A, %mul3A_1 : i32
    tpu.enqueue_dma source(%arg4 : memref<48xi32, #tpu.memory_space<hbm>>) target(%arg8 : memref<48xi32, #tpu.memory_space<vmem>>) target_semaphore(%arg10 : memref<!tpu.dma_semaphore, #tpu.memory_space<semaphore_mem>>)
    %scan3A = arith.constant 0 : i32
    %scan3A_3 = arith.constant 0 : i32
    %scan3A_4 = arith.constant 648 : i32
    %scan3A_5 = arith.addi %scan3A_3, %scan3A_4 : i32
    %scan3A_6 = arith.constant 1 : i32
    scf.for %scan3A_204 = %scan3A_3 to %scan3A_5 step %scan3A_6  : i32 {
      %broadcast_in_dim3A_205 = arith.constant 0.000000e+00 : f32
      %broadcast_in_dim3A_206 = vector.broadcast %broadcast_in_dim3A_205 : f32 to vector<16xf32>
      %mul3A_207 = arith.constant 16 : i32
      %mul3A_208 = arith.muli %scan3A_204, %mul3A_207 : i32
      %multiple_of3A_209 = tpu.assume_multiple %mul3A_208, 16 : i32
      %swap3A = arith.index_cast %multiple_of3A_209 : i32 to index
      %swap3A_210 = tpu.vector_load %arg9[%swap3A] {strides = array<i32>} : memref<10368xf32, #tpu.memory_space<vmem>>, vector<16xf32>,
      tpu.vector_store %arg9[%swap3A], %broadcast_in_dim3A_206 {strides = array<i32>} : memref<10368xf32, #tpu.memory_space<vmem>>, vector<16xf32>,
    }
    %scan3A_7 = arith.constant 648 : i32
    tpu.wait_dma2 semaphore(%arg10 : memref<!tpu.dma_semaphore, #tpu.memory_space<semaphore_mem>>) src(%arg4 : memref<48xi32, #tpu.memory_space<hbm>>) dst(%arg8 : memref<48xi32, #tpu.memory_space<vmem>>)
    %iota3A = tpu.iota {dimensions = array<i32: 0>} : vector<16xi32>
    %jit3A = arith.constant 16 : i32
    %div3A = arith.divsi %add3A, %jit3A : i32
    %sign3A = arith.constant 0 : i32
    %sign3A_8 = arith.cmpi sgt, %add3A, %sign3A : i32
    %sign3A_9 = arith.extui %sign3A_8 : i1 to i32
    %sign3A_10 = arith.constant 0 : i32
    %sign3A_11 = arith.cmpi slt, %add3A, %sign3A_10 : i32
    %sign3A_12 = arith.extui %sign3A_11 : i1 to i32
    %sign3A_13 = arith.subi %sign3A_9, %sign3A_12 : i32
    %sign3A_14 = arith.constant 0 : i32
    %sign3A_15 = arith.cmpi sgt, %jit3A, %sign3A_14 : i32
    %sign3A_16 = arith.extui %sign3A_15 : i1 to i32
    %sign3A_17 = arith.constant 0 : i32
    %sign3A_18 = arith.cmpi slt, %jit3A, %sign3A_17 : i32
    %sign3A_19 = arith.extui %sign3A_18 : i1 to i32
    %sign3A_20 = arith.subi %sign3A_16, %sign3A_19 : i32
    %ne3A = arith.cmpi ne, %sign3A_13, %sign3A_20 : i32
    %rem3A = arith.remsi %add3A, %jit3A : i32
    %ne3A_21 = arith.constant 0 : i32
    %ne3A_22 = arith.cmpi ne, %rem3A, %ne3A_21 : i32
    %and3A = arith.andi %ne3A, %ne3A_22 : i1
    %sub3A = arith.constant 1 : i32
    %sub3A_23 = arith.subi %div3A, %sub3A : i32
    %select_n3A = arith.select %and3A, %sub3A_23, %div3A : i32
    %jit3A_24 = arith.constant 16 : i32
    %eq3A = arith.constant 0 : i32
    %eq3A_25 = arith.cmpi eq, %jit3A_24, %eq3A : i32
    %jit3A_26 = arith.constant 1 : i32
    %select_n3A_27 = arith.select %eq3A_25, %jit3A_26, %jit3A_24 : i32
    %rem3A_28 = arith.remsi %add3A, %select_n3A_27 : i32
    %ne3A_29 = arith.constant 0 : i32
    %ne3A_30 = arith.cmpi ne, %rem3A_28, %ne3A_29 : i32
    %lt3A = arith.constant 0 : i32
    %lt3A_31 = arith.cmpi slt, %rem3A_28, %lt3A : i32
    %lt3A_32 = arith.constant 0 : i32
    %lt3A_33 = arith.cmpi slt, %select_n3A_27, %lt3A_32 : i32
    %ne3A_34 = arith.xori %lt3A_31, %lt3A_33 : i1
    %and3A_35 = arith.andi %ne3A_34, %ne3A_30 : i1
    %add3A_36 = arith.addi %rem3A_28, %select_n3A_27 : i32
    %select_n3A_37 = arith.select %and3A_35, %add3A_36, %rem3A_28 : i32
    %mul3A_38 = arith.constant 16 : i32
    %mul3A_39 = arith.muli %select_n3A, %mul3A_38 : i32
    %multiple_of3A = tpu.assume_multiple %mul3A_39, 16 : i32
    %get3A = arith.index_cast %multiple_of3A : i32 to index
    %get3A_40 = tpu.vector_load %arg8[%get3A] {strides = array<i32>} : memref<48xi32, #tpu.memory_space<vmem>>, vector<16xi32>,
    %eq3A_41 = vector.broadcast %select_n3A_37 : i32 to vector<16xi32>
    %eq3A_42 = arith.cmpi eq, %iota3A, %eq3A_41 : vector<16xi32>
    %jit3A_43 = arith.constant 0 : i32
    %broadcast_in_dim3A = vector.broadcast %jit3A_43 : i32 to vector<16xi32>
    %select_n3A_44 = arith.select %eq3A_42, %get3A_40, %broadcast_in_dim3A : vector<16xi1>, vector<16xi32>
    %reduce_sum3A = arith.constant true
    %reduce_sum3A_45 = vector.broadcast %reduce_sum3A : i1 to vector<16xi1>
    %reduce_sum3A_46 = tpu.scan <sum>, %select_n3A_44 masked %reduce_sum3A_45 : vector<16xi32>, vector<16xi1> -> vector<16xi32>
    %reduce_sum3A_47 = vector.extract %reduce_sum3A_46[15] : i32 from vector<16xi32>
    %add3A_48 = arith.constant 1 : i32
    %add3A_49 = arith.addi %add3A, %add3A_48 : i32
    %jit3A_50 = arith.constant 16 : i32
    %div3A_51 = arith.divsi %add3A_49, %jit3A_50 : i32
    %sign3A_52 = arith.constant 0 : i32
    %sign3A_53 = arith.cmpi sgt, %add3A_49, %sign3A_52 : i32
    %sign3A_54 = arith.extui %sign3A_53 : i1 to i32
    %sign3A_55 = arith.constant 0 : i32
    %sign3A_56 = arith.cmpi slt, %add3A_49, %sign3A_55 : i32
    %sign3A_57 = arith.extui %sign3A_56 : i1 to i32
    %sign3A_58 = arith.subi %sign3A_54, %sign3A_57 : i32
    %sign3A_59 = arith.constant 0 : i32
    %sign3A_60 = arith.cmpi sgt, %jit3A_50, %sign3A_59 : i32
    %sign3A_61 = arith.extui %sign3A_60 : i1 to i32
    %sign3A_62 = arith.constant 0 : i32
    %sign3A_63 = arith.cmpi slt, %jit3A_50, %sign3A_62 : i32
    %sign3A_64 = arith.extui %sign3A_63 : i1 to i32
    %sign3A_65 = arith.subi %sign3A_61, %sign3A_64 : i32
    %ne3A_66 = arith.cmpi ne, %sign3A_58, %sign3A_65 : i32
    %rem3A_67 = arith.remsi %add3A_49, %jit3A_50 : i32
    %ne3A_68 = arith.constant 0 : i32
    %ne3A_69 = arith.cmpi ne, %rem3A_67, %ne3A_68 : i32
    %and3A_70 = arith.andi %ne3A_66, %ne3A_69 : i1
    %sub3A_71 = arith.constant 1 : i32
    %sub3A_72 = arith.subi %div3A_51, %sub3A_71 : i32
    %select_n3A_73 = arith.select %and3A_70, %sub3A_72, %div3A_51 : i32
    %jit3A_74 = arith.constant 16 : i32
    %eq3A_75 = arith.constant 0 : i32
    %eq3A_76 = arith.cmpi eq, %jit3A_74, %eq3A_75 : i32
    %jit3A_77 = arith.constant 1 : i32
    %select_n3A_78 = arith.select %eq3A_76, %jit3A_77, %jit3A_74 : i32
    %rem3A_79 = arith.remsi %add3A_49, %select_n3A_78 : i32
    %ne3A_80 = arith.constant 0 : i32
    %ne3A_81 = arith.cmpi ne, %rem3A_79, %ne3A_80 : i32
    %lt3A_82 = arith.constant 0 : i32
    %lt3A_83 = arith.cmpi slt, %rem3A_79, %lt3A_82 : i32
    %lt3A_84 = arith.constant 0 : i32
    %lt3A_85 = arith.cmpi slt, %select_n3A_78, %lt3A_84 : i32
    %ne3A_86 = arith.xori %lt3A_83, %lt3A_85 : i1
    %and3A_87 = arith.andi %ne3A_86, %ne3A_81 : i1
    %add3A_88 = arith.addi %rem3A_79, %select_n3A_78 : i32
    %select_n3A_89 = arith.select %and3A_87, %add3A_88, %rem3A_79 : i32
    %mul3A_90 = arith.constant 16 : i32
    %mul3A_91 = arith.muli %select_n3A_73, %mul3A_90 : i32
    %multiple_of3A_92 = tpu.assume_multiple %mul3A_91, 16 : i32
    %get3A_93 = arith.index_cast %multiple_of3A_92 : i32 to index
    %get3A_94 = tpu.vector_load %arg8[%get3A_93] {strides = array<i32>} : memref<48xi32, #tpu.memory_space<vmem>>, vector<16xi32>,
    %eq3A_95 = vector.broadcast %select_n3A_89 : i32 to vector<16xi32>
    %eq3A_96 = arith.cmpi eq, %iota3A, %eq3A_95 : vector<16xi32>
    %jit3A_97 = arith.constant 0 : i32
    %broadcast_in_dim3A_98 = vector.broadcast %jit3A_97 : i32 to vector<16xi32>
    %select_n3A_99 = arith.select %eq3A_96, %get3A_94, %broadcast_in_dim3A_98 : vector<16xi1>, vector<16xi32>
    %reduce_sum3A_100 = arith.constant true
    %reduce_sum3A_101 = vector.broadcast %reduce_sum3A_100 : i1 to vector<16xi1>
    %reduce_sum3A_102 = tpu.scan <sum>, %select_n3A_99 masked %reduce_sum3A_101 : vector<16xi32>, vector<16xi1> -> vector<16xi32>
    %reduce_sum3A_103 = vector.extract %reduce_sum3A_102[15] : i32 from vector<16xi32>
    %jit3A_104 = arith.constant 8 : i32
    %div3A_105 = arith.divsi %reduce_sum3A_47, %jit3A_104 : i32
    %sign3A_106 = arith.constant 0 : i32
    %sign3A_107 = arith.cmpi sgt, %reduce_sum3A_47, %sign3A_106 : i32
    %sign3A_108 = arith.extui %sign3A_107 : i1 to i32
    %sign3A_109 = arith.constant 0 : i32
    %sign3A_110 = arith.cmpi slt, %reduce_sum3A_47, %sign3A_109 : i32
    %sign3A_111 = arith.extui %sign3A_110 : i1 to i32
    %sign3A_112 = arith.subi %sign3A_108, %sign3A_111 : i32
    %sign3A_113 = arith.constant 0 : i32
    %sign3A_114 = arith.cmpi sgt, %jit3A_104, %sign3A_113 : i32
    %sign3A_115 = arith.extui %sign3A_114 : i1 to i32
    %sign3A_116 = arith.constant 0 : i32
    %sign3A_117 = arith.cmpi slt, %jit3A_104, %sign3A_116 : i32
    %sign3A_118 = arith.extui %sign3A_117 : i1 to i32
    %sign3A_119 = arith.subi %sign3A_115, %sign3A_118 : i32
    %ne3A_120 = arith.cmpi ne, %sign3A_112, %sign3A_119 : i32
    %rem3A_121 = arith.remsi %reduce_sum3A_47, %jit3A_104 : i32
    %ne3A_122 = arith.constant 0 : i32
    %ne3A_123 = arith.cmpi ne, %rem3A_121, %ne3A_122 : i32
    %and3A_124 = arith.andi %ne3A_120, %ne3A_123 : i1
    %sub3A_125 = arith.constant 1 : i32
    %sub3A_126 = arith.subi %div3A_105, %sub3A_125 : i32
    %select_n3A_127 = arith.select %and3A_124, %sub3A_126, %div3A_105 : i32
    %mul3A_128 = arith.constant 8 : i32
    %mul3A_129 = arith.muli %select_n3A_127, %mul3A_128 : i32
    %sub3A_130 = arith.subi %reduce_sum3A_103, %mul3A_129 : i32
    %add3A_131 = arith.constant 4096 : i32
    %add3A_132 = arith.addi %sub3A_130, %add3A_131 : i32
    %sub3A_133 = arith.constant 1 : i32
    %sub3A_134 = arith.subi %add3A_132, %sub3A_133 : i32
    %jit3A_135 = arith.constant 4096 : i32
    %div3A_136 = arith.divsi %sub3A_134, %jit3A_135 : i32
    %sign3A_137 = arith.constant 0 : i32
    %sign3A_138 = arith.cmpi sgt, %sub3A_134, %sign3A_137 : i32
    %sign3A_139 = arith.extui %sign3A_138 : i1 to i32
    %sign3A_140 = arith.constant 0 : i32
    %sign3A_141 = arith.cmpi slt, %sub3A_134, %sign3A_140 : i32
    %sign3A_142 = arith.extui %sign3A_141 : i1 to i32
    %sign3A_143 = arith.subi %sign3A_139, %sign3A_142 : i32
    %sign3A_144 = arith.constant 0 : i32
    %sign3A_145 = arith.cmpi sgt, %jit3A_135, %sign3A_144 : i32
    %sign3A_146 = arith.extui %sign3A_145 : i1 to i32
    %sign3A_147 = arith.constant 0 : i32
    %sign3A_148 = arith.cmpi slt, %jit3A_135, %sign3A_147 : i32
    %sign3A_149 = arith.extui %sign3A_148 : i1 to i32
    %sign3A_150 = arith.subi %sign3A_146, %sign3A_149 : i32
    %ne3A_151 = arith.cmpi ne, %sign3A_143, %sign3A_150 : i32
    %rem3A_152 = arith.remsi %sub3A_134, %jit3A_135 : i32
    %ne3A_153 = arith.constant 0 : i32
    %ne3A_154 = arith.cmpi ne, %rem3A_152, %ne3A_153 : i32
    %and3A_155 = arith.andi %ne3A_151, %ne3A_154 : i1
    %sub3A_156 = arith.constant 1 : i32
    %sub3A_157 = arith.subi %div3A_136, %sub3A_156 : i32
    %select_n3A_158 = arith.select %and3A_155, %sub3A_157, %div3A_136 : i32
    %while3A = arith.constant 0 : i32
    %while3A_159 = arith.constant 0 : i32
    %while3A_160 = arith.subi %select_n3A_158, %while3A_159 : i32
    %while3A_161 = arith.addi %while3A_159, %while3A_160 : i32
    %while3A_162 = arith.constant 1 : i32
    %while3A_163 = arith.divsi %while3A_160, %while3A_162 : i32
    %while3A_164 = arith.muli %while3A_163, %while3A_162 : i32
    %while3A_165 = arith.addi %while3A_159, %while3A_164 : i32
    %while3A_166 = arith.constant 1 : i32
    scf.for %while3A_204 = %while3A_159 to %while3A_165 step %while3A_166  : i32 {
      %mul3A_205 = arith.constant 4096 : i32
      %mul3A_206 = arith.muli %while3A_204, %mul3A_205 : i32
      %add3A_207 = arith.addi %mul3A_129, %mul3A_206 : i32
      %min3A = arith.constant 29088 : i32
      %min3A_208 = arith.minsi %add3A_207, %min3A : i32
      %dma_start3A = tpu.memref_slice %arg2[%min3A_208] : memref<33184xi32, #tpu.memory_space<hbm>> -> memref<4096xi32, #tpu.memory_space<hbm>>
      %dma_start3A_209 = tpu.memref_slice %arg2[%min3A_208] : memref<33184xi32, #tpu.memory_space<hbm>> -> memref<4096xi32, #tpu.memory_space<hbm>>
      tpu.enqueue_dma source(%dma_start3A_209 : memref<4096xi32, #tpu.memory_space<hbm>>) target(%arg6 : memref<4096xi32, #tpu.memory_space<vmem>>) target_semaphore(%arg10 : memref<!tpu.dma_semaphore, #tpu.memory_space<semaphore_mem>>)
      %dma_start3A_210 = tpu.memref_slice %arg3[%min3A_208] : memref<33184xf32, #tpu.memory_space<hbm>> -> memref<4096xf32, #tpu.memory_space<hbm>>
      %dma_start3A_211 = tpu.memref_slice %arg3[%min3A_208] : memref<33184xf32, #tpu.memory_space<hbm>> -> memref<4096xf32, #tpu.memory_space<hbm>>
      tpu.enqueue_dma source(%dma_start3A_211 : memref<4096xf32, #tpu.memory_space<hbm>>) target(%arg7 : memref<4096xf32, #tpu.memory_space<vmem>>) target_semaphore(%arg10 : memref<!tpu.dma_semaphore, #tpu.memory_space<semaphore_mem>>)
      %dma_wait3A = tpu.memref_slice %arg2[%min3A_208] : memref<33184xi32, #tpu.memory_space<hbm>> -> memref<4096xi32, #tpu.memory_space<hbm>>
      %dma_wait3A_212 = tpu.memref_slice %arg2[%min3A_208] : memref<33184xi32, #tpu.memory_space<hbm>> -> memref<4096xi32, #tpu.memory_space<hbm>>
      tpu.wait_dma2 semaphore(%arg10 : memref<!tpu.dma_semaphore, #tpu.memory_space<semaphore_mem>>) src(%dma_wait3A_212 : memref<4096xi32, #tpu.memory_space<hbm>>) dst(%arg6 : memref<4096xi32, #tpu.memory_space<vmem>>)
      %dma_wait3A_213 = tpu.memref_slice %arg3[%min3A_208] : memref<33184xf32, #tpu.memory_space<hbm>> -> memref<4096xf32, #tpu.memory_space<hbm>>
      %dma_wait3A_214 = tpu.memref_slice %arg3[%min3A_208] : memref<33184xf32, #tpu.memory_space<hbm>> -> memref<4096xf32, #tpu.memory_space<hbm>>
      tpu.wait_dma2 semaphore(%arg10 : memref<!tpu.dma_semaphore, #tpu.memory_space<semaphore_mem>>) src(%dma_wait3A_214 : memref<4096xf32, #tpu.memory_space<hbm>>) dst(%arg7 : memref<4096xf32, #tpu.memory_space<vmem>>)
      %sub3A_215 = arith.subi %reduce_sum3A_47, %min3A_208 : i32
      %max3A = arith.constant 0 : i32
      %max3A_216 = arith.maxsi %sub3A_215, %max3A : i32
      %jit3A_217 = arith.constant 16 : i32
      %div3A_218 = arith.divsi %max3A_216, %jit3A_217 : i32
      %sign3A_219 = arith.constant 0 : i32
      %sign3A_220 = arith.cmpi sgt, %max3A_216, %sign3A_219 : i32
      %sign3A_221 = arith.extui %sign3A_220 : i1 to i32
      %sign3A_222 = arith.constant 0 : i32
      %sign3A_223 = arith.cmpi slt, %max3A_216, %sign3A_222 : i32
      %sign3A_224 = arith.extui %sign3A_223 : i1 to i32
      %sign3A_225 = arith.subi %sign3A_221, %sign3A_224 : i32
      %sign3A_226 = arith.constant 0 : i32
      %sign3A_227 = arith.cmpi sgt, %jit3A_217, %sign3A_226 : i32
      %sign3A_228 = arith.extui %sign3A_227 : i1 to i32
      %sign3A_229 = arith.constant 0 : i32
      %sign3A_230 = arith.cmpi slt, %jit3A_217, %sign3A_229 : i32
      %sign3A_231 = arith.extui %sign3A_230 : i1 to i32
      %sign3A_232 = arith.subi %sign3A_228, %sign3A_231 : i32
      %ne3A_233 = arith.cmpi ne, %sign3A_225, %sign3A_232 : i32
      %rem3A_234 = arith.remsi %max3A_216, %jit3A_217 : i32
      %ne3A_235 = arith.constant 0 : i32
      %ne3A_236 = arith.cmpi ne, %rem3A_234, %ne3A_235 : i32
      %and3A_237 = arith.andi %ne3A_233, %ne3A_236 : i1
      %sub3A_238 = arith.constant 1 : i32
      %sub3A_239 = arith.subi %div3A_218, %sub3A_238 : i32
      %select_n3A_240 = arith.select %and3A_237, %sub3A_239, %div3A_218 : i32
      %sub3A_241 = arith.subi %reduce_sum3A_103, %min3A_208 : i32
      %add3A_242 = arith.constant 15 : i32
      %add3A_243 = arith.addi %sub3A_241, %add3A_242 : i32
      %jit3A_244 = arith.constant 16 : i32
      %div3A_245 = arith.divsi %add3A_243, %jit3A_244 : i32
      %sign3A_246 = arith.constant 0 : i32
      %sign3A_247 = arith.cmpi sgt, %add3A_243, %sign3A_246 : i32
      %sign3A_248 = arith.extui %sign3A_247 : i1 to i32
      %sign3A_249 = arith.constant 0 : i32
      %sign3A_250 = arith.cmpi slt, %add3A_243, %sign3A_249 : i32
      %sign3A_251 = arith.extui %sign3A_250 : i1 to i32
      %sign3A_252 = arith.subi %sign3A_248, %sign3A_251 : i32
      %sign3A_253 = arith.constant 0 : i32
      %sign3A_254 = arith.cmpi sgt, %jit3A_244, %sign3A_253 : i32
      %sign3A_255 = arith.extui %sign3A_254 : i1 to i32
      %sign3A_256 = arith.constant 0 : i32
      %sign3A_257 = arith.cmpi slt, %jit3A_244, %sign3A_256 : i32
      %sign3A_258 = arith.extui %sign3A_257 : i1 to i32
      %sign3A_259 = arith.subi %sign3A_255, %sign3A_258 : i32
      %ne3A_260 = arith.cmpi ne, %sign3A_252, %sign3A_259 : i32
      %rem3A_261 = arith.remsi %add3A_243, %jit3A_244 : i32
      %ne3A_262 = arith.constant 0 : i32
      %ne3A_263 = arith.cmpi ne, %rem3A_261, %ne3A_262 : i32
      %and3A_264 = arith.andi %ne3A_260, %ne3A_263 : i1
      %sub3A_265 = arith.constant 1 : i32
      %sub3A_266 = arith.subi %div3A_245, %sub3A_265 : i32
      %select_n3A_267 = arith.select %and3A_264, %sub3A_266, %div3A_245 : i32
      %min3A_268 = arith.constant 256 : i32
      %min3A_269 = arith.minsi %select_n3A_267, %min3A_268 : i32
      %while3A_270 = arith.constant 0 : i32
      %while3A_271 = arith.subi %min3A_269, %select_n3A_240 : i32
      %while3A_272 = arith.addi %select_n3A_240, %while3A_271 : i32
      %while3A_273 = arith.constant 1 : i32
      %while3A_274 = arith.divsi %while3A_271, %while3A_273 : i32
      %while3A_275 = arith.muli %while3A_274, %while3A_273 : i32
      %while3A_276 = arith.addi %select_n3A_240, %while3A_275 : i32
      %while3A_277 = arith.constant 1 : i32
      scf.for %while3A_279 = %select_n3A_240 to %while3A_276 step %while3A_277  : i32 {
        %mul3A_280 = arith.constant 16 : i32
        %mul3A_281 = arith.muli %while3A_279, %mul3A_280 : i32
        %multiple_of3A_282 = tpu.assume_multiple %mul3A_281, 16 : i32
        %get3A_283 = arith.index_cast %multiple_of3A_282 : i32 to index
        %get3A_284 = tpu.vector_load %arg6[%get3A_283] {strides = array<i32>} : memref<4096xi32, #tpu.memory_space<vmem>>, vector<16xi32>,
        %get3A_285 = arith.index_cast %multiple_of3A_282 : i32 to index
        %get3A_286 = tpu.vector_load %arg7[%get3A_285] {strides = array<i32>} : memref<4096xf32, #tpu.memory_space<vmem>>, vector<16xf32>,
        %sub3A_287 = vector.broadcast %mul3A_2 : i32 to vector<16xi32>
        %sub3A_288 = arith.subi %get3A_284, %sub3A_287 : vector<16xi32>
        %ge3A = arith.constant 0 : i32
        %ge3A_289 = vector.broadcast %ge3A : i32 to vector<16xi32>
        %ge3A_290 = arith.cmpi sge, %sub3A_288, %ge3A_289 : vector<16xi32>
        %lt3A_291 = arith.constant 10368 : i32
        %lt3A_292 = vector.broadcast %lt3A_291 : i32 to vector<16xi32>
        %lt3A_293 = arith.cmpi slt, %sub3A_288, %lt3A_292 : vector<16xi32>
        %and3A_294 = arith.andi %ge3A_290, %lt3A_293 : vector<16xi1>
        %jit3A_295 = arith.constant 0 : i32
        %broadcast_in_dim3A_296 = vector.broadcast %jit3A_295 : i32 to vector<16xi32>
        %select_n3A_297 = arith.select %and3A_294, %sub3A_288, %broadcast_in_dim3A_296 : vector<16xi1>, vector<16xi32>
        %jit3A_298 = arith.constant 1728 : i32
        %div3A_299 = vector.broadcast %jit3A_298 : i32 to vector<16xi32>
        %div3A_300 = arith.divsi %select_n3A_297, %div3A_299 : vector<16xi32>
        %sign3A_301 = arith.constant 0 : i32
        %sign3A_302 = vector.broadcast %sign3A_301 : i32 to vector<16xi32>
        %sign3A_303 = arith.cmpi sgt, %select_n3A_297, %sign3A_302 : vector<16xi32>
        %sign3A_304 = arith.extui %sign3A_303 : vector<16xi1> to vector<16xi32>
        %sign3A_305 = arith.constant 0 : i32
        %sign3A_306 = vector.broadcast %sign3A_305 : i32 to vector<16xi32>
        %sign3A_307 = arith.cmpi slt, %select_n3A_297, %sign3A_306 : vector<16xi32>
        %sign3A_308 = arith.extui %sign3A_307 : vector<16xi1> to vector<16xi32>
        %sign3A_309 = arith.subi %sign3A_304, %sign3A_308 : vector<16xi32>
        %sign3A_310 = arith.constant 0 : i32
        %sign3A_311 = arith.cmpi sgt, %jit3A_298, %sign3A_310 : i32
        %sign3A_312 = arith.extui %sign3A_311 : i1 to i32
        %sign3A_313 = arith.constant 0 : i32
        %sign3A_314 = arith.cmpi slt, %jit3A_298, %sign3A_313 : i32
        %sign3A_315 = arith.extui %sign3A_314 : i1 to i32
        %sign3A_316 = arith.subi %sign3A_312, %sign3A_315 : i32
        %ne3A_317 = vector.broadcast %sign3A_316 : i32 to vector<16xi32>
        %ne3A_318 = arith.cmpi ne, %sign3A_309, %ne3A_317 : vector<16xi32>
        %rem3A_319 = vector.broadcast %jit3A_298 : i32 to vector<16xi32>
        %rem3A_320 = arith.remsi %select_n3A_297, %rem3A_319 : vector<16xi32>
        %ne3A_321 = arith.constant 0 : i32
        %ne3A_322 = vector.broadcast %ne3A_321 : i32 to vector<16xi32>
        %ne3A_323 = arith.cmpi ne, %rem3A_320, %ne3A_322 : vector<16xi32>
        %and3A_324 = arith.andi %ne3A_318, %ne3A_323 : vector<16xi1>
        %sub3A_325 = arith.constant 1 : i32
        %sub3A_326 = vector.broadcast %sub3A_325 : i32 to vector<16xi32>
        %sub3A_327 = arith.subi %div3A_300, %sub3A_326 : vector<16xi32>
        %select_n3A_328 = arith.select %and3A_324, %sub3A_327, %div3A_300 : vector<16xi1>, vector<16xi32>
        %mul3A_329 = arith.constant 1728 : i32
        %mul3A_330 = vector.broadcast %mul3A_329 : i32 to vector<16xi32>
        %mul3A_331 = arith.muli %select_n3A_328, %mul3A_330 : vector<16xi32>
        %sub3A_332 = arith.subi %select_n3A_297, %mul3A_331 : vector<16xi32>
        %jit3A_333 = arith.constant 9 : i32
        %div3A_334 = vector.broadcast %jit3A_333 : i32 to vector<16xi32>
        %div3A_335 = arith.divsi %sub3A_332, %div3A_334 : vector<16xi32>
        %sign3A_336 = arith.constant 0 : i32
        %sign3A_337 = vector.broadcast %sign3A_336 : i32 to vector<16xi32>
        %sign3A_338 = arith.cmpi sgt, %sub3A_332, %sign3A_337 : vector<16xi32>
        %sign3A_339 = arith.extui %sign3A_338 : vector<16xi1> to vector<16xi32>
        %sign3A_340 = arith.constant 0 : i32
        %sign3A_341 = vector.broadcast %sign3A_340 : i32 to vector<16xi32>
        %sign3A_342 = arith.cmpi slt, %sub3A_332, %sign3A_341 : vector<16xi32>
        %sign3A_343 = arith.extui %sign3A_342 : vector<16xi1> to vector<16xi32>
        %sign3A_344 = arith.subi %sign3A_339, %sign3A_343 : vector<16xi32>
        %sign3A_345 = arith.constant 0 : i32
        %sign3A_346 = arith.cmpi sgt, %jit3A_333, %sign3A_345 : i32
        %sign3A_347 = arith.extui %sign3A_346 : i1 to i32
        %sign3A_348 = arith.constant 0 : i32
        %sign3A_349 = arith.cmpi slt, %jit3A_333, %sign3A_348 : i32
        %sign3A_350 = arith.extui %sign3A_349 : i1 to i32
        %sign3A_351 = arith.subi %sign3A_347, %sign3A_350 : i32
        %ne3A_352 = vector.broadcast %sign3A_351 : i32 to vector<16xi32>
        %ne3A_353 = arith.cmpi ne, %sign3A_344, %ne3A_352 : vector<16xi32>
        %rem3A_354 = vector.broadcast %jit3A_333 : i32 to vector<16xi32>
        %rem3A_355 = arith.remsi %sub3A_332, %rem3A_354 : vector<16xi32>
        %ne3A_356 = arith.constant 0 : i32
        %ne3A_357 = vector.broadcast %ne3A_356 : i32 to vector<16xi32>
        %ne3A_358 = arith.cmpi ne, %rem3A_355, %ne3A_357 : vector<16xi32>
        %and3A_359 = arith.andi %ne3A_353, %ne3A_358 : vector<16xi1>
        %sub3A_360 = arith.constant 1 : i32
        %sub3A_361 = vector.broadcast %sub3A_360 : i32 to vector<16xi32>
        %sub3A_362 = arith.subi %div3A_335, %sub3A_361 : vector<16xi32>
        %select_n3A_363 = arith.select %and3A_359, %sub3A_362, %div3A_335 : vector<16xi1>, vector<16xi32>
        %mul3A_364 = arith.constant 9 : i32
        %mul3A_365 = vector.broadcast %mul3A_364 : i32 to vector<16xi32>
        %mul3A_366 = arith.muli %select_n3A_363, %mul3A_365 : vector<16xi32>
        %sub3A_367 = arith.subi %sub3A_332, %mul3A_366 : vector<16xi32>
        %mul3A_368 = arith.constant 1152 : i32
        %mul3A_369 = vector.broadcast %mul3A_368 : i32 to vector<16xi32>
        %mul3A_370 = arith.muli %sub3A_367, %mul3A_369 : vector<16xi32>
        %mul3A_371 = arith.constant 192 : i32
        %mul3A_372 = vector.broadcast %mul3A_371 : i32 to vector<16xi32>
        %mul3A_373 = arith.muli %select_n3A_328, %mul3A_372 : vector<16xi32>
        %add3A_374 = arith.addi %mul3A_370, %mul3A_373 : vector<16xi32>
        %add3A_375 = arith.addi %add3A_374, %select_n3A_363 : vector<16xi32>
        tpu.vector_store_idx %arg9[%add3A_375], %get3A_286 masked %and3A_294 : memref<10368xf32, #tpu.memory_space<vmem>>[vector<16xi32>], vector<16xf32>, vector<16xi1>
      }
      %while3A_278 = arith.constant 1 : i32
      scf.for %while3A_279 = %while3A_276 to %while3A_272 step %while3A_278  : i32 {
        %mul3A_280 = arith.constant 16 : i32
        %mul3A_281 = arith.muli %while3A_279, %mul3A_280 : i32
        %multiple_of3A_282 = tpu.assume_multiple %mul3A_281, 16 : i32
        %get3A_283 = arith.index_cast %multiple_of3A_282 : i32 to index
        %get3A_284 = tpu.vector_load %arg6[%get3A_283] {strides = array<i32>} : memref<4096xi32, #tpu.memory_space<vmem>>, vector<16xi32>,
        %get3A_285 = arith.index_cast %multiple_of3A_282 : i32 to index
        %get3A_286 = tpu.vector_load %arg7[%get3A_285] {strides = array<i32>} : memref<4096xf32, #tpu.memory_space<vmem>>, vector<16xf32>,
        %sub3A_287 = vector.broadcast %mul3A_2 : i32 to vector<16xi32>
        %sub3A_288 = arith.subi %get3A_284, %sub3A_287 : vector<16xi32>
        %ge3A = arith.constant 0 : i32
        %ge3A_289 = vector.broadcast %ge3A : i32 to vector<16xi32>
        %ge3A_290 = arith.cmpi sge, %sub3A_288, %ge3A_289 : vector<16xi32>
        %lt3A_291 = arith.constant 10368 : i32
        %lt3A_292 = vector.broadcast %lt3A_291 : i32 to vector<16xi32>
        %lt3A_293 = arith.cmpi slt, %sub3A_288, %lt3A_292 : vector<16xi32>
        %and3A_294 = arith.andi %ge3A_290, %lt3A_293 : vector<16xi1>
        %jit3A_295 = arith.constant 0 : i32
        %broadcast_in_dim3A_296 = vector.broadcast %jit3A_295 : i32 to vector<16xi32>
        %select_n3A_297 = arith.select %and3A_294, %sub3A_288, %broadcast_in_dim3A_296 : vector<16xi1>, vector<16xi32>
        %jit3A_298 = arith.constant 1728 : i32
        %div3A_299 = vector.broadcast %jit3A_298 : i32 to vector<16xi32>
        %div3A_300 = arith.divsi %select_n3A_297, %div3A_299 : vector<16xi32>
        %sign3A_301 = arith.constant 0 : i32
        %sign3A_302 = vector.broadcast %sign3A_301 : i32 to vector<16xi32>
        %sign3A_303 = arith.cmpi sgt, %select_n3A_297, %sign3A_302 : vector<16xi32>
        %sign3A_304 = arith.extui %sign3A_303 : vector<16xi1> to vector<16xi32>
        %sign3A_305 = arith.constant 0 : i32
        %sign3A_306 = vector.broadcast %sign3A_305 : i32 to vector<16xi32>
        %sign3A_307 = arith.cmpi slt, %select_n3A_297, %sign3A_306 : vector<16xi32>
        %sign3A_308 = arith.extui %sign3A_307 : vector<16xi1> to vector<16xi32>
        %sign3A_309 = arith.subi %sign3A_304, %sign3A_308 : vector<16xi32>
        %sign3A_310 = arith.constant 0 : i32
        %sign3A_311 = arith.cmpi sgt, %jit3A_298, %sign3A_310 : i32
        %sign3A_312 = arith.extui %sign3A_311 : i1 to i32
        %sign3A_313 = arith.constant 0 : i32
        %sign3A_314 = arith.cmpi slt, %jit3A_298, %sign3A_313 : i32
        %sign3A_315 = arith.extui %sign3A_314 : i1 to i32
        %sign3A_316 = arith.subi %sign3A_312, %sign3A_315 : i32
        %ne3A_317 = vector.broadcast %sign3A_316 : i32 to vector<16xi32>
        %ne3A_318 = arith.cmpi ne, %sign3A_309, %ne3A_317 : vector<16xi32>
        %rem3A_319 = vector.broadcast %jit3A_298 : i32 to vector<16xi32>
        %rem3A_320 = arith.remsi %select_n3A_297, %rem3A_319 : vector<16xi32>
        %ne3A_321 = arith.constant 0 : i32
        %ne3A_322 = vector.broadcast %ne3A_321 : i32 to vector<16xi32>
        %ne3A_323 = arith.cmpi ne, %rem3A_320, %ne3A_322 : vector<16xi32>
        %and3A_324 = arith.andi %ne3A_318, %ne3A_323 : vector<16xi1>
        %sub3A_325 = arith.constant 1 : i32
        %sub3A_326 = vector.broadcast %sub3A_325 : i32 to vector<16xi32>
        %sub3A_327 = arith.subi %div3A_300, %sub3A_326 : vector<16xi32>
        %select_n3A_328 = arith.select %and3A_324, %sub3A_327, %div3A_300 : vector<16xi1>, vector<16xi32>
        %mul3A_329 = arith.constant 1728 : i32
        %mul3A_330 = vector.broadcast %mul3A_329 : i32 to vector<16xi32>
        %mul3A_331 = arith.muli %select_n3A_328, %mul3A_330 : vector<16xi32>
        %sub3A_332 = arith.subi %select_n3A_297, %mul3A_331 : vector<16xi32>
        %jit3A_333 = arith.constant 9 : i32
        %div3A_334 = vector.broadcast %jit3A_333 : i32 to vector<16xi32>
        %div3A_335 = arith.divsi %sub3A_332, %div3A_334 : vector<16xi32>
        %sign3A_336 = arith.constant 0 : i32
        %sign3A_337 = vector.broadcast %sign3A_336 : i32 to vector<16xi32>
        %sign3A_338 = arith.cmpi sgt, %sub3A_332, %sign3A_337 : vector<16xi32>
        %sign3A_339 = arith.extui %sign3A_338 : vector<16xi1> to vector<16xi32>
        %sign3A_340 = arith.constant 0 : i32
        %sign3A_341 = vector.broadcast %sign3A_340 : i32 to vector<16xi32>
        %sign3A_342 = arith.cmpi slt, %sub3A_332, %sign3A_341 : vector<16xi32>
        %sign3A_343 = arith.extui %sign3A_342 : vector<16xi1> to vector<16xi32>
        %sign3A_344 = arith.subi %sign3A_339, %sign3A_343 : vector<16xi32>
        %sign3A_345 = arith.constant 0 : i32
        %sign3A_346 = arith.cmpi sgt, %jit3A_333, %sign3A_345 : i32
        %sign3A_347 = arith.extui %sign3A_346 : i1 to i32
        %sign3A_348 = arith.constant 0 : i32
        %sign3A_349 = arith.cmpi slt, %jit3A_333, %sign3A_348 : i32
        %sign3A_350 = arith.extui %sign3A_349 : i1 to i32
        %sign3A_351 = arith.subi %sign3A_347, %sign3A_350 : i32
        %ne3A_352 = vector.broadcast %sign3A_351 : i32 to vector<16xi32>
        %ne3A_353 = arith.cmpi ne, %sign3A_344, %ne3A_352 : vector<16xi32>
        %rem3A_354 = vector.broadcast %jit3A_333 : i32 to vector<16xi32>
        %rem3A_355 = arith.remsi %sub3A_332, %rem3A_354 : vector<16xi32>
        %ne3A_356 = arith.constant 0 : i32
        %ne3A_357 = vector.broadcast %ne3A_356 : i32 to vector<16xi32>
        %ne3A_358 = arith.cmpi ne, %rem3A_355, %ne3A_357 : vector<16xi32>
        %and3A_359 = arith.andi %ne3A_353, %ne3A_358 : vector<16xi1>
        %sub3A_360 = arith.constant 1 : i32
        %sub3A_361 = vector.broadcast %sub3A_360 : i32 to vector<16xi32>
        %sub3A_362 = arith.subi %div3A_335, %sub3A_361 : vector<16xi32>
        %select_n3A_363 = arith.select %and3A_359, %sub3A_362, %div3A_335 : vector<16xi1>, vector<16xi32>
        %mul3A_364 = arith.constant 9 : i32
        %mul3A_365 = vector.broadcast %mul3A_364 : i32 to vector<16xi32>
        %mul3A_366 = arith.muli %select_n3A_363, %mul3A_365 : vector<16xi32>
        %sub3A_367 = arith.subi %sub3A_332, %mul3A_366 : vector<16xi32>
        %mul3A_368 = arith.constant 1152 : i32
        %mul3A_369 = vector.broadcast %mul3A_368 : i32 to vector<16xi32>
        %mul3A_370 = arith.muli %sub3A_367, %mul3A_369 : vector<16xi32>
        %mul3A_371 = arith.constant 192 : i32
        %mul3A_372 = vector.broadcast %mul3A_371 : i32 to vector<16xi32>
        %mul3A_373 = arith.muli %select_n3A_328, %mul3A_372 : vector<16xi32>
        %add3A_374 = arith.addi %mul3A_370, %mul3A_373 : vector<16xi32>
        %add3A_375 = arith.addi %add3A_374, %select_n3A_363 : vector<16xi32>
        tpu.vector_store_idx %arg9[%add3A_375], %get3A_286 masked %and3A_294 : memref<10368xf32, #tpu.memory_space<vmem>>[vector<16xi32>], vector<16xf32>, vector<16xi1>
      }
    }
    %while3A_167 = arith.constant 1 : i32
    scf.for %while3A_204 = %while3A_165 to %while3A_161 step %while3A_167  : i32 {
      %mul3A_205 = arith.constant 4096 : i32
      %mul3A_206 = arith.muli %while3A_204, %mul3A_205 : i32
      %add3A_207 = arith.addi %mul3A_129, %mul3A_206 : i32
      %min3A = arith.constant 29088 : i32
      %min3A_208 = arith.minsi %add3A_207, %min3A : i32
      %dma_start3A = tpu.memref_slice %arg2[%min3A_208] : memref<33184xi32, #tpu.memory_space<hbm>> -> memref<4096xi32, #tpu.memory_space<hbm>>
      %dma_start3A_209 = tpu.memref_slice %arg2[%min3A_208] : memref<33184xi32, #tpu.memory_space<hbm>> -> memref<4096xi32, #tpu.memory_space<hbm>>
      tpu.enqueue_dma source(%dma_start3A_209 : memref<4096xi32, #tpu.memory_space<hbm>>) target(%arg6 : memref<4096xi32, #tpu.memory_space<vmem>>) target_semaphore(%arg10 : memref<!tpu.dma_semaphore, #tpu.memory_space<semaphore_mem>>)
      %dma_start3A_210 = tpu.memref_slice %arg3[%min3A_208] : memref<33184xf32, #tpu.memory_space<hbm>> -> memref<4096xf32, #tpu.memory_space<hbm>>
      %dma_start3A_211 = tpu.memref_slice %arg3[%min3A_208] : memref<33184xf32, #tpu.memory_space<hbm>> -> memref<4096xf32, #tpu.memory_space<hbm>>
      tpu.enqueue_dma source(%dma_start3A_211 : memref<4096xf32, #tpu.memory_space<hbm>>) target(%arg7 : memref<4096xf32, #tpu.memory_space<vmem>>) target_semaphore(%arg10 : memref<!tpu.dma_semaphore, #tpu.memory_space<semaphore_mem>>)
      %dma_wait3A = tpu.memref_slice %arg2[%min3A_208] : memref<33184xi32, #tpu.memory_space<hbm>> -> memref<4096xi32, #tpu.memory_space<hbm>>
      %dma_wait3A_212 = tpu.memref_slice %arg2[%min3A_208] : memref<33184xi32, #tpu.memory_space<hbm>> -> memref<4096xi32, #tpu.memory_space<hbm>>
      tpu.wait_dma2 semaphore(%arg10 : memref<!tpu.dma_semaphore, #tpu.memory_space<semaphore_mem>>) src(%dma_wait3A_212 : memref<4096xi32, #tpu.memory_space<hbm>>) dst(%arg6 : memref<4096xi32, #tpu.memory_space<vmem>>)
      %dma_wait3A_213 = tpu.memref_slice %arg3[%min3A_208] : memref<33184xf32, #tpu.memory_space<hbm>> -> memref<4096xf32, #tpu.memory_space<hbm>>
      %dma_wait3A_214 = tpu.memref_slice %arg3[%min3A_208] : memref<33184xf32, #tpu.memory_space<hbm>> -> memref<4096xf32, #tpu.memory_space<hbm>>
      tpu.wait_dma2 semaphore(%arg10 : memref<!tpu.dma_semaphore, #tpu.memory_space<semaphore_mem>>) src(%dma_wait3A_214 : memref<4096xf32, #tpu.memory_space<hbm>>) dst(%arg7 : memref<4096xf32, #tpu.memory_space<vmem>>)
      %sub3A_215 = arith.subi %reduce_sum3A_47, %min3A_208 : i32
      %max3A = arith.constant 0 : i32
      %max3A_216 = arith.maxsi %sub3A_215, %max3A : i32
      %jit3A_217 = arith.constant 16 : i32
      %div3A_218 = arith.divsi %max3A_216, %jit3A_217 : i32
      %sign3A_219 = arith.constant 0 : i32
      %sign3A_220 = arith.cmpi sgt, %max3A_216, %sign3A_219 : i32
      %sign3A_221 = arith.extui %sign3A_220 : i1 to i32
      %sign3A_222 = arith.constant 0 : i32
      %sign3A_223 = arith.cmpi slt, %max3A_216, %sign3A_222 : i32
      %sign3A_224 = arith.extui %sign3A_223 : i1 to i32
      %sign3A_225 = arith.subi %sign3A_221, %sign3A_224 : i32
      %sign3A_226 = arith.constant 0 : i32
      %sign3A_227 = arith.cmpi sgt, %jit3A_217, %sign3A_226 : i32
      %sign3A_228 = arith.extui %sign3A_227 : i1 to i32
      %sign3A_229 = arith.constant 0 : i32
      %sign3A_230 = arith.cmpi slt, %jit3A_217, %sign3A_229 : i32
      %sign3A_231 = arith.extui %sign3A_230 : i1 to i32
      %sign3A_232 = arith.subi %sign3A_228, %sign3A_231 : i32
      %ne3A_233 = arith.cmpi ne, %sign3A_225, %sign3A_232 : i32
      %rem3A_234 = arith.remsi %max3A_216, %jit3A_217 : i32
      %ne3A_235 = arith.constant 0 : i32
      %ne3A_236 = arith.cmpi ne, %rem3A_234, %ne3A_235 : i32
      %and3A_237 = arith.andi %ne3A_233, %ne3A_236 : i1
      %sub3A_238 = arith.constant 1 : i32
      %sub3A_239 = arith.subi %div3A_218, %sub3A_238 : i32
      %select_n3A_240 = arith.select %and3A_237, %sub3A_239, %div3A_218 : i32
      %sub3A_241 = arith.subi %reduce_sum3A_103, %min3A_208 : i32
      %add3A_242 = arith.constant 15 : i32
      %add3A_243 = arith.addi %sub3A_241, %add3A_242 : i32
      %jit3A_244 = arith.constant 16 : i32
      %div3A_245 = arith.divsi %add3A_243, %jit3A_244 : i32
      %sign3A_246 = arith.constant 0 : i32
      %sign3A_247 = arith.cmpi sgt, %add3A_243, %sign3A_246 : i32
      %sign3A_248 = arith.extui %sign3A_247 : i1 to i32
      %sign3A_249 = arith.constant 0 : i32
      %sign3A_250 = arith.cmpi slt, %add3A_243, %sign3A_249 : i32
      %sign3A_251 = arith.extui %sign3A_250 : i1 to i32
      %sign3A_252 = arith.subi %sign3A_248, %sign3A_251 : i32
      %sign3A_253 = arith.constant 0 : i32
      %sign3A_254 = arith.cmpi sgt, %jit3A_244, %sign3A_253 : i32
      %sign3A_255 = arith.extui %sign3A_254 : i1 to i32
      %sign3A_256 = arith.constant 0 : i32
      %sign3A_257 = arith.cmpi slt, %jit3A_244, %sign3A_256 : i32
      %sign3A_258 = arith.extui %sign3A_257 : i1 to i32
      %sign3A_259 = arith.subi %sign3A_255, %sign3A_258 : i32
      %ne3A_260 = arith.cmpi ne, %sign3A_252, %sign3A_259 : i32
      %rem3A_261 = arith.remsi %add3A_243, %jit3A_244 : i32
      %ne3A_262 = arith.constant 0 : i32
      %ne3A_263 = arith.cmpi ne, %rem3A_261, %ne3A_262 : i32
      %and3A_264 = arith.andi %ne3A_260, %ne3A_263 : i1
      %sub3A_265 = arith.constant 1 : i32
      %sub3A_266 = arith.subi %div3A_245, %sub3A_265 : i32
      %select_n3A_267 = arith.select %and3A_264, %sub3A_266, %div3A_245 : i32
      %min3A_268 = arith.constant 256 : i32
      %min3A_269 = arith.minsi %select_n3A_267, %min3A_268 : i32
      %while3A_270 = arith.constant 0 : i32
      %while3A_271 = arith.subi %min3A_269, %select_n3A_240 : i32
      %while3A_272 = arith.addi %select_n3A_240, %while3A_271 : i32
      %while3A_273 = arith.constant 1 : i32
      %while3A_274 = arith.divsi %while3A_271, %while3A_273 : i32
      %while3A_275 = arith.muli %while3A_274, %while3A_273 : i32
      %while3A_276 = arith.addi %select_n3A_240, %while3A_275 : i32
      %while3A_277 = arith.constant 1 : i32
      scf.for %while3A_279 = %select_n3A_240 to %while3A_276 step %while3A_277  : i32 {
        %mul3A_280 = arith.constant 16 : i32
        %mul3A_281 = arith.muli %while3A_279, %mul3A_280 : i32
        %multiple_of3A_282 = tpu.assume_multiple %mul3A_281, 16 : i32
        %get3A_283 = arith.index_cast %multiple_of3A_282 : i32 to index
        %get3A_284 = tpu.vector_load %arg6[%get3A_283] {strides = array<i32>} : memref<4096xi32, #tpu.memory_space<vmem>>, vector<16xi32>,
        %get3A_285 = arith.index_cast %multiple_of3A_282 : i32 to index
        %get3A_286 = tpu.vector_load %arg7[%get3A_285] {strides = array<i32>} : memref<4096xf32, #tpu.memory_space<vmem>>, vector<16xf32>,
        %sub3A_287 = vector.broadcast %mul3A_2 : i32 to vector<16xi32>
        %sub3A_288 = arith.subi %get3A_284, %sub3A_287 : vector<16xi32>
        %ge3A = arith.constant 0 : i32
        %ge3A_289 = vector.broadcast %ge3A : i32 to vector<16xi32>
        %ge3A_290 = arith.cmpi sge, %sub3A_288, %ge3A_289 : vector<16xi32>
        %lt3A_291 = arith.constant 10368 : i32
        %lt3A_292 = vector.broadcast %lt3A_291 : i32 to vector<16xi32>
        %lt3A_293 = arith.cmpi slt, %sub3A_288, %lt3A_292 : vector<16xi32>
        %and3A_294 = arith.andi %ge3A_290, %lt3A_293 : vector<16xi1>
        %jit3A_295 = arith.constant 0 : i32
        %broadcast_in_dim3A_296 = vector.broadcast %jit3A_295 : i32 to vector<16xi32>
        %select_n3A_297 = arith.select %and3A_294, %sub3A_288, %broadcast_in_dim3A_296 : vector<16xi1>, vector<16xi32>
        %jit3A_298 = arith.constant 1728 : i32
        %div3A_299 = vector.broadcast %jit3A_298 : i32 to vector<16xi32>
        %div3A_300 = arith.divsi %select_n3A_297, %div3A_299 : vector<16xi32>
        %sign3A_301 = arith.constant 0 : i32
        %sign3A_302 = vector.broadcast %sign3A_301 : i32 to vector<16xi32>
        %sign3A_303 = arith.cmpi sgt, %select_n3A_297, %sign3A_302 : vector<16xi32>
        %sign3A_304 = arith.extui %sign3A_303 : vector<16xi1> to vector<16xi32>
        %sign3A_305 = arith.constant 0 : i32
        %sign3A_306 = vector.broadcast %sign3A_305 : i32 to vector<16xi32>
        %sign3A_307 = arith.cmpi slt, %select_n3A_297, %sign3A_306 : vector<16xi32>
        %sign3A_308 = arith.extui %sign3A_307 : vector<16xi1> to vector<16xi32>
        %sign3A_309 = arith.subi %sign3A_304, %sign3A_308 : vector<16xi32>
        %sign3A_310 = arith.constant 0 : i32
        %sign3A_311 = arith.cmpi sgt, %jit3A_298, %sign3A_310 : i32
        %sign3A_312 = arith.extui %sign3A_311 : i1 to i32
        %sign3A_313 = arith.constant 0 : i32
        %sign3A_314 = arith.cmpi slt, %jit3A_298, %sign3A_313 : i32
        %sign3A_315 = arith.extui %sign3A_314 : i1 to i32
        %sign3A_316 = arith.subi %sign3A_312, %sign3A_315 : i32
        %ne3A_317 = vector.broadcast %sign3A_316 : i32 to vector<16xi32>
        %ne3A_318 = arith.cmpi ne, %sign3A_309, %ne3A_317 : vector<16xi32>
        %rem3A_319 = vector.broadcast %jit3A_298 : i32 to vector<16xi32>
        %rem3A_320 = arith.remsi %select_n3A_297, %rem3A_319 : vector<16xi32>
        %ne3A_321 = arith.constant 0 : i32
        %ne3A_322 = vector.broadcast %ne3A_321 : i32 to vector<16xi32>
        %ne3A_323 = arith.cmpi ne, %rem3A_320, %ne3A_322 : vector<16xi32>
        %and3A_324 = arith.andi %ne3A_318, %ne3A_323 : vector<16xi1>
        %sub3A_325 = arith.constant 1 : i32
        %sub3A_326 = vector.broadcast %sub3A_325 : i32 to vector<16xi32>
        %sub3A_327 = arith.subi %div3A_300, %sub3A_326 : vector<16xi32>
        %select_n3A_328 = arith.select %and3A_324, %sub3A_327, %div3A_300 : vector<16xi1>, vector<16xi32>
        %mul3A_329 = arith.constant 1728 : i32
        %mul3A_330 = vector.broadcast %mul3A_329 : i32 to vector<16xi32>
        %mul3A_331 = arith.muli %select_n3A_328, %mul3A_330 : vector<16xi32>
        %sub3A_332 = arith.subi %select_n3A_297, %mul3A_331 : vector<16xi32>
        %jit3A_333 = arith.constant 9 : i32
        %div3A_334 = vector.broadcast %jit3A_333 : i32 to vector<16xi32>
        %div3A_335 = arith.divsi %sub3A_332, %div3A_334 : vector<16xi32>
        %sign3A_336 = arith.constant 0 : i32
        %sign3A_337 = vector.broadcast %sign3A_336 : i32 to vector<16xi32>
        %sign3A_338 = arith.cmpi sgt, %sub3A_332, %sign3A_337 : vector<16xi32>
        %sign3A_339 = arith.extui %sign3A_338 : vector<16xi1> to vector<16xi32>
        %sign3A_340 = arith.constant 0 : i32
        %sign3A_341 = vector.broadcast %sign3A_340 : i32 to vector<16xi32>
        %sign3A_342 = arith.cmpi slt, %sub3A_332, %sign3A_341 : vector<16xi32>
        %sign3A_343 = arith.extui %sign3A_342 : vector<16xi1> to vector<16xi32>
        %sign3A_344 = arith.subi %sign3A_339, %sign3A_343 : vector<16xi32>
        %sign3A_345 = arith.constant 0 : i32
        %sign3A_346 = arith.cmpi sgt, %jit3A_333, %sign3A_345 : i32
        %sign3A_347 = arith.extui %sign3A_346 : i1 to i32
        %sign3A_348 = arith.constant 0 : i32
        %sign3A_349 = arith.cmpi slt, %jit3A_333, %sign3A_348 : i32
        %sign3A_350 = arith.extui %sign3A_349 : i1 to i32
        %sign3A_351 = arith.subi %sign3A_347, %sign3A_350 : i32
        %ne3A_352 = vector.broadcast %sign3A_351 : i32 to vector<16xi32>
        %ne3A_353 = arith.cmpi ne, %sign3A_344, %ne3A_352 : vector<16xi32>
        %rem3A_354 = vector.broadcast %jit3A_333 : i32 to vector<16xi32>
        %rem3A_355 = arith.remsi %sub3A_332, %rem3A_354 : vector<16xi32>
        %ne3A_356 = arith.constant 0 : i32
        %ne3A_357 = vector.broadcast %ne3A_356 : i32 to vector<16xi32>
        %ne3A_358 = arith.cmpi ne, %rem3A_355, %ne3A_357 : vector<16xi32>
        %and3A_359 = arith.andi %ne3A_353, %ne3A_358 : vector<16xi1>
        %sub3A_360 = arith.constant 1 : i32
        %sub3A_361 = vector.broadcast %sub3A_360 : i32 to vector<16xi32>
        %sub3A_362 = arith.subi %div3A_335, %sub3A_361 : vector<16xi32>
        %select_n3A_363 = arith.select %and3A_359, %sub3A_362, %div3A_335 : vector<16xi1>, vector<16xi32>
        %mul3A_364 = arith.constant 9 : i32
        %mul3A_365 = vector.broadcast %mul3A_364 : i32 to vector<16xi32>
        %mul3A_366 = arith.muli %select_n3A_363, %mul3A_365 : vector<16xi32>
        %sub3A_367 = arith.subi %sub3A_332, %mul3A_366 : vector<16xi32>
        %mul3A_368 = arith.constant 1152 : i32
        %mul3A_369 = vector.broadcast %mul3A_368 : i32 to vector<16xi32>
        %mul3A_370 = arith.muli %sub3A_367, %mul3A_369 : vector<16xi32>
        %mul3A_371 = arith.constant 192 : i32
        %mul3A_372 = vector.broadcast %mul3A_371 : i32 to vector<16xi32>
        %mul3A_373 = arith.muli %select_n3A_328, %mul3A_372 : vector<16xi32>
        %add3A_374 = arith.addi %mul3A_370, %mul3A_373 : vector<16xi32>
        %add3A_375 = arith.addi %add3A_374, %select_n3A_363 : vector<16xi32>
        tpu.vector_store_idx %arg9[%add3A_375], %get3A_286 masked %and3A_294 : memref<10368xf32, #tpu.memory_space<vmem>>[vector<16xi32>], vector<16xf32>, vector<16xi1>
      }
      %while3A_278 = arith.constant 1 : i32
      scf.for %while3A_279 = %while3A_276 to %while3A_272 step %while3A_278  : i32 {
        %mul3A_280 = arith.constant 16 : i32
        %mul3A_281 = arith.muli %while3A_279, %mul3A_280 : i32
        %multiple_of3A_282 = tpu.assume_multiple %mul3A_281, 16 : i32
        %get3A_283 = arith.index_cast %multiple_of3A_282 : i32 to index
        %get3A_284 = tpu.vector_load %arg6[%get3A_283] {strides = array<i32>} : memref<4096xi32, #tpu.memory_space<vmem>>, vector<16xi32>,
        %get3A_285 = arith.index_cast %multiple_of3A_282 : i32 to index
        %get3A_286 = tpu.vector_load %arg7[%get3A_285] {strides = array<i32>} : memref<4096xf32, #tpu.memory_space<vmem>>, vector<16xf32>,
        %sub3A_287 = vector.broadcast %mul3A_2 : i32 to vector<16xi32>
        %sub3A_288 = arith.subi %get3A_284, %sub3A_287 : vector<16xi32>
        %ge3A = arith.constant 0 : i32
        %ge3A_289 = vector.broadcast %ge3A : i32 to vector<16xi32>
        %ge3A_290 = arith.cmpi sge, %sub3A_288, %ge3A_289 : vector<16xi32>
        %lt3A_291 = arith.constant 10368 : i32
        %lt3A_292 = vector.broadcast %lt3A_291 : i32 to vector<16xi32>
        %lt3A_293 = arith.cmpi slt, %sub3A_288, %lt3A_292 : vector<16xi32>
        %and3A_294 = arith.andi %ge3A_290, %lt3A_293 : vector<16xi1>
        %jit3A_295 = arith.constant 0 : i32
        %broadcast_in_dim3A_296 = vector.broadcast %jit3A_295 : i32 to vector<16xi32>
        %select_n3A_297 = arith.select %and3A_294, %sub3A_288, %broadcast_in_dim3A_296 : vector<16xi1>, vector<16xi32>
        %jit3A_298 = arith.constant 1728 : i32
        %div3A_299 = vector.broadcast %jit3A_298 : i32 to vector<16xi32>
        %div3A_300 = arith.divsi %select_n3A_297, %div3A_299 : vector<16xi32>
        %sign3A_301 = arith.constant 0 : i32
        %sign3A_302 = vector.broadcast %sign3A_301 : i32 to vector<16xi32>
        %sign3A_303 = arith.cmpi sgt, %select_n3A_297, %sign3A_302 : vector<16xi32>
        %sign3A_304 = arith.extui %sign3A_303 : vector<16xi1> to vector<16xi32>
        %sign3A_305 = arith.constant 0 : i32
        %sign3A_306 = vector.broadcast %sign3A_305 : i32 to vector<16xi32>
        %sign3A_307 = arith.cmpi slt, %select_n3A_297, %sign3A_306 : vector<16xi32>
        %sign3A_308 = arith.extui %sign3A_307 : vector<16xi1> to vector<16xi32>
        %sign3A_309 = arith.subi %sign3A_304, %sign3A_308 : vector<16xi32>
        %sign3A_310 = arith.constant 0 : i32
        %sign3A_311 = arith.cmpi sgt, %jit3A_298, %sign3A_310 : i32
        %sign3A_312 = arith.extui %sign3A_311 : i1 to i32
        %sign3A_313 = arith.constant 0 : i32
        %sign3A_314 = arith.cmpi slt, %jit3A_298, %sign3A_313 : i32
        %sign3A_315 = arith.extui %sign3A_314 : i1 to i32
        %sign3A_316 = arith.subi %sign3A_312, %sign3A_315 : i32
        %ne3A_317 = vector.broadcast %sign3A_316 : i32 to vector<16xi32>
        %ne3A_318 = arith.cmpi ne, %sign3A_309, %ne3A_317 : vector<16xi32>
        %rem3A_319 = vector.broadcast %jit3A_298 : i32 to vector<16xi32>
        %rem3A_320 = arith.remsi %select_n3A_297, %rem3A_319 : vector<16xi32>
        %ne3A_321 = arith.constant 0 : i32
        %ne3A_322 = vector.broadcast %ne3A_321 : i32 to vector<16xi32>
        %ne3A_323 = arith.cmpi ne, %rem3A_320, %ne3A_322 : vector<16xi32>
        %and3A_324 = arith.andi %ne3A_318, %ne3A_323 : vector<16xi1>
        %sub3A_325 = arith.constant 1 : i32
        %sub3A_326 = vector.broadcast %sub3A_325 : i32 to vector<16xi32>
        %sub3A_327 = arith.subi %div3A_300, %sub3A_326 : vector<16xi32>
        %select_n3A_328 = arith.select %and3A_324, %sub3A_327, %div3A_300 : vector<16xi1>, vector<16xi32>
        %mul3A_329 = arith.constant 1728 : i32
        %mul3A_330 = vector.broadcast %mul3A_329 : i32 to vector<16xi32>
        %mul3A_331 = arith.muli %select_n3A_328, %mul3A_330 : vector<16xi32>
        %sub3A_332 = arith.subi %select_n3A_297, %mul3A_331 : vector<16xi32>
        %jit3A_333 = arith.constant 9 : i32
        %div3A_334 = vector.broadcast %jit3A_333 : i32 to vector<16xi32>
        %div3A_335 = arith.divsi %sub3A_332, %div3A_334 : vector<16xi32>
        %sign3A_336 = arith.constant 0 : i32
        %sign3A_337 = vector.broadcast %sign3A_336 : i32 to vector<16xi32>
        %sign3A_338 = arith.cmpi sgt, %sub3A_332, %sign3A_337 : vector<16xi32>
        %sign3A_339 = arith.extui %sign3A_338 : vector<16xi1> to vector<16xi32>
        %sign3A_340 = arith.constant 0 : i32
        %sign3A_341 = vector.broadcast %sign3A_340 : i32 to vector<16xi32>
        %sign3A_342 = arith.cmpi slt, %sub3A_332, %sign3A_341 : vector<16xi32>
        %sign3A_343 = arith.extui %sign3A_342 : vector<16xi1> to vector<16xi32>
        %sign3A_344 = arith.subi %sign3A_339, %sign3A_343 : vector<16xi32>
        %sign3A_345 = arith.constant 0 : i32
        %sign3A_346 = arith.cmpi sgt, %jit3A_333, %sign3A_345 : i32
        %sign3A_347 = arith.extui %sign3A_346 : i1 to i32
        %sign3A_348 = arith.constant 0 : i32
        %sign3A_349 = arith.cmpi slt, %jit3A_333, %sign3A_348 : i32
        %sign3A_350 = arith.extui %sign3A_349 : i1 to i32
        %sign3A_351 = arith.subi %sign3A_347, %sign3A_350 : i32
        %ne3A_352 = vector.broadcast %sign3A_351 : i32 to vector<16xi32>
        %ne3A_353 = arith.cmpi ne, %sign3A_344, %ne3A_352 : vector<16xi32>
        %rem3A_354 = vector.broadcast %jit3A_333 : i32 to vector<16xi32>
        %rem3A_355 = arith.remsi %sub3A_332, %rem3A_354 : vector<16xi32>
        %ne3A_356 = arith.constant 0 : i32
        %ne3A_357 = vector.broadcast %ne3A_356 : i32 to vector<16xi32>
        %ne3A_358 = arith.cmpi ne, %rem3A_355, %ne3A_357 : vector<16xi32>
        %and3A_359 = arith.andi %ne3A_353, %ne3A_358 : vector<16xi1>
        %sub3A_360 = arith.constant 1 : i32
        %sub3A_361 = vector.broadcast %sub3A_360 : i32 to vector<16xi32>
        %sub3A_362 = arith.subi %div3A_335, %sub3A_361 : vector<16xi32>
        %select_n3A_363 = arith.select %and3A_359, %sub3A_362, %div3A_335 : vector<16xi1>, vector<16xi32>
        %mul3A_364 = arith.constant 9 : i32
        %mul3A_365 = vector.broadcast %mul3A_364 : i32 to vector<16xi32>
        %mul3A_366 = arith.muli %select_n3A_363, %mul3A_365 : vector<16xi32>
        %sub3A_367 = arith.subi %sub3A_332, %mul3A_366 : vector<16xi32>
        %mul3A_368 = arith.constant 1152 : i32
        %mul3A_369 = vector.broadcast %mul3A_368 : i32 to vector<16xi32>
        %mul3A_370 = arith.muli %sub3A_367, %mul3A_369 : vector<16xi32>
        %mul3A_371 = arith.constant 192 : i32
        %mul3A_372 = vector.broadcast %mul3A_371 : i32 to vector<16xi32>
        %mul3A_373 = arith.muli %select_n3A_328, %mul3A_372 : vector<16xi32>
        %add3A_374 = arith.addi %mul3A_370, %mul3A_373 : vector<16xi32>
        %add3A_375 = arith.addi %add3A_374, %select_n3A_363 : vector<16xi32>
        tpu.vector_store_idx %arg9[%add3A_375], %get3A_286 masked %and3A_294 : memref<10368xf32, #tpu.memory_space<vmem>>[vector<16xi32>], vector<16xf32>, vector<16xi1>
      }
    }
    %mul3A_168 = arith.constant 1152 : i32
    %mul3A_169 = arith.muli %add3A, %mul3A_168 : i32
    %add3A_170 = arith.constant 0 : i32
    %add3A_171 = arith.addi %add3A_170, %mul3A_169 : i32
    "tpu.region"() ({
      %run_scoped3A = tpu.sem_alloc : memref<!tpu.dma_semaphore, #tpu.memory_space<semaphore_mem>>
      %dma_start3A = arith.constant 0 : i32
      %dma_start3A_204 = tpu.memref_slice %arg9[%dma_start3A] : memref<10368xf32, #tpu.memory_space<vmem>> -> memref<1152xf32, #tpu.memory_space<vmem>>
      %dma_start3A_205 = tpu.memref_slice %arg5[%add3A_171] : memref<331776xf32, #tpu.memory_space<hbm>> -> memref<1152xf32, #tpu.memory_space<hbm>>
      %dma_start3A_206 = tpu.memref_slice %arg5[%add3A_171] : memref<331776xf32, #tpu.memory_space<hbm>> -> memref<1152xf32, #tpu.memory_space<hbm>>
      %dma_start3A_207 = arith.constant 0 : i32
      %dma_start3A_208 = tpu.memref_slice %arg9[%dma_start3A_207] : memref<10368xf32, #tpu.memory_space<vmem>> -> memref<1152xf32, #tpu.memory_space<vmem>>
      tpu.enqueue_dma source(%dma_start3A_208 : memref<1152xf32, #tpu.memory_space<vmem>>) target(%dma_start3A_206 : memref<1152xf32, #tpu.memory_space<hbm>>) target_semaphore(%run_scoped3A : memref<!tpu.dma_semaphore, #tpu.memory_space<semaphore_mem>>)
      %dma_wait3A = arith.constant 0 : i32
      %dma_wait3A_209 = tpu.memref_slice %arg9[%dma_wait3A] : memref<10368xf32, #tpu.memory_space<vmem>> -> memref<1152xf32, #tpu.memory_space<vmem>>
      %dma_wait3A_210 = tpu.memref_slice %arg5[%add3A_171] : memref<331776xf32, #tpu.memory_space<hbm>> -> memref<1152xf32, #tpu.memory_space<hbm>>
      %dma_wait3A_211 = tpu.memref_slice %arg5[%add3A_171] : memref<331776xf32, #tpu.memory_space<hbm>> -> memref<1152xf32, #tpu.memory_space<hbm>>
      %dma_wait3A_212 = arith.constant 0 : i32
      %dma_wait3A_213 = tpu.memref_slice %arg9[%dma_wait3A_212] : memref<10368xf32, #tpu.memory_space<vmem>> -> memref<1152xf32, #tpu.memory_space<vmem>>
      tpu.wait_dma2 semaphore(%run_scoped3A : memref<!tpu.dma_semaphore, #tpu.memory_space<semaphore_mem>>) src(%dma_wait3A_213 : memref<1152xf32, #tpu.memory_space<vmem>>) dst(%dma_wait3A_211 : memref<1152xf32, #tpu.memory_space<hbm>>)
      tpu.yield
    }) : () -> ()
    %mul3A_172 = arith.constant 1152 : i32
    %mul3A_173 = arith.muli %add3A, %mul3A_172 : i32
    %add3A_174 = arith.constant 36864 : i32
    %add3A_175 = arith.addi %add3A_174, %mul3A_173 : i32
    "tpu.region"() ({
      %run_scoped3A = tpu.sem_alloc : memref<!tpu.dma_semaphore, #tpu.memory_space<semaphore_mem>>
      %dma_start3A = arith.constant 1152 : i32
      %dma_start3A_204 = tpu.memref_slice %arg9[%dma_start3A] : memref<10368xf32, #tpu.memory_space<vmem>> -> memref<1152xf32, #tpu.memory_space<vmem>>
      %dma_start3A_205 = tpu.memref_slice %arg5[%add3A_175] : memref<331776xf32, #tpu.memory_space<hbm>> -> memref<1152xf32, #tpu.memory_space<hbm>>
      %dma_start3A_206 = tpu.memref_slice %arg5[%add3A_175] : memref<331776xf32, #tpu.memory_space<hbm>> -> memref<1152xf32, #tpu.memory_space<hbm>>
      %dma_start3A_207 = arith.constant 1152 : i32
      %dma_start3A_208 = tpu.memref_slice %arg9[%dma_start3A_207] : memref<10368xf32, #tpu.memory_space<vmem>> -> memref<1152xf32, #tpu.memory_space<vmem>>
      tpu.enqueue_dma source(%dma_start3A_208 : memref<1152xf32, #tpu.memory_space<vmem>>) target(%dma_start3A_206 : memref<1152xf32, #tpu.memory_space<hbm>>) target_semaphore(%run_scoped3A : memref<!tpu.dma_semaphore, #tpu.memory_space<semaphore_mem>>)
      %dma_wait3A = arith.constant 1152 : i32
      %dma_wait3A_209 = tpu.memref_slice %arg9[%dma_wait3A] : memref<10368xf32, #tpu.memory_space<vmem>> -> memref<1152xf32, #tpu.memory_space<vmem>>
      %dma_wait3A_210 = tpu.memref_slice %arg5[%add3A_175] : memref<331776xf32, #tpu.memory_space<hbm>> -> memref<1152xf32, #tpu.memory_space<hbm>>
      %dma_wait3A_211 = tpu.memref_slice %arg5[%add3A_175] : memref<331776xf32, #tpu.memory_space<hbm>> -> memref<1152xf32, #tpu.memory_space<hbm>>
      %dma_wait3A_212 = arith.constant 1152 : i32
      %dma_wait3A_213 = tpu.memref_slice %arg9[%dma_wait3A_212] : memref<10368xf32, #tpu.memory_space<vmem>> -> memref<1152xf32, #tpu.memory_space<vmem>>
      tpu.wait_dma2 semaphore(%run_scoped3A : memref<!tpu.dma_semaphore, #tpu.memory_space<semaphore_mem>>) src(%dma_wait3A_213 : memref<1152xf32, #tpu.memory_space<vmem>>) dst(%dma_wait3A_211 : memref<1152xf32, #tpu.memory_space<hbm>>)
      tpu.yield
    }) : () -> ()
    %mul3A_176 = arith.constant 1152 : i32
    %mul3A_177 = arith.muli %add3A, %mul3A_176 : i32
    %add3A_178 = arith.constant 73728 : i32
    %add3A_179 = arith.addi %add3A_178, %mul3A_177 : i32
    "tpu.region"() ({
      %run_scoped3A = tpu.sem_alloc : memref<!tpu.dma_semaphore, #tpu.memory_space<semaphore_mem>>
      %dma_start3A = arith.constant 2304 : i32
      %dma_start3A_204 = tpu.memref_slice %arg9[%dma_start3A] : memref<10368xf32, #tpu.memory_space<vmem>> -> memref<1152xf32, #tpu.memory_space<vmem>>
      %dma_start3A_205 = tpu.memref_slice %arg5[%add3A_179] : memref<331776xf32, #tpu.memory_space<hbm>> -> memref<1152xf32, #tpu.memory_space<hbm>>
      %dma_start3A_206 = tpu.memref_slice %arg5[%add3A_179] : memref<331776xf32, #tpu.memory_space<hbm>> -> memref<1152xf32, #tpu.memory_space<hbm>>
      %dma_start3A_207 = arith.constant 2304 : i32
      %dma_start3A_208 = tpu.memref_slice %arg9[%dma_start3A_207] : memref<10368xf32, #tpu.memory_space<vmem>> -> memref<1152xf32, #tpu.memory_space<vmem>>
      tpu.enqueue_dma source(%dma_start3A_208 : memref<1152xf32, #tpu.memory_space<vmem>>) target(%dma_start3A_206 : memref<1152xf32, #tpu.memory_space<hbm>>) target_semaphore(%run_scoped3A : memref<!tpu.dma_semaphore, #tpu.memory_space<semaphore_mem>>)
      %dma_wait3A = arith.constant 2304 : i32
      %dma_wait3A_209 = tpu.memref_slice %arg9[%dma_wait3A] : memref<10368xf32, #tpu.memory_space<vmem>> -> memref<1152xf32, #tpu.memory_space<vmem>>
      %dma_wait3A_210 = tpu.memref_slice %arg5[%add3A_179] : memref<331776xf32, #tpu.memory_space<hbm>> -> memref<1152xf32, #tpu.memory_space<hbm>>
      %dma_wait3A_211 = tpu.memref_slice %arg5[%add3A_179] : memref<331776xf32, #tpu.memory_space<hbm>> -> memref<1152xf32, #tpu.memory_space<hbm>>
      %dma_wait3A_212 = arith.constant 2304 : i32
      %dma_wait3A_213 = tpu.memref_slice %arg9[%dma_wait3A_212] : memref<10368xf32, #tpu.memory_space<vmem>> -> memref<1152xf32, #tpu.memory_space<vmem>>
      tpu.wait_dma2 semaphore(%run_scoped3A : memref<!tpu.dma_semaphore, #tpu.memory_space<semaphore_mem>>) src(%dma_wait3A_213 : memref<1152xf32, #tpu.memory_space<vmem>>) dst(%dma_wait3A_211 : memref<1152xf32, #tpu.memory_space<hbm>>)
      tpu.yield
    }) : () -> ()
    %mul3A_180 = arith.constant 1152 : i32
    %mul3A_181 = arith.muli %add3A, %mul3A_180 : i32
    %add3A_182 = arith.constant 110592 : i32
    %add3A_183 = arith.addi %add3A_182, %mul3A_181 : i32
    "tpu.region"() ({
      %run_scoped3A = tpu.sem_alloc : memref<!tpu.dma_semaphore, #tpu.memory_space<semaphore_mem>>
      %dma_start3A = arith.constant 3456 : i32
      %dma_start3A_204 = tpu.memref_slice %arg9[%dma_start3A] : memref<10368xf32, #tpu.memory_space<vmem>> -> memref<1152xf32, #tpu.memory_space<vmem>>
      %dma_start3A_205 = tpu.memref_slice %arg5[%add3A_183] : memref<331776xf32, #tpu.memory_space<hbm>> -> memref<1152xf32, #tpu.memory_space<hbm>>
      %dma_start3A_206 = tpu.memref_slice %arg5[%add3A_183] : memref<331776xf32, #tpu.memory_space<hbm>> -> memref<1152xf32, #tpu.memory_space<hbm>>
      %dma_start3A_207 = arith.constant 3456 : i32
      %dma_start3A_208 = tpu.memref_slice %arg9[%dma_start3A_207] : memref<10368xf32, #tpu.memory_space<vmem>> -> memref<1152xf32, #tpu.memory_space<vmem>>
      tpu.enqueue_dma source(%dma_start3A_208 : memref<1152xf32, #tpu.memory_space<vmem>>) target(%dma_start3A_206 : memref<1152xf32, #tpu.memory_space<hbm>>) target_semaphore(%run_scoped3A : memref<!tpu.dma_semaphore, #tpu.memory_space<semaphore_mem>>)
      %dma_wait3A = arith.constant 3456 : i32
      %dma_wait3A_209 = tpu.memref_slice %arg9[%dma_wait3A] : memref<10368xf32, #tpu.memory_space<vmem>> -> memref<1152xf32, #tpu.memory_space<vmem>>
      %dma_wait3A_210 = tpu.memref_slice %arg5[%add3A_183] : memref<331776xf32, #tpu.memory_space<hbm>> -> memref<1152xf32, #tpu.memory_space<hbm>>
      %dma_wait3A_211 = tpu.memref_slice %arg5[%add3A_183] : memref<331776xf32, #tpu.memory_space<hbm>> -> memref<1152xf32, #tpu.memory_space<hbm>>
      %dma_wait3A_212 = arith.constant 3456 : i32
      %dma_wait3A_213 = tpu.memref_slice %arg9[%dma_wait3A_212] : memref<10368xf32, #tpu.memory_space<vmem>> -> memref<1152xf32, #tpu.memory_space<vmem>>
      tpu.wait_dma2 semaphore(%run_scoped3A : memref<!tpu.dma_semaphore, #tpu.memory_space<semaphore_mem>>) src(%dma_wait3A_213 : memref<1152xf32, #tpu.memory_space<vmem>>) dst(%dma_wait3A_211 : memref<1152xf32, #tpu.memory_space<hbm>>)
      tpu.yield
    }) : () -> ()
    %mul3A_184 = arith.constant 1152 : i32
    %mul3A_185 = arith.muli %add3A, %mul3A_184 : i32
    %add3A_186 = arith.constant 147456 : i32
    %add3A_187 = arith.addi %add3A_186, %mul3A_185 : i32
    "tpu.region"() ({
      %run_scoped3A = tpu.sem_alloc : memref<!tpu.dma_semaphore, #tpu.memory_space<semaphore_mem>>
      %dma_start3A = arith.constant 4608 : i32
      %dma_start3A_204 = tpu.memref_slice %arg9[%dma_start3A] : memref<10368xf32, #tpu.memory_space<vmem>> -> memref<1152xf32, #tpu.memory_space<vmem>>
      %dma_start3A_205 = tpu.memref_slice %arg5[%add3A_187] : memref<331776xf32, #tpu.memory_space<hbm>> -> memref<1152xf32, #tpu.memory_space<hbm>>
      %dma_start3A_206 = tpu.memref_slice %arg5[%add3A_187] : memref<331776xf32, #tpu.memory_space<hbm>> -> memref<1152xf32, #tpu.memory_space<hbm>>
      %dma_start3A_207 = arith.constant 4608 : i32
      %dma_start3A_208 = tpu.memref_slice %arg9[%dma_start3A_207] : memref<10368xf32, #tpu.memory_space<vmem>> -> memref<1152xf32, #tpu.memory_space<vmem>>
      tpu.enqueue_dma source(%dma_start3A_208 : memref<1152xf32, #tpu.memory_space<vmem>>) target(%dma_start3A_206 : memref<1152xf32, #tpu.memory_space<hbm>>) target_semaphore(%run_scoped3A : memref<!tpu.dma_semaphore, #tpu.memory_space<semaphore_mem>>)
      %dma_wait3A = arith.constant 4608 : i32
      %dma_wait3A_209 = tpu.memref_slice %arg9[%dma_wait3A] : memref<10368xf32, #tpu.memory_space<vmem>> -> memref<1152xf32, #tpu.memory_space<vmem>>
      %dma_wait3A_210 = tpu.memref_slice %arg5[%add3A_187] : memref<331776xf32, #tpu.memory_space<hbm>> -> memref<1152xf32, #tpu.memory_space<hbm>>
      %dma_wait3A_211 = tpu.memref_slice %arg5[%add3A_187] : memref<331776xf32, #tpu.memory_space<hbm>> -> memref<1152xf32, #tpu.memory_space<hbm>>
      %dma_wait3A_212 = arith.constant 4608 : i32
      %dma_wait3A_213 = tpu.memref_slice %arg9[%dma_wait3A_212] : memref<10368xf32, #tpu.memory_space<vmem>> -> memref<1152xf32, #tpu.memory_space<vmem>>
      tpu.wait_dma2 semaphore(%run_scoped3A : memref<!tpu.dma_semaphore, #tpu.memory_space<semaphore_mem>>) src(%dma_wait3A_213 : memref<1152xf32, #tpu.memory_space<vmem>>) dst(%dma_wait3A_211 : memref<1152xf32, #tpu.memory_space<hbm>>)
      tpu.yield
    }) : () -> ()
    %mul3A_188 = arith.constant 1152 : i32
    %mul3A_189 = arith.muli %add3A, %mul3A_188 : i32
    %add3A_190 = arith.constant 184320 : i32
    %add3A_191 = arith.addi %add3A_190, %mul3A_189 : i32
    "tpu.region"() ({
      %run_scoped3A = tpu.sem_alloc : memref<!tpu.dma_semaphore, #tpu.memory_space<semaphore_mem>>
      %dma_start3A = arith.constant 5760 : i32
      %dma_start3A_204 = tpu.memref_slice %arg9[%dma_start3A] : memref<10368xf32, #tpu.memory_space<vmem>> -> memref<1152xf32, #tpu.memory_space<vmem>>
      %dma_start3A_205 = tpu.memref_slice %arg5[%add3A_191] : memref<331776xf32, #tpu.memory_space<hbm>> -> memref<1152xf32, #tpu.memory_space<hbm>>
      %dma_start3A_206 = tpu.memref_slice %arg5[%add3A_191] : memref<331776xf32, #tpu.memory_space<hbm>> -> memref<1152xf32, #tpu.memory_space<hbm>>
      %dma_start3A_207 = arith.constant 5760 : i32
      %dma_start3A_208 = tpu.memref_slice %arg9[%dma_start3A_207] : memref<10368xf32, #tpu.memory_space<vmem>> -> memref<1152xf32, #tpu.memory_space<vmem>>
      tpu.enqueue_dma source(%dma_start3A_208 : memref<1152xf32, #tpu.memory_space<vmem>>) target(%dma_start3A_206 : memref<1152xf32, #tpu.memory_space<hbm>>) target_semaphore(%run_scoped3A : memref<!tpu.dma_semaphore, #tpu.memory_space<semaphore_mem>>)
      %dma_wait3A = arith.constant 5760 : i32
      %dma_wait3A_209 = tpu.memref_slice %arg9[%dma_wait3A] : memref<10368xf32, #tpu.memory_space<vmem>> -> memref<1152xf32, #tpu.memory_space<vmem>>
      %dma_wait3A_210 = tpu.memref_slice %arg5[%add3A_191] : memref<331776xf32, #tpu.memory_space<hbm>> -> memref<1152xf32, #tpu.memory_space<hbm>>
      %dma_wait3A_211 = tpu.memref_slice %arg5[%add3A_191] : memref<331776xf32, #tpu.memory_space<hbm>> -> memref<1152xf32, #tpu.memory_space<hbm>>
      %dma_wait3A_212 = arith.constant 5760 : i32
      %dma_wait3A_213 = tpu.memref_slice %arg9[%dma_wait3A_212] : memref<10368xf32, #tpu.memory_space<vmem>> -> memref<1152xf32, #tpu.memory_space<vmem>>
      tpu.wait_dma2 semaphore(%run_scoped3A : memref<!tpu.dma_semaphore, #tpu.memory_space<semaphore_mem>>) src(%dma_wait3A_213 : memref<1152xf32, #tpu.memory_space<vmem>>) dst(%dma_wait3A_211 : memref<1152xf32, #tpu.memory_space<hbm>>)
      tpu.yield
    }) : () -> ()
    %mul3A_192 = arith.constant 1152 : i32
    %mul3A_193 = arith.muli %add3A, %mul3A_192 : i32
    %add3A_194 = arith.constant 221184 : i32
    %add3A_195 = arith.addi %add3A_194, %mul3A_193 : i32
    "tpu.region"() ({
      %run_scoped3A = tpu.sem_alloc : memref<!tpu.dma_semaphore, #tpu.memory_space<semaphore_mem>>
      %dma_start3A = arith.constant 6912 : i32
      %dma_start3A_204 = tpu.memref_slice %arg9[%dma_start3A] : memref<10368xf32, #tpu.memory_space<vmem>> -> memref<1152xf32, #tpu.memory_space<vmem>>
      %dma_start3A_205 = tpu.memref_slice %arg5[%add3A_195] : memref<331776xf32, #tpu.memory_space<hbm>> -> memref<1152xf32, #tpu.memory_space<hbm>>
      %dma_start3A_206 = tpu.memref_slice %arg5[%add3A_195] : memref<331776xf32, #tpu.memory_space<hbm>> -> memref<1152xf32, #tpu.memory_space<hbm>>
      %dma_start3A_207 = arith.constant 6912 : i32
      %dma_start3A_208 = tpu.memref_slice %arg9[%dma_start3A_207] : memref<10368xf32, #tpu.memory_space<vmem>> -> memref<1152xf32, #tpu.memory_space<vmem>>
      tpu.enqueue_dma source(%dma_start3A_208 : memref<1152xf32, #tpu.memory_space<vmem>>) target(%dma_start3A_206 : memref<1152xf32, #tpu.memory_space<hbm>>) target_semaphore(%run_scoped3A : memref<!tpu.dma_semaphore, #tpu.memory_space<semaphore_mem>>)
      %dma_wait3A = arith.constant 6912 : i32
      %dma_wait3A_209 = tpu.memref_slice %arg9[%dma_wait3A] : memref<10368xf32, #tpu.memory_space<vmem>> -> memref<1152xf32, #tpu.memory_space<vmem>>
      %dma_wait3A_210 = tpu.memref_slice %arg5[%add3A_195] : memref<331776xf32, #tpu.memory_space<hbm>> -> memref<1152xf32, #tpu.memory_space<hbm>>
      %dma_wait3A_211 = tpu.memref_slice %arg5[%add3A_195] : memref<331776xf32, #tpu.memory_space<hbm>> -> memref<1152xf32, #tpu.memory_space<hbm>>
      %dma_wait3A_212 = arith.constant 6912 : i32
      %dma_wait3A_213 = tpu.memref_slice %arg9[%dma_wait3A_212] : memref<10368xf32, #tpu.memory_space<vmem>> -> memref<1152xf32, #tpu.memory_space<vmem>>
      tpu.wait_dma2 semaphore(%run_scoped3A : memref<!tpu.dma_semaphore, #tpu.memory_space<semaphore_mem>>) src(%dma_wait3A_213 : memref<1152xf32, #tpu.memory_space<vmem>>) dst(%dma_wait3A_211 : memref<1152xf32, #tpu.memory_space<hbm>>)
      tpu.yield
    }) : () -> ()
    %mul3A_196 = arith.constant 1152 : i32
    %mul3A_197 = arith.muli %add3A, %mul3A_196 : i32
    %add3A_198 = arith.constant 258048 : i32
    %add3A_199 = arith.addi %add3A_198, %mul3A_197 : i32
    "tpu.region"() ({
      %run_scoped3A = tpu.sem_alloc : memref<!tpu.dma_semaphore, #tpu.memory_space<semaphore_mem>>
      %dma_start3A = arith.constant 8064 : i32
      %dma_start3A_204 = tpu.memref_slice %arg9[%dma_start3A] : memref<10368xf32, #tpu.memory_space<vmem>> -> memref<1152xf32, #tpu.memory_space<vmem>>
      %dma_start3A_205 = tpu.memref_slice %arg5[%add3A_199] : memref<331776xf32, #tpu.memory_space<hbm>> -> memref<1152xf32, #tpu.memory_space<hbm>>
      %dma_start3A_206 = tpu.memref_slice %arg5[%add3A_199] : memref<331776xf32, #tpu.memory_space<hbm>> -> memref<1152xf32, #tpu.memory_space<hbm>>
      %dma_start3A_207 = arith.constant 8064 : i32
      %dma_start3A_208 = tpu.memref_slice %arg9[%dma_start3A_207] : memref<10368xf32, #tpu.memory_space<vmem>> -> memref<1152xf32, #tpu.memory_space<vmem>>
      tpu.enqueue_dma source(%dma_start3A_208 : memref<1152xf32, #tpu.memory_space<vmem>>) target(%dma_start3A_206 : memref<1152xf32, #tpu.memory_space<hbm>>) target_semaphore(%run_scoped3A : memref<!tpu.dma_semaphore, #tpu.memory_space<semaphore_mem>>)
      %dma_wait3A = arith.constant 8064 : i32
      %dma_wait3A_209 = tpu.memref_slice %arg9[%dma_wait3A] : memref<10368xf32, #tpu.memory_space<vmem>> -> memref<1152xf32, #tpu.memory_space<vmem>>
      %dma_wait3A_210 = tpu.memref_slice %arg5[%add3A_199] : memref<331776xf32, #tpu.memory_space<hbm>> -> memref<1152xf32, #tpu.memory_space<hbm>>
      %dma_wait3A_211 = tpu.memref_slice %arg5[%add3A_199] : memref<331776xf32, #tpu.memory_space<hbm>> -> memref<1152xf32, #tpu.memory_space<hbm>>
      %dma_wait3A_212 = arith.constant 8064 : i32
      %dma_wait3A_213 = tpu.memref_slice %arg9[%dma_wait3A_212] : memref<10368xf32, #tpu.memory_space<vmem>> -> memref<1152xf32, #tpu.memory_space<vmem>>
      tpu.wait_dma2 semaphore(%run_scoped3A : memref<!tpu.dma_semaphore, #tpu.memory_space<semaphore_mem>>) src(%dma_wait3A_213 : memref<1152xf32, #tpu.memory_space<vmem>>) dst(%dma_wait3A_211 : memref<1152xf32, #tpu.memory_space<hbm>>)
      tpu.yield
    }) : () -> ()
    %mul3A_200 = arith.constant 1152 : i32
    %mul3A_201 = arith.muli %add3A, %mul3A_200 : i32
    %add3A_202 = arith.constant 294912 : i32
    %add3A_203 = arith.addi %add3A_202, %mul3A_201 : i32
    "tpu.region"() ({
      %run_scoped3A = tpu.sem_alloc : memref<!tpu.dma_semaphore, #tpu.memory_space<semaphore_mem>>
      %dma_start3A = arith.constant 9216 : i32
      %dma_start3A_204 = tpu.memref_slice %arg9[%dma_start3A] : memref<10368xf32, #tpu.memory_space<vmem>> -> memref<1152xf32, #tpu.memory_space<vmem>>
      %dma_start3A_205 = tpu.memref_slice %arg5[%add3A_203] : memref<331776xf32, #tpu.memory_space<hbm>> -> memref<1152xf32, #tpu.memory_space<hbm>>
      %dma_start3A_206 = tpu.memref_slice %arg5[%add3A_203] : memref<331776xf32, #tpu.memory_space<hbm>> -> memref<1152xf32, #tpu.memory_space<hbm>>
      %dma_start3A_207 = arith.constant 9216 : i32
      %dma_start3A_208 = tpu.memref_slice %arg9[%dma_start3A_207] : memref<10368xf32, #tpu.memory_space<vmem>> -> memref<1152xf32, #tpu.memory_space<vmem>>
      tpu.enqueue_dma source(%dma_start3A_208 : memref<1152xf32, #tpu.memory_space<vmem>>) target(%dma_start3A_206 : memref<1152xf32, #tpu.memory_space<hbm>>) target_semaphore(%run_scoped3A : memref<!tpu.dma_semaphore, #tpu.memory_space<semaphore_mem>>)
      %dma_wait3A = arith.constant 9216 : i32
      %dma_wait3A_209 = tpu.memref_slice %arg9[%dma_wait3A] : memref<10368xf32, #tpu.memory_space<vmem>> -> memref<1152xf32, #tpu.memory_space<vmem>>
      %dma_wait3A_210 = tpu.memref_slice %arg5[%add3A_203] : memref<331776xf32, #tpu.memory_space<hbm>> -> memref<1152xf32, #tpu.memory_space<hbm>>
      %dma_wait3A_211 = tpu.memref_slice %arg5[%add3A_203] : memref<331776xf32, #tpu.memory_space<hbm>> -> memref<1152xf32, #tpu.memory_space<hbm>>
      %dma_wait3A_212 = arith.constant 9216 : i32
      %dma_wait3A_213 = tpu.memref_slice %arg9[%dma_wait3A_212] : memref<10368xf32, #tpu.memory_space<vmem>> -> memref<1152xf32, #tpu.memory_space<vmem>>
      tpu.wait_dma2 semaphore(%run_scoped3A : memref<!tpu.dma_semaphore, #tpu.memory_space<semaphore_mem>>) src(%dma_wait3A_213 : memref<1152xf32, #tpu.memory_space<vmem>>) dst(%dma_wait3A_211 : memref<1152xf32, #tpu.memory_space<hbm>>)
      tpu.yield
    }) : () -> ()
    return
  }
}

module attributes {stable_mosaic.version = 14 : i64} {
  func.func @_conv_body(%arg0: i32, %arg1: memref<1x56x56x192xf32, #tpu.memory_space<vmem>>, %arg2: memref<9x192x192xf32, #tpu.memory_space<vmem>>, %arg3: memref<1x192xf32, #tpu.memory_space<vmem>>, %arg4: memref<1x56x56x192xf32, #tpu.memory_space<vmem>>, %arg5: memref<3840x192xbf16, #tpu.memory_space<vmem>>, %arg6: memref<9x192x192xbf16, #tpu.memory_space<vmem>>) attributes {dimension_semantics = [#tpu.dimension_semantics<arbitrary>], iteration_bounds = array<i64: 8>, scalar_prefetch = 0 : i64, scratch_operands = 2 : i64, tpu.core_type = #tpu.core_type<tc>, window_params = [{transform_indices = @transform_0, window_bounds = array<i64: 1, 56, 56, 192>}, {pipeline_mode = #tpu.pipeline_mode<synchronous>, transform_indices = @transform_1, window_bounds = array<i64: 9, 192, 192>}, {pipeline_mode = #tpu.pipeline_mode<synchronous>, transform_indices = @transform_2, window_bounds = array<i64: 1, 192>}, {transform_indices = @transform_3, window_bounds = array<i64: 1, 56, 56, 192>}]} {
    %eq3A = arith.constant 0 : i32
    %eq3A_0 = arith.cmpi eq, %arg0, %eq3A : i32
    %convert_element_type3A = arith.extui %eq3A_0 : i1 to i32
    %cond3A = arith.constant 0 : i32
    %cond3A_1 = arith.cmpi ne, %convert_element_type3A, %cond3A : i32
    scf.if %cond3A_1 {
      %broadcast_in_dim3A_1098 = arith.constant 0.000000e+00 : bf16
      %broadcast_in_dim3A_1099 = vector.broadcast %broadcast_in_dim3A_1098 : bf16 to vector<3840x192xbf16>
      %swap3A_1100 = arith.constant 0 : index
      %swap3A_1101 = arith.constant 0 : index
      %swap3A_1102 = vector.load %arg5[%swap3A_1100, %swap3A_1101] : memref<3840x192xbf16, #tpu.memory_space<vmem>>, vector<3840x192xbf16>
      tpu.vector_store %arg5[%swap3A_1100, %swap3A_1101], %broadcast_in_dim3A_1099 {strides = array<i32>} : memref<3840x192xbf16, #tpu.memory_space<vmem>>, vector<3840x192xbf16>,
      %get3A_1103 = arith.constant 0 : index
      %get3A_1104 = arith.constant 0 : index
      %get3A_1105 = arith.constant 0 : index
      %get3A_1106 = vector.load %arg2[%get3A_1103, %get3A_1104, %get3A_1105] : memref<9x192x192xf32, #tpu.memory_space<vmem>>, vector<9x192x192xf32>
      %convert_element_type3A_1107 = arith.truncf %get3A_1106 : vector<9x192x192xf32> to vector<9x192x192xbf16>
      %swap3A_1108 = arith.constant 0 : index
      %swap3A_1109 = arith.constant 0 : index
      %swap3A_1110 = arith.constant 0 : index
      %swap3A_1111 = vector.load %arg6[%swap3A_1108, %swap3A_1109, %swap3A_1110] : memref<9x192x192xbf16, #tpu.memory_space<vmem>>, vector<9x192x192xbf16>
      tpu.vector_store %arg6[%swap3A_1108, %swap3A_1109, %swap3A_1110], %convert_element_type3A_1107 {strides = array<i32>} : memref<9x192x192xbf16, #tpu.memory_space<vmem>>, vector<9x192x192xbf16>,
    } else {
    }
    %get3A = arith.constant 0 : index
    %get3A_2 = arith.constant 0 : index
    %get3A_3 = arith.constant 0 : index
    %get3A_4 = arith.constant 0 : index
    %get3A_5 = vector.load %arg1[%get3A, %get3A_2, %get3A_3, %get3A_4] : memref<1x56x56x192xf32, #tpu.memory_space<vmem>>, vector<1x1x56x192xf32>
    %get3A_6 = vector.shape_cast %get3A_5 : vector<1x1x56x192xf32> to vector<56x192xf32>
    %convert_element_type3A_7 = arith.truncf %get3A_6 : vector<56x192xf32> to vector<56x192xbf16>
    %swap3A = arith.constant 128 : index
    %swap3A_8 = arith.constant 0 : index
    %swap3A_9 = vector.load %arg5[%swap3A, %swap3A_8] : memref<3840x192xbf16, #tpu.memory_space<vmem>>, vector<56x192xbf16>
    tpu.vector_store %arg5[%swap3A, %swap3A_8], %convert_element_type3A_7 {strides = array<i32>} : memref<3840x192xbf16, #tpu.memory_space<vmem>>, vector<56x192xbf16>,
    %get3A_10 = arith.constant 0 : index
    %get3A_11 = arith.constant 1 : index
    %get3A_12 = arith.constant 0 : index
    %get3A_13 = arith.constant 0 : index
    %get3A_14 = vector.load %arg1[%get3A_10, %get3A_11, %get3A_12, %get3A_13] : memref<1x56x56x192xf32, #tpu.memory_space<vmem>>, vector<1x1x56x192xf32>
    %get3A_15 = vector.shape_cast %get3A_14 : vector<1x1x56x192xf32> to vector<56x192xf32>
    %convert_element_type3A_16 = arith.truncf %get3A_15 : vector<56x192xf32> to vector<56x192xbf16>
    %swap3A_17 = arith.constant 192 : index
    %swap3A_18 = arith.constant 0 : index
    %swap3A_19 = vector.load %arg5[%swap3A_17, %swap3A_18] : memref<3840x192xbf16, #tpu.memory_space<vmem>>, vector<56x192xbf16>
    tpu.vector_store %arg5[%swap3A_17, %swap3A_18], %convert_element_type3A_16 {strides = array<i32>} : memref<3840x192xbf16, #tpu.memory_space<vmem>>, vector<56x192xbf16>,
    %get3A_20 = arith.constant 0 : index
    %get3A_21 = arith.constant 2 : index
    %get3A_22 = arith.constant 0 : index
    %get3A_23 = arith.constant 0 : index
    %get3A_24 = vector.load %arg1[%get3A_20, %get3A_21, %get3A_22, %get3A_23] : memref<1x56x56x192xf32, #tpu.memory_space<vmem>>, vector<1x1x56x192xf32>
    %get3A_25 = vector.shape_cast %get3A_24 : vector<1x1x56x192xf32> to vector<56x192xf32>
    %convert_element_type3A_26 = arith.truncf %get3A_25 : vector<56x192xf32> to vector<56x192xbf16>
    %swap3A_27 = arith.constant 256 : index
    %swap3A_28 = arith.constant 0 : index
    %swap3A_29 = vector.load %arg5[%swap3A_27, %swap3A_28] : memref<3840x192xbf16, #tpu.memory_space<vmem>>, vector<56x192xbf16>
    tpu.vector_store %arg5[%swap3A_27, %swap3A_28], %convert_element_type3A_26 {strides = array<i32>} : memref<3840x192xbf16, #tpu.memory_space<vmem>>, vector<56x192xbf16>,
    %get3A_30 = arith.constant 0 : index
    %get3A_31 = arith.constant 3 : index
    %get3A_32 = arith.constant 0 : index
    %get3A_33 = arith.constant 0 : index
    %get3A_34 = vector.load %arg1[%get3A_30, %get3A_31, %get3A_32, %get3A_33] : memref<1x56x56x192xf32, #tpu.memory_space<vmem>>, vector<1x1x56x192xf32>
    %get3A_35 = vector.shape_cast %get3A_34 : vector<1x1x56x192xf32> to vector<56x192xf32>
    %convert_element_type3A_36 = arith.truncf %get3A_35 : vector<56x192xf32> to vector<56x192xbf16>
    %swap3A_37 = arith.constant 320 : index
    %swap3A_38 = arith.constant 0 : index
    %swap3A_39 = vector.load %arg5[%swap3A_37, %swap3A_38] : memref<3840x192xbf16, #tpu.memory_space<vmem>>, vector<56x192xbf16>
    tpu.vector_store %arg5[%swap3A_37, %swap3A_38], %convert_element_type3A_36 {strides = array<i32>} : memref<3840x192xbf16, #tpu.memory_space<vmem>>, vector<56x192xbf16>,
    %get3A_40 = arith.constant 0 : index
    %get3A_41 = arith.constant 4 : index
    %get3A_42 = arith.constant 0 : index
    %get3A_43 = arith.constant 0 : index
    %get3A_44 = vector.load %arg1[%get3A_40, %get3A_41, %get3A_42, %get3A_43] : memref<1x56x56x192xf32, #tpu.memory_space<vmem>>, vector<1x1x56x192xf32>
    %get3A_45 = vector.shape_cast %get3A_44 : vector<1x1x56x192xf32> to vector<56x192xf32>
    %convert_element_type3A_46 = arith.truncf %get3A_45 : vector<56x192xf32> to vector<56x192xbf16>
    %swap3A_47 = arith.constant 384 : index
    %swap3A_48 = arith.constant 0 : index
    %swap3A_49 = vector.load %arg5[%swap3A_47, %swap3A_48] : memref<3840x192xbf16, #tpu.memory_space<vmem>>, vector<56x192xbf16>
    tpu.vector_store %arg5[%swap3A_47, %swap3A_48], %convert_element_type3A_46 {strides = array<i32>} : memref<3840x192xbf16, #tpu.memory_space<vmem>>, vector<56x192xbf16>,
    %get3A_50 = arith.constant 0 : index
    %get3A_51 = arith.constant 5 : index
    %get3A_52 = arith.constant 0 : index
    %get3A_53 = arith.constant 0 : index
    %get3A_54 = vector.load %arg1[%get3A_50, %get3A_51, %get3A_52, %get3A_53] : memref<1x56x56x192xf32, #tpu.memory_space<vmem>>, vector<1x1x56x192xf32>
    %get3A_55 = vector.shape_cast %get3A_54 : vector<1x1x56x192xf32> to vector<56x192xf32>
    %convert_element_type3A_56 = arith.truncf %get3A_55 : vector<56x192xf32> to vector<56x192xbf16>
    %swap3A_57 = arith.constant 448 : index
    %swap3A_58 = arith.constant 0 : index
    %swap3A_59 = vector.load %arg5[%swap3A_57, %swap3A_58] : memref<3840x192xbf16, #tpu.memory_space<vmem>>, vector<56x192xbf16>
    tpu.vector_store %arg5[%swap3A_57, %swap3A_58], %convert_element_type3A_56 {strides = array<i32>} : memref<3840x192xbf16, #tpu.memory_space<vmem>>, vector<56x192xbf16>,
    %get3A_60 = arith.constant 0 : index
    %get3A_61 = arith.constant 6 : index
    %get3A_62 = arith.constant 0 : index
    %get3A_63 = arith.constant 0 : index
    %get3A_64 = vector.load %arg1[%get3A_60, %get3A_61, %get3A_62, %get3A_63] : memref<1x56x56x192xf32, #tpu.memory_space<vmem>>, vector<1x1x56x192xf32>
    %get3A_65 = vector.shape_cast %get3A_64 : vector<1x1x56x192xf32> to vector<56x192xf32>
    %convert_element_type3A_66 = arith.truncf %get3A_65 : vector<56x192xf32> to vector<56x192xbf16>
    %swap3A_67 = arith.constant 512 : index
    %swap3A_68 = arith.constant 0 : index
    %swap3A_69 = vector.load %arg5[%swap3A_67, %swap3A_68] : memref<3840x192xbf16, #tpu.memory_space<vmem>>, vector<56x192xbf16>
    tpu.vector_store %arg5[%swap3A_67, %swap3A_68], %convert_element_type3A_66 {strides = array<i32>} : memref<3840x192xbf16, #tpu.memory_space<vmem>>, vector<56x192xbf16>,
    %get3A_70 = arith.constant 0 : index
    %get3A_71 = arith.constant 7 : index
    %get3A_72 = arith.constant 0 : index
    %get3A_73 = arith.constant 0 : index
    %get3A_74 = vector.load %arg1[%get3A_70, %get3A_71, %get3A_72, %get3A_73] : memref<1x56x56x192xf32, #tpu.memory_space<vmem>>, vector<1x1x56x192xf32>
    %get3A_75 = vector.shape_cast %get3A_74 : vector<1x1x56x192xf32> to vector<56x192xf32>
    %convert_element_type3A_76 = arith.truncf %get3A_75 : vector<56x192xf32> to vector<56x192xbf16>
    %swap3A_77 = arith.constant 576 : index
    %swap3A_78 = arith.constant 0 : index
    %swap3A_79 = vector.load %arg5[%swap3A_77, %swap3A_78] : memref<3840x192xbf16, #tpu.memory_space<vmem>>, vector<56x192xbf16>
    tpu.vector_store %arg5[%swap3A_77, %swap3A_78], %convert_element_type3A_76 {strides = array<i32>} : memref<3840x192xbf16, #tpu.memory_space<vmem>>, vector<56x192xbf16>,
    %get3A_80 = arith.constant 0 : index
    %get3A_81 = arith.constant 8 : index
    %get3A_82 = arith.constant 0 : index
    %get3A_83 = arith.constant 0 : index
    %get3A_84 = vector.load %arg1[%get3A_80, %get3A_81, %get3A_82, %get3A_83] : memref<1x56x56x192xf32, #tpu.memory_space<vmem>>, vector<1x1x56x192xf32>
    %get3A_85 = vector.shape_cast %get3A_84 : vector<1x1x56x192xf32> to vector<56x192xf32>
    %convert_element_type3A_86 = arith.truncf %get3A_85 : vector<56x192xf32> to vector<56x192xbf16>
    %swap3A_87 = arith.constant 640 : index
    %swap3A_88 = arith.constant 0 : index
    %swap3A_89 = vector.load %arg5[%swap3A_87, %swap3A_88] : memref<3840x192xbf16, #tpu.memory_space<vmem>>, vector<56x192xbf16>
    tpu.vector_store %arg5[%swap3A_87, %swap3A_88], %convert_element_type3A_86 {strides = array<i32>} : memref<3840x192xbf16, #tpu.memory_space<vmem>>, vector<56x192xbf16>,
    %get3A_90 = arith.constant 0 : index
    %get3A_91 = arith.constant 9 : index
    %get3A_92 = arith.constant 0 : index
    %get3A_93 = arith.constant 0 : index
    %get3A_94 = vector.load %arg1[%get3A_90, %get3A_91, %get3A_92, %get3A_93] : memref<1x56x56x192xf32, #tpu.memory_space<vmem>>, vector<1x1x56x192xf32>
    %get3A_95 = vector.shape_cast %get3A_94 : vector<1x1x56x192xf32> to vector<56x192xf32>
    %convert_element_type3A_96 = arith.truncf %get3A_95 : vector<56x192xf32> to vector<56x192xbf16>
    %swap3A_97 = arith.constant 704 : index
    %swap3A_98 = arith.constant 0 : index
    %swap3A_99 = vector.load %arg5[%swap3A_97, %swap3A_98] : memref<3840x192xbf16, #tpu.memory_space<vmem>>, vector<56x192xbf16>
    tpu.vector_store %arg5[%swap3A_97, %swap3A_98], %convert_element_type3A_96 {strides = array<i32>} : memref<3840x192xbf16, #tpu.memory_space<vmem>>, vector<56x192xbf16>,
    %get3A_100 = arith.constant 0 : index
    %get3A_101 = arith.constant 10 : index
    %get3A_102 = arith.constant 0 : index
    %get3A_103 = arith.constant 0 : index
    %get3A_104 = vector.load %arg1[%get3A_100, %get3A_101, %get3A_102, %get3A_103] : memref<1x56x56x192xf32, #tpu.memory_space<vmem>>, vector<1x1x56x192xf32>
    %get3A_105 = vector.shape_cast %get3A_104 : vector<1x1x56x192xf32> to vector<56x192xf32>
    %convert_element_type3A_106 = arith.truncf %get3A_105 : vector<56x192xf32> to vector<56x192xbf16>
    %swap3A_107 = arith.constant 768 : index
    %swap3A_108 = arith.constant 0 : index
    %swap3A_109 = vector.load %arg5[%swap3A_107, %swap3A_108] : memref<3840x192xbf16, #tpu.memory_space<vmem>>, vector<56x192xbf16>
    tpu.vector_store %arg5[%swap3A_107, %swap3A_108], %convert_element_type3A_106 {strides = array<i32>} : memref<3840x192xbf16, #tpu.memory_space<vmem>>, vector<56x192xbf16>,
    %get3A_110 = arith.constant 0 : index
    %get3A_111 = arith.constant 11 : index
    %get3A_112 = arith.constant 0 : index
    %get3A_113 = arith.constant 0 : index
    %get3A_114 = vector.load %arg1[%get3A_110, %get3A_111, %get3A_112, %get3A_113] : memref<1x56x56x192xf32, #tpu.memory_space<vmem>>, vector<1x1x56x192xf32>
    %get3A_115 = vector.shape_cast %get3A_114 : vector<1x1x56x192xf32> to vector<56x192xf32>
    %convert_element_type3A_116 = arith.truncf %get3A_115 : vector<56x192xf32> to vector<56x192xbf16>
    %swap3A_117 = arith.constant 832 : index
    %swap3A_118 = arith.constant 0 : index
    %swap3A_119 = vector.load %arg5[%swap3A_117, %swap3A_118] : memref<3840x192xbf16, #tpu.memory_space<vmem>>, vector<56x192xbf16>
    tpu.vector_store %arg5[%swap3A_117, %swap3A_118], %convert_element_type3A_116 {strides = array<i32>} : memref<3840x192xbf16, #tpu.memory_space<vmem>>, vector<56x192xbf16>,
    %get3A_120 = arith.constant 0 : index
    %get3A_121 = arith.constant 12 : index
    %get3A_122 = arith.constant 0 : index
    %get3A_123 = arith.constant 0 : index
    %get3A_124 = vector.load %arg1[%get3A_120, %get3A_121, %get3A_122, %get3A_123] : memref<1x56x56x192xf32, #tpu.memory_space<vmem>>, vector<1x1x56x192xf32>
    %get3A_125 = vector.shape_cast %get3A_124 : vector<1x1x56x192xf32> to vector<56x192xf32>
    %convert_element_type3A_126 = arith.truncf %get3A_125 : vector<56x192xf32> to vector<56x192xbf16>
    %swap3A_127 = arith.constant 896 : index
    %swap3A_128 = arith.constant 0 : index
    %swap3A_129 = vector.load %arg5[%swap3A_127, %swap3A_128] : memref<3840x192xbf16, #tpu.memory_space<vmem>>, vector<56x192xbf16>
    tpu.vector_store %arg5[%swap3A_127, %swap3A_128], %convert_element_type3A_126 {strides = array<i32>} : memref<3840x192xbf16, #tpu.memory_space<vmem>>, vector<56x192xbf16>,
    %get3A_130 = arith.constant 0 : index
    %get3A_131 = arith.constant 13 : index
    %get3A_132 = arith.constant 0 : index
    %get3A_133 = arith.constant 0 : index
    %get3A_134 = vector.load %arg1[%get3A_130, %get3A_131, %get3A_132, %get3A_133] : memref<1x56x56x192xf32, #tpu.memory_space<vmem>>, vector<1x1x56x192xf32>
    %get3A_135 = vector.shape_cast %get3A_134 : vector<1x1x56x192xf32> to vector<56x192xf32>
    %convert_element_type3A_136 = arith.truncf %get3A_135 : vector<56x192xf32> to vector<56x192xbf16>
    %swap3A_137 = arith.constant 960 : index
    %swap3A_138 = arith.constant 0 : index
    %swap3A_139 = vector.load %arg5[%swap3A_137, %swap3A_138] : memref<3840x192xbf16, #tpu.memory_space<vmem>>, vector<56x192xbf16>
    tpu.vector_store %arg5[%swap3A_137, %swap3A_138], %convert_element_type3A_136 {strides = array<i32>} : memref<3840x192xbf16, #tpu.memory_space<vmem>>, vector<56x192xbf16>,
    %get3A_140 = arith.constant 0 : index
    %get3A_141 = arith.constant 14 : index
    %get3A_142 = arith.constant 0 : index
    %get3A_143 = arith.constant 0 : index
    %get3A_144 = vector.load %arg1[%get3A_140, %get3A_141, %get3A_142, %get3A_143] : memref<1x56x56x192xf32, #tpu.memory_space<vmem>>, vector<1x1x56x192xf32>
    %get3A_145 = vector.shape_cast %get3A_144 : vector<1x1x56x192xf32> to vector<56x192xf32>
    %convert_element_type3A_146 = arith.truncf %get3A_145 : vector<56x192xf32> to vector<56x192xbf16>
    %swap3A_147 = arith.constant 1024 : index
    %swap3A_148 = arith.constant 0 : index
    %swap3A_149 = vector.load %arg5[%swap3A_147, %swap3A_148] : memref<3840x192xbf16, #tpu.memory_space<vmem>>, vector<56x192xbf16>
    tpu.vector_store %arg5[%swap3A_147, %swap3A_148], %convert_element_type3A_146 {strides = array<i32>} : memref<3840x192xbf16, #tpu.memory_space<vmem>>, vector<56x192xbf16>,
    %get3A_150 = arith.constant 0 : index
    %get3A_151 = arith.constant 15 : index
    %get3A_152 = arith.constant 0 : index
    %get3A_153 = arith.constant 0 : index
    %get3A_154 = vector.load %arg1[%get3A_150, %get3A_151, %get3A_152, %get3A_153] : memref<1x56x56x192xf32, #tpu.memory_space<vmem>>, vector<1x1x56x192xf32>
    %get3A_155 = vector.shape_cast %get3A_154 : vector<1x1x56x192xf32> to vector<56x192xf32>
    %convert_element_type3A_156 = arith.truncf %get3A_155 : vector<56x192xf32> to vector<56x192xbf16>
    %swap3A_157 = arith.constant 1088 : index
    %swap3A_158 = arith.constant 0 : index
    %swap3A_159 = vector.load %arg5[%swap3A_157, %swap3A_158] : memref<3840x192xbf16, #tpu.memory_space<vmem>>, vector<56x192xbf16>
    tpu.vector_store %arg5[%swap3A_157, %swap3A_158], %convert_element_type3A_156 {strides = array<i32>} : memref<3840x192xbf16, #tpu.memory_space<vmem>>, vector<56x192xbf16>,
    %get3A_160 = arith.constant 0 : index
    %get3A_161 = arith.constant 16 : index
    %get3A_162 = arith.constant 0 : index
    %get3A_163 = arith.constant 0 : index
    %get3A_164 = vector.load %arg1[%get3A_160, %get3A_161, %get3A_162, %get3A_163] : memref<1x56x56x192xf32, #tpu.memory_space<vmem>>, vector<1x1x56x192xf32>
    %get3A_165 = vector.shape_cast %get3A_164 : vector<1x1x56x192xf32> to vector<56x192xf32>
    %convert_element_type3A_166 = arith.truncf %get3A_165 : vector<56x192xf32> to vector<56x192xbf16>
    %swap3A_167 = arith.constant 1152 : index
    %swap3A_168 = arith.constant 0 : index
    %swap3A_169 = vector.load %arg5[%swap3A_167, %swap3A_168] : memref<3840x192xbf16, #tpu.memory_space<vmem>>, vector<56x192xbf16>
    tpu.vector_store %arg5[%swap3A_167, %swap3A_168], %convert_element_type3A_166 {strides = array<i32>} : memref<3840x192xbf16, #tpu.memory_space<vmem>>, vector<56x192xbf16>,
    %get3A_170 = arith.constant 0 : index
    %get3A_171 = arith.constant 17 : index
    %get3A_172 = arith.constant 0 : index
    %get3A_173 = arith.constant 0 : index
    %get3A_174 = vector.load %arg1[%get3A_170, %get3A_171, %get3A_172, %get3A_173] : memref<1x56x56x192xf32, #tpu.memory_space<vmem>>, vector<1x1x56x192xf32>
    %get3A_175 = vector.shape_cast %get3A_174 : vector<1x1x56x192xf32> to vector<56x192xf32>
    %convert_element_type3A_176 = arith.truncf %get3A_175 : vector<56x192xf32> to vector<56x192xbf16>
    %swap3A_177 = arith.constant 1216 : index
    %swap3A_178 = arith.constant 0 : index
    %swap3A_179 = vector.load %arg5[%swap3A_177, %swap3A_178] : memref<3840x192xbf16, #tpu.memory_space<vmem>>, vector<56x192xbf16>
    tpu.vector_store %arg5[%swap3A_177, %swap3A_178], %convert_element_type3A_176 {strides = array<i32>} : memref<3840x192xbf16, #tpu.memory_space<vmem>>, vector<56x192xbf16>,
    %get3A_180 = arith.constant 0 : index
    %get3A_181 = arith.constant 18 : index
    %get3A_182 = arith.constant 0 : index
    %get3A_183 = arith.constant 0 : index
    %get3A_184 = vector.load %arg1[%get3A_180, %get3A_181, %get3A_182, %get3A_183] : memref<1x56x56x192xf32, #tpu.memory_space<vmem>>, vector<1x1x56x192xf32>
    %get3A_185 = vector.shape_cast %get3A_184 : vector<1x1x56x192xf32> to vector<56x192xf32>
    %convert_element_type3A_186 = arith.truncf %get3A_185 : vector<56x192xf32> to vector<56x192xbf16>
    %swap3A_187 = arith.constant 1280 : index
    %swap3A_188 = arith.constant 0 : index
    %swap3A_189 = vector.load %arg5[%swap3A_187, %swap3A_188] : memref<3840x192xbf16, #tpu.memory_space<vmem>>, vector<56x192xbf16>
    tpu.vector_store %arg5[%swap3A_187, %swap3A_188], %convert_element_type3A_186 {strides = array<i32>} : memref<3840x192xbf16, #tpu.memory_space<vmem>>, vector<56x192xbf16>,
    %get3A_190 = arith.constant 0 : index
    %get3A_191 = arith.constant 19 : index
    %get3A_192 = arith.constant 0 : index
    %get3A_193 = arith.constant 0 : index
    %get3A_194 = vector.load %arg1[%get3A_190, %get3A_191, %get3A_192, %get3A_193] : memref<1x56x56x192xf32, #tpu.memory_space<vmem>>, vector<1x1x56x192xf32>
    %get3A_195 = vector.shape_cast %get3A_194 : vector<1x1x56x192xf32> to vector<56x192xf32>
    %convert_element_type3A_196 = arith.truncf %get3A_195 : vector<56x192xf32> to vector<56x192xbf16>
    %swap3A_197 = arith.constant 1344 : index
    %swap3A_198 = arith.constant 0 : index
    %swap3A_199 = vector.load %arg5[%swap3A_197, %swap3A_198] : memref<3840x192xbf16, #tpu.memory_space<vmem>>, vector<56x192xbf16>
    tpu.vector_store %arg5[%swap3A_197, %swap3A_198], %convert_element_type3A_196 {strides = array<i32>} : memref<3840x192xbf16, #tpu.memory_space<vmem>>, vector<56x192xbf16>,
    %get3A_200 = arith.constant 0 : index
    %get3A_201 = arith.constant 20 : index
    %get3A_202 = arith.constant 0 : index
    %get3A_203 = arith.constant 0 : index
    %get3A_204 = vector.load %arg1[%get3A_200, %get3A_201, %get3A_202, %get3A_203] : memref<1x56x56x192xf32, #tpu.memory_space<vmem>>, vector<1x1x56x192xf32>
    %get3A_205 = vector.shape_cast %get3A_204 : vector<1x1x56x192xf32> to vector<56x192xf32>
    %convert_element_type3A_206 = arith.truncf %get3A_205 : vector<56x192xf32> to vector<56x192xbf16>
    %swap3A_207 = arith.constant 1408 : index
    %swap3A_208 = arith.constant 0 : index
    %swap3A_209 = vector.load %arg5[%swap3A_207, %swap3A_208] : memref<3840x192xbf16, #tpu.memory_space<vmem>>, vector<56x192xbf16>
    tpu.vector_store %arg5[%swap3A_207, %swap3A_208], %convert_element_type3A_206 {strides = array<i32>} : memref<3840x192xbf16, #tpu.memory_space<vmem>>, vector<56x192xbf16>,
    %get3A_210 = arith.constant 0 : index
    %get3A_211 = arith.constant 21 : index
    %get3A_212 = arith.constant 0 : index
    %get3A_213 = arith.constant 0 : index
    %get3A_214 = vector.load %arg1[%get3A_210, %get3A_211, %get3A_212, %get3A_213] : memref<1x56x56x192xf32, #tpu.memory_space<vmem>>, vector<1x1x56x192xf32>
    %get3A_215 = vector.shape_cast %get3A_214 : vector<1x1x56x192xf32> to vector<56x192xf32>
    %convert_element_type3A_216 = arith.truncf %get3A_215 : vector<56x192xf32> to vector<56x192xbf16>
    %swap3A_217 = arith.constant 1472 : index
    %swap3A_218 = arith.constant 0 : index
    %swap3A_219 = vector.load %arg5[%swap3A_217, %swap3A_218] : memref<3840x192xbf16, #tpu.memory_space<vmem>>, vector<56x192xbf16>
    tpu.vector_store %arg5[%swap3A_217, %swap3A_218], %convert_element_type3A_216 {strides = array<i32>} : memref<3840x192xbf16, #tpu.memory_space<vmem>>, vector<56x192xbf16>,
    %get3A_220 = arith.constant 0 : index
    %get3A_221 = arith.constant 22 : index
    %get3A_222 = arith.constant 0 : index
    %get3A_223 = arith.constant 0 : index
    %get3A_224 = vector.load %arg1[%get3A_220, %get3A_221, %get3A_222, %get3A_223] : memref<1x56x56x192xf32, #tpu.memory_space<vmem>>, vector<1x1x56x192xf32>
    %get3A_225 = vector.shape_cast %get3A_224 : vector<1x1x56x192xf32> to vector<56x192xf32>
    %convert_element_type3A_226 = arith.truncf %get3A_225 : vector<56x192xf32> to vector<56x192xbf16>
    %swap3A_227 = arith.constant 1536 : index
    %swap3A_228 = arith.constant 0 : index
    %swap3A_229 = vector.load %arg5[%swap3A_227, %swap3A_228] : memref<3840x192xbf16, #tpu.memory_space<vmem>>, vector<56x192xbf16>
    tpu.vector_store %arg5[%swap3A_227, %swap3A_228], %convert_element_type3A_226 {strides = array<i32>} : memref<3840x192xbf16, #tpu.memory_space<vmem>>, vector<56x192xbf16>,
    %get3A_230 = arith.constant 0 : index
    %get3A_231 = arith.constant 23 : index
    %get3A_232 = arith.constant 0 : index
    %get3A_233 = arith.constant 0 : index
    %get3A_234 = vector.load %arg1[%get3A_230, %get3A_231, %get3A_232, %get3A_233] : memref<1x56x56x192xf32, #tpu.memory_space<vmem>>, vector<1x1x56x192xf32>
    %get3A_235 = vector.shape_cast %get3A_234 : vector<1x1x56x192xf32> to vector<56x192xf32>
    %convert_element_type3A_236 = arith.truncf %get3A_235 : vector<56x192xf32> to vector<56x192xbf16>
    %swap3A_237 = arith.constant 1600 : index
    %swap3A_238 = arith.constant 0 : index
    %swap3A_239 = vector.load %arg5[%swap3A_237, %swap3A_238] : memref<3840x192xbf16, #tpu.memory_space<vmem>>, vector<56x192xbf16>
    tpu.vector_store %arg5[%swap3A_237, %swap3A_238], %convert_element_type3A_236 {strides = array<i32>} : memref<3840x192xbf16, #tpu.memory_space<vmem>>, vector<56x192xbf16>,
    %get3A_240 = arith.constant 0 : index
    %get3A_241 = arith.constant 24 : index
    %get3A_242 = arith.constant 0 : index
    %get3A_243 = arith.constant 0 : index
    %get3A_244 = vector.load %arg1[%get3A_240, %get3A_241, %get3A_242, %get3A_243] : memref<1x56x56x192xf32, #tpu.memory_space<vmem>>, vector<1x1x56x192xf32>
    %get3A_245 = vector.shape_cast %get3A_244 : vector<1x1x56x192xf32> to vector<56x192xf32>
    %convert_element_type3A_246 = arith.truncf %get3A_245 : vector<56x192xf32> to vector<56x192xbf16>
    %swap3A_247 = arith.constant 1664 : index
    %swap3A_248 = arith.constant 0 : index
    %swap3A_249 = vector.load %arg5[%swap3A_247, %swap3A_248] : memref<3840x192xbf16, #tpu.memory_space<vmem>>, vector<56x192xbf16>
    tpu.vector_store %arg5[%swap3A_247, %swap3A_248], %convert_element_type3A_246 {strides = array<i32>} : memref<3840x192xbf16, #tpu.memory_space<vmem>>, vector<56x192xbf16>,
    %get3A_250 = arith.constant 0 : index
    %get3A_251 = arith.constant 25 : index
    %get3A_252 = arith.constant 0 : index
    %get3A_253 = arith.constant 0 : index
    %get3A_254 = vector.load %arg1[%get3A_250, %get3A_251, %get3A_252, %get3A_253] : memref<1x56x56x192xf32, #tpu.memory_space<vmem>>, vector<1x1x56x192xf32>
    %get3A_255 = vector.shape_cast %get3A_254 : vector<1x1x56x192xf32> to vector<56x192xf32>
    %convert_element_type3A_256 = arith.truncf %get3A_255 : vector<56x192xf32> to vector<56x192xbf16>
    %swap3A_257 = arith.constant 1728 : index
    %swap3A_258 = arith.constant 0 : index
    %swap3A_259 = vector.load %arg5[%swap3A_257, %swap3A_258] : memref<3840x192xbf16, #tpu.memory_space<vmem>>, vector<56x192xbf16>
    tpu.vector_store %arg5[%swap3A_257, %swap3A_258], %convert_element_type3A_256 {strides = array<i32>} : memref<3840x192xbf16, #tpu.memory_space<vmem>>, vector<56x192xbf16>,
    %get3A_260 = arith.constant 0 : index
    %get3A_261 = arith.constant 26 : index
    %get3A_262 = arith.constant 0 : index
    %get3A_263 = arith.constant 0 : index
    %get3A_264 = vector.load %arg1[%get3A_260, %get3A_261, %get3A_262, %get3A_263] : memref<1x56x56x192xf32, #tpu.memory_space<vmem>>, vector<1x1x56x192xf32>
    %get3A_265 = vector.shape_cast %get3A_264 : vector<1x1x56x192xf32> to vector<56x192xf32>
    %convert_element_type3A_266 = arith.truncf %get3A_265 : vector<56x192xf32> to vector<56x192xbf16>
    %swap3A_267 = arith.constant 1792 : index
    %swap3A_268 = arith.constant 0 : index
    %swap3A_269 = vector.load %arg5[%swap3A_267, %swap3A_268] : memref<3840x192xbf16, #tpu.memory_space<vmem>>, vector<56x192xbf16>
    tpu.vector_store %arg5[%swap3A_267, %swap3A_268], %convert_element_type3A_266 {strides = array<i32>} : memref<3840x192xbf16, #tpu.memory_space<vmem>>, vector<56x192xbf16>,
    %get3A_270 = arith.constant 0 : index
    %get3A_271 = arith.constant 27 : index
    %get3A_272 = arith.constant 0 : index
    %get3A_273 = arith.constant 0 : index
    %get3A_274 = vector.load %arg1[%get3A_270, %get3A_271, %get3A_272, %get3A_273] : memref<1x56x56x192xf32, #tpu.memory_space<vmem>>, vector<1x1x56x192xf32>
    %get3A_275 = vector.shape_cast %get3A_274 : vector<1x1x56x192xf32> to vector<56x192xf32>
    %convert_element_type3A_276 = arith.truncf %get3A_275 : vector<56x192xf32> to vector<56x192xbf16>
    %swap3A_277 = arith.constant 1856 : index
    %swap3A_278 = arith.constant 0 : index
    %swap3A_279 = vector.load %arg5[%swap3A_277, %swap3A_278] : memref<3840x192xbf16, #tpu.memory_space<vmem>>, vector<56x192xbf16>
    tpu.vector_store %arg5[%swap3A_277, %swap3A_278], %convert_element_type3A_276 {strides = array<i32>} : memref<3840x192xbf16, #tpu.memory_space<vmem>>, vector<56x192xbf16>,
    %get3A_280 = arith.constant 0 : index
    %get3A_281 = arith.constant 28 : index
    %get3A_282 = arith.constant 0 : index
    %get3A_283 = arith.constant 0 : index
    %get3A_284 = vector.load %arg1[%get3A_280, %get3A_281, %get3A_282, %get3A_283] : memref<1x56x56x192xf32, #tpu.memory_space<vmem>>, vector<1x1x56x192xf32>
    %get3A_285 = vector.shape_cast %get3A_284 : vector<1x1x56x192xf32> to vector<56x192xf32>
    %convert_element_type3A_286 = arith.truncf %get3A_285 : vector<56x192xf32> to vector<56x192xbf16>
    %swap3A_287 = arith.constant 1920 : index
    %swap3A_288 = arith.constant 0 : index
    %swap3A_289 = vector.load %arg5[%swap3A_287, %swap3A_288] : memref<3840x192xbf16, #tpu.memory_space<vmem>>, vector<56x192xbf16>
    tpu.vector_store %arg5[%swap3A_287, %swap3A_288], %convert_element_type3A_286 {strides = array<i32>} : memref<3840x192xbf16, #tpu.memory_space<vmem>>, vector<56x192xbf16>,
    %get3A_290 = arith.constant 0 : index
    %get3A_291 = arith.constant 29 : index
    %get3A_292 = arith.constant 0 : index
    %get3A_293 = arith.constant 0 : index
    %get3A_294 = vector.load %arg1[%get3A_290, %get3A_291, %get3A_292, %get3A_293] : memref<1x56x56x192xf32, #tpu.memory_space<vmem>>, vector<1x1x56x192xf32>
    %get3A_295 = vector.shape_cast %get3A_294 : vector<1x1x56x192xf32> to vector<56x192xf32>
    %convert_element_type3A_296 = arith.truncf %get3A_295 : vector<56x192xf32> to vector<56x192xbf16>
    %swap3A_297 = arith.constant 1984 : index
    %swap3A_298 = arith.constant 0 : index
    %swap3A_299 = vector.load %arg5[%swap3A_297, %swap3A_298] : memref<3840x192xbf16, #tpu.memory_space<vmem>>, vector<56x192xbf16>
    tpu.vector_store %arg5[%swap3A_297, %swap3A_298], %convert_element_type3A_296 {strides = array<i32>} : memref<3840x192xbf16, #tpu.memory_space<vmem>>, vector<56x192xbf16>,
    %get3A_300 = arith.constant 0 : index
    %get3A_301 = arith.constant 30 : index
    %get3A_302 = arith.constant 0 : index
    %get3A_303 = arith.constant 0 : index
    %get3A_304 = vector.load %arg1[%get3A_300, %get3A_301, %get3A_302, %get3A_303] : memref<1x56x56x192xf32, #tpu.memory_space<vmem>>, vector<1x1x56x192xf32>
    %get3A_305 = vector.shape_cast %get3A_304 : vector<1x1x56x192xf32> to vector<56x192xf32>
    %convert_element_type3A_306 = arith.truncf %get3A_305 : vector<56x192xf32> to vector<56x192xbf16>
    %swap3A_307 = arith.constant 2048 : index
    %swap3A_308 = arith.constant 0 : index
    %swap3A_309 = vector.load %arg5[%swap3A_307, %swap3A_308] : memref<3840x192xbf16, #tpu.memory_space<vmem>>, vector<56x192xbf16>
    tpu.vector_store %arg5[%swap3A_307, %swap3A_308], %convert_element_type3A_306 {strides = array<i32>} : memref<3840x192xbf16, #tpu.memory_space<vmem>>, vector<56x192xbf16>,
    %get3A_310 = arith.constant 0 : index
    %get3A_311 = arith.constant 31 : index
    %get3A_312 = arith.constant 0 : index
    %get3A_313 = arith.constant 0 : index
    %get3A_314 = vector.load %arg1[%get3A_310, %get3A_311, %get3A_312, %get3A_313] : memref<1x56x56x192xf32, #tpu.memory_space<vmem>>, vector<1x1x56x192xf32>
    %get3A_315 = vector.shape_cast %get3A_314 : vector<1x1x56x192xf32> to vector<56x192xf32>
    %convert_element_type3A_316 = arith.truncf %get3A_315 : vector<56x192xf32> to vector<56x192xbf16>
    %swap3A_317 = arith.constant 2112 : index
    %swap3A_318 = arith.constant 0 : index
    %swap3A_319 = vector.load %arg5[%swap3A_317, %swap3A_318] : memref<3840x192xbf16, #tpu.memory_space<vmem>>, vector<56x192xbf16>
    tpu.vector_store %arg5[%swap3A_317, %swap3A_318], %convert_element_type3A_316 {strides = array<i32>} : memref<3840x192xbf16, #tpu.memory_space<vmem>>, vector<56x192xbf16>,
    %get3A_320 = arith.constant 0 : index
    %get3A_321 = arith.constant 32 : index
    %get3A_322 = arith.constant 0 : index
    %get3A_323 = arith.constant 0 : index
    %get3A_324 = vector.load %arg1[%get3A_320, %get3A_321, %get3A_322, %get3A_323] : memref<1x56x56x192xf32, #tpu.memory_space<vmem>>, vector<1x1x56x192xf32>
    %get3A_325 = vector.shape_cast %get3A_324 : vector<1x1x56x192xf32> to vector<56x192xf32>
    %convert_element_type3A_326 = arith.truncf %get3A_325 : vector<56x192xf32> to vector<56x192xbf16>
    %swap3A_327 = arith.constant 2176 : index
    %swap3A_328 = arith.constant 0 : index
    %swap3A_329 = vector.load %arg5[%swap3A_327, %swap3A_328] : memref<3840x192xbf16, #tpu.memory_space<vmem>>, vector<56x192xbf16>
    tpu.vector_store %arg5[%swap3A_327, %swap3A_328], %convert_element_type3A_326 {strides = array<i32>} : memref<3840x192xbf16, #tpu.memory_space<vmem>>, vector<56x192xbf16>,
    %get3A_330 = arith.constant 0 : index
    %get3A_331 = arith.constant 33 : index
    %get3A_332 = arith.constant 0 : index
    %get3A_333 = arith.constant 0 : index
    %get3A_334 = vector.load %arg1[%get3A_330, %get3A_331, %get3A_332, %get3A_333] : memref<1x56x56x192xf32, #tpu.memory_space<vmem>>, vector<1x1x56x192xf32>
    %get3A_335 = vector.shape_cast %get3A_334 : vector<1x1x56x192xf32> to vector<56x192xf32>
    %convert_element_type3A_336 = arith.truncf %get3A_335 : vector<56x192xf32> to vector<56x192xbf16>
    %swap3A_337 = arith.constant 2240 : index
    %swap3A_338 = arith.constant 0 : index
    %swap3A_339 = vector.load %arg5[%swap3A_337, %swap3A_338] : memref<3840x192xbf16, #tpu.memory_space<vmem>>, vector<56x192xbf16>
    tpu.vector_store %arg5[%swap3A_337, %swap3A_338], %convert_element_type3A_336 {strides = array<i32>} : memref<3840x192xbf16, #tpu.memory_space<vmem>>, vector<56x192xbf16>,
    %get3A_340 = arith.constant 0 : index
    %get3A_341 = arith.constant 34 : index
    %get3A_342 = arith.constant 0 : index
    %get3A_343 = arith.constant 0 : index
    %get3A_344 = vector.load %arg1[%get3A_340, %get3A_341, %get3A_342, %get3A_343] : memref<1x56x56x192xf32, #tpu.memory_space<vmem>>, vector<1x1x56x192xf32>
    %get3A_345 = vector.shape_cast %get3A_344 : vector<1x1x56x192xf32> to vector<56x192xf32>
    %convert_element_type3A_346 = arith.truncf %get3A_345 : vector<56x192xf32> to vector<56x192xbf16>
    %swap3A_347 = arith.constant 2304 : index
    %swap3A_348 = arith.constant 0 : index
    %swap3A_349 = vector.load %arg5[%swap3A_347, %swap3A_348] : memref<3840x192xbf16, #tpu.memory_space<vmem>>, vector<56x192xbf16>
    tpu.vector_store %arg5[%swap3A_347, %swap3A_348], %convert_element_type3A_346 {strides = array<i32>} : memref<3840x192xbf16, #tpu.memory_space<vmem>>, vector<56x192xbf16>,
    %get3A_350 = arith.constant 0 : index
    %get3A_351 = arith.constant 35 : index
    %get3A_352 = arith.constant 0 : index
    %get3A_353 = arith.constant 0 : index
    %get3A_354 = vector.load %arg1[%get3A_350, %get3A_351, %get3A_352, %get3A_353] : memref<1x56x56x192xf32, #tpu.memory_space<vmem>>, vector<1x1x56x192xf32>
    %get3A_355 = vector.shape_cast %get3A_354 : vector<1x1x56x192xf32> to vector<56x192xf32>
    %convert_element_type3A_356 = arith.truncf %get3A_355 : vector<56x192xf32> to vector<56x192xbf16>
    %swap3A_357 = arith.constant 2368 : index
    %swap3A_358 = arith.constant 0 : index
    %swap3A_359 = vector.load %arg5[%swap3A_357, %swap3A_358] : memref<3840x192xbf16, #tpu.memory_space<vmem>>, vector<56x192xbf16>
    tpu.vector_store %arg5[%swap3A_357, %swap3A_358], %convert_element_type3A_356 {strides = array<i32>} : memref<3840x192xbf16, #tpu.memory_space<vmem>>, vector<56x192xbf16>,
    %get3A_360 = arith.constant 0 : index
    %get3A_361 = arith.constant 36 : index
    %get3A_362 = arith.constant 0 : index
    %get3A_363 = arith.constant 0 : index
    %get3A_364 = vector.load %arg1[%get3A_360, %get3A_361, %get3A_362, %get3A_363] : memref<1x56x56x192xf32, #tpu.memory_space<vmem>>, vector<1x1x56x192xf32>
    %get3A_365 = vector.shape_cast %get3A_364 : vector<1x1x56x192xf32> to vector<56x192xf32>
    %convert_element_type3A_366 = arith.truncf %get3A_365 : vector<56x192xf32> to vector<56x192xbf16>
    %swap3A_367 = arith.constant 2432 : index
    %swap3A_368 = arith.constant 0 : index
    %swap3A_369 = vector.load %arg5[%swap3A_367, %swap3A_368] : memref<3840x192xbf16, #tpu.memory_space<vmem>>, vector<56x192xbf16>
    tpu.vector_store %arg5[%swap3A_367, %swap3A_368], %convert_element_type3A_366 {strides = array<i32>} : memref<3840x192xbf16, #tpu.memory_space<vmem>>, vector<56x192xbf16>,
    %get3A_370 = arith.constant 0 : index
    %get3A_371 = arith.constant 37 : index
    %get3A_372 = arith.constant 0 : index
    %get3A_373 = arith.constant 0 : index
    %get3A_374 = vector.load %arg1[%get3A_370, %get3A_371, %get3A_372, %get3A_373] : memref<1x56x56x192xf32, #tpu.memory_space<vmem>>, vector<1x1x56x192xf32>
    %get3A_375 = vector.shape_cast %get3A_374 : vector<1x1x56x192xf32> to vector<56x192xf32>
    %convert_element_type3A_376 = arith.truncf %get3A_375 : vector<56x192xf32> to vector<56x192xbf16>
    %swap3A_377 = arith.constant 2496 : index
    %swap3A_378 = arith.constant 0 : index
    %swap3A_379 = vector.load %arg5[%swap3A_377, %swap3A_378] : memref<3840x192xbf16, #tpu.memory_space<vmem>>, vector<56x192xbf16>
    tpu.vector_store %arg5[%swap3A_377, %swap3A_378], %convert_element_type3A_376 {strides = array<i32>} : memref<3840x192xbf16, #tpu.memory_space<vmem>>, vector<56x192xbf16>,
    %get3A_380 = arith.constant 0 : index
    %get3A_381 = arith.constant 38 : index
    %get3A_382 = arith.constant 0 : index
    %get3A_383 = arith.constant 0 : index
    %get3A_384 = vector.load %arg1[%get3A_380, %get3A_381, %get3A_382, %get3A_383] : memref<1x56x56x192xf32, #tpu.memory_space<vmem>>, vector<1x1x56x192xf32>
    %get3A_385 = vector.shape_cast %get3A_384 : vector<1x1x56x192xf32> to vector<56x192xf32>
    %convert_element_type3A_386 = arith.truncf %get3A_385 : vector<56x192xf32> to vector<56x192xbf16>
    %swap3A_387 = arith.constant 2560 : index
    %swap3A_388 = arith.constant 0 : index
    %swap3A_389 = vector.load %arg5[%swap3A_387, %swap3A_388] : memref<3840x192xbf16, #tpu.memory_space<vmem>>, vector<56x192xbf16>
    tpu.vector_store %arg5[%swap3A_387, %swap3A_388], %convert_element_type3A_386 {strides = array<i32>} : memref<3840x192xbf16, #tpu.memory_space<vmem>>, vector<56x192xbf16>,
    %get3A_390 = arith.constant 0 : index
    %get3A_391 = arith.constant 39 : index
    %get3A_392 = arith.constant 0 : index
    %get3A_393 = arith.constant 0 : index
    %get3A_394 = vector.load %arg1[%get3A_390, %get3A_391, %get3A_392, %get3A_393] : memref<1x56x56x192xf32, #tpu.memory_space<vmem>>, vector<1x1x56x192xf32>
    %get3A_395 = vector.shape_cast %get3A_394 : vector<1x1x56x192xf32> to vector<56x192xf32>
    %convert_element_type3A_396 = arith.truncf %get3A_395 : vector<56x192xf32> to vector<56x192xbf16>
    %swap3A_397 = arith.constant 2624 : index
    %swap3A_398 = arith.constant 0 : index
    %swap3A_399 = vector.load %arg5[%swap3A_397, %swap3A_398] : memref<3840x192xbf16, #tpu.memory_space<vmem>>, vector<56x192xbf16>
    tpu.vector_store %arg5[%swap3A_397, %swap3A_398], %convert_element_type3A_396 {strides = array<i32>} : memref<3840x192xbf16, #tpu.memory_space<vmem>>, vector<56x192xbf16>,
    %get3A_400 = arith.constant 0 : index
    %get3A_401 = arith.constant 40 : index
    %get3A_402 = arith.constant 0 : index
    %get3A_403 = arith.constant 0 : index
    %get3A_404 = vector.load %arg1[%get3A_400, %get3A_401, %get3A_402, %get3A_403] : memref<1x56x56x192xf32, #tpu.memory_space<vmem>>, vector<1x1x56x192xf32>
    %get3A_405 = vector.shape_cast %get3A_404 : vector<1x1x56x192xf32> to vector<56x192xf32>
    %convert_element_type3A_406 = arith.truncf %get3A_405 : vector<56x192xf32> to vector<56x192xbf16>
    %swap3A_407 = arith.constant 2688 : index
    %swap3A_408 = arith.constant 0 : index
    %swap3A_409 = vector.load %arg5[%swap3A_407, %swap3A_408] : memref<3840x192xbf16, #tpu.memory_space<vmem>>, vector<56x192xbf16>
    tpu.vector_store %arg5[%swap3A_407, %swap3A_408], %convert_element_type3A_406 {strides = array<i32>} : memref<3840x192xbf16, #tpu.memory_space<vmem>>, vector<56x192xbf16>,
    %get3A_410 = arith.constant 0 : index
    %get3A_411 = arith.constant 41 : index
    %get3A_412 = arith.constant 0 : index
    %get3A_413 = arith.constant 0 : index
    %get3A_414 = vector.load %arg1[%get3A_410, %get3A_411, %get3A_412, %get3A_413] : memref<1x56x56x192xf32, #tpu.memory_space<vmem>>, vector<1x1x56x192xf32>
    %get3A_415 = vector.shape_cast %get3A_414 : vector<1x1x56x192xf32> to vector<56x192xf32>
    %convert_element_type3A_416 = arith.truncf %get3A_415 : vector<56x192xf32> to vector<56x192xbf16>
    %swap3A_417 = arith.constant 2752 : index
    %swap3A_418 = arith.constant 0 : index
    %swap3A_419 = vector.load %arg5[%swap3A_417, %swap3A_418] : memref<3840x192xbf16, #tpu.memory_space<vmem>>, vector<56x192xbf16>
    tpu.vector_store %arg5[%swap3A_417, %swap3A_418], %convert_element_type3A_416 {strides = array<i32>} : memref<3840x192xbf16, #tpu.memory_space<vmem>>, vector<56x192xbf16>,
    %get3A_420 = arith.constant 0 : index
    %get3A_421 = arith.constant 42 : index
    %get3A_422 = arith.constant 0 : index
    %get3A_423 = arith.constant 0 : index
    %get3A_424 = vector.load %arg1[%get3A_420, %get3A_421, %get3A_422, %get3A_423] : memref<1x56x56x192xf32, #tpu.memory_space<vmem>>, vector<1x1x56x192xf32>
    %get3A_425 = vector.shape_cast %get3A_424 : vector<1x1x56x192xf32> to vector<56x192xf32>
    %convert_element_type3A_426 = arith.truncf %get3A_425 : vector<56x192xf32> to vector<56x192xbf16>
    %swap3A_427 = arith.constant 2816 : index
    %swap3A_428 = arith.constant 0 : index
    %swap3A_429 = vector.load %arg5[%swap3A_427, %swap3A_428] : memref<3840x192xbf16, #tpu.memory_space<vmem>>, vector<56x192xbf16>
    tpu.vector_store %arg5[%swap3A_427, %swap3A_428], %convert_element_type3A_426 {strides = array<i32>} : memref<3840x192xbf16, #tpu.memory_space<vmem>>, vector<56x192xbf16>,
    %get3A_430 = arith.constant 0 : index
    %get3A_431 = arith.constant 43 : index
    %get3A_432 = arith.constant 0 : index
    %get3A_433 = arith.constant 0 : index
    %get3A_434 = vector.load %arg1[%get3A_430, %get3A_431, %get3A_432, %get3A_433] : memref<1x56x56x192xf32, #tpu.memory_space<vmem>>, vector<1x1x56x192xf32>
    %get3A_435 = vector.shape_cast %get3A_434 : vector<1x1x56x192xf32> to vector<56x192xf32>
    %convert_element_type3A_436 = arith.truncf %get3A_435 : vector<56x192xf32> to vector<56x192xbf16>
    %swap3A_437 = arith.constant 2880 : index
    %swap3A_438 = arith.constant 0 : index
    %swap3A_439 = vector.load %arg5[%swap3A_437, %swap3A_438] : memref<3840x192xbf16, #tpu.memory_space<vmem>>, vector<56x192xbf16>
    tpu.vector_store %arg5[%swap3A_437, %swap3A_438], %convert_element_type3A_436 {strides = array<i32>} : memref<3840x192xbf16, #tpu.memory_space<vmem>>, vector<56x192xbf16>,
    %get3A_440 = arith.constant 0 : index
    %get3A_441 = arith.constant 44 : index
    %get3A_442 = arith.constant 0 : index
    %get3A_443 = arith.constant 0 : index
    %get3A_444 = vector.load %arg1[%get3A_440, %get3A_441, %get3A_442, %get3A_443] : memref<1x56x56x192xf32, #tpu.memory_space<vmem>>, vector<1x1x56x192xf32>
    %get3A_445 = vector.shape_cast %get3A_444 : vector<1x1x56x192xf32> to vector<56x192xf32>
    %convert_element_type3A_446 = arith.truncf %get3A_445 : vector<56x192xf32> to vector<56x192xbf16>
    %swap3A_447 = arith.constant 2944 : index
    %swap3A_448 = arith.constant 0 : index
    %swap3A_449 = vector.load %arg5[%swap3A_447, %swap3A_448] : memref<3840x192xbf16, #tpu.memory_space<vmem>>, vector<56x192xbf16>
    tpu.vector_store %arg5[%swap3A_447, %swap3A_448], %convert_element_type3A_446 {strides = array<i32>} : memref<3840x192xbf16, #tpu.memory_space<vmem>>, vector<56x192xbf16>,
    %get3A_450 = arith.constant 0 : index
    %get3A_451 = arith.constant 45 : index
    %get3A_452 = arith.constant 0 : index
    %get3A_453 = arith.constant 0 : index
    %get3A_454 = vector.load %arg1[%get3A_450, %get3A_451, %get3A_452, %get3A_453] : memref<1x56x56x192xf32, #tpu.memory_space<vmem>>, vector<1x1x56x192xf32>
    %get3A_455 = vector.shape_cast %get3A_454 : vector<1x1x56x192xf32> to vector<56x192xf32>
    %convert_element_type3A_456 = arith.truncf %get3A_455 : vector<56x192xf32> to vector<56x192xbf16>
    %swap3A_457 = arith.constant 3008 : index
    %swap3A_458 = arith.constant 0 : index
    %swap3A_459 = vector.load %arg5[%swap3A_457, %swap3A_458] : memref<3840x192xbf16, #tpu.memory_space<vmem>>, vector<56x192xbf16>
    tpu.vector_store %arg5[%swap3A_457, %swap3A_458], %convert_element_type3A_456 {strides = array<i32>} : memref<3840x192xbf16, #tpu.memory_space<vmem>>, vector<56x192xbf16>,
    %get3A_460 = arith.constant 0 : index
    %get3A_461 = arith.constant 46 : index
    %get3A_462 = arith.constant 0 : index
    %get3A_463 = arith.constant 0 : index
    %get3A_464 = vector.load %arg1[%get3A_460, %get3A_461, %get3A_462, %get3A_463] : memref<1x56x56x192xf32, #tpu.memory_space<vmem>>, vector<1x1x56x192xf32>
    %get3A_465 = vector.shape_cast %get3A_464 : vector<1x1x56x192xf32> to vector<56x192xf32>
    %convert_element_type3A_466 = arith.truncf %get3A_465 : vector<56x192xf32> to vector<56x192xbf16>
    %swap3A_467 = arith.constant 3072 : index
    %swap3A_468 = arith.constant 0 : index
    %swap3A_469 = vector.load %arg5[%swap3A_467, %swap3A_468] : memref<3840x192xbf16, #tpu.memory_space<vmem>>, vector<56x192xbf16>
    tpu.vector_store %arg5[%swap3A_467, %swap3A_468], %convert_element_type3A_466 {strides = array<i32>} : memref<3840x192xbf16, #tpu.memory_space<vmem>>, vector<56x192xbf16>,
    %get3A_470 = arith.constant 0 : index
    %get3A_471 = arith.constant 47 : index
    %get3A_472 = arith.constant 0 : index
    %get3A_473 = arith.constant 0 : index
    %get3A_474 = vector.load %arg1[%get3A_470, %get3A_471, %get3A_472, %get3A_473] : memref<1x56x56x192xf32, #tpu.memory_space<vmem>>, vector<1x1x56x192xf32>
    %get3A_475 = vector.shape_cast %get3A_474 : vector<1x1x56x192xf32> to vector<56x192xf32>
    %convert_element_type3A_476 = arith.truncf %get3A_475 : vector<56x192xf32> to vector<56x192xbf16>
    %swap3A_477 = arith.constant 3136 : index
    %swap3A_478 = arith.constant 0 : index
    %swap3A_479 = vector.load %arg5[%swap3A_477, %swap3A_478] : memref<3840x192xbf16, #tpu.memory_space<vmem>>, vector<56x192xbf16>
    tpu.vector_store %arg5[%swap3A_477, %swap3A_478], %convert_element_type3A_476 {strides = array<i32>} : memref<3840x192xbf16, #tpu.memory_space<vmem>>, vector<56x192xbf16>,
    %get3A_480 = arith.constant 0 : index
    %get3A_481 = arith.constant 48 : index
    %get3A_482 = arith.constant 0 : index
    %get3A_483 = arith.constant 0 : index
    %get3A_484 = vector.load %arg1[%get3A_480, %get3A_481, %get3A_482, %get3A_483] : memref<1x56x56x192xf32, #tpu.memory_space<vmem>>, vector<1x1x56x192xf32>
    %get3A_485 = vector.shape_cast %get3A_484 : vector<1x1x56x192xf32> to vector<56x192xf32>
    %convert_element_type3A_486 = arith.truncf %get3A_485 : vector<56x192xf32> to vector<56x192xbf16>
    %swap3A_487 = arith.constant 3200 : index
    %swap3A_488 = arith.constant 0 : index
    %swap3A_489 = vector.load %arg5[%swap3A_487, %swap3A_488] : memref<3840x192xbf16, #tpu.memory_space<vmem>>, vector<56x192xbf16>
    tpu.vector_store %arg5[%swap3A_487, %swap3A_488], %convert_element_type3A_486 {strides = array<i32>} : memref<3840x192xbf16, #tpu.memory_space<vmem>>, vector<56x192xbf16>,
    %get3A_490 = arith.constant 0 : index
    %get3A_491 = arith.constant 49 : index
    %get3A_492 = arith.constant 0 : index
    %get3A_493 = arith.constant 0 : index
    %get3A_494 = vector.load %arg1[%get3A_490, %get3A_491, %get3A_492, %get3A_493] : memref<1x56x56x192xf32, #tpu.memory_space<vmem>>, vector<1x1x56x192xf32>
    %get3A_495 = vector.shape_cast %get3A_494 : vector<1x1x56x192xf32> to vector<56x192xf32>
    %convert_element_type3A_496 = arith.truncf %get3A_495 : vector<56x192xf32> to vector<56x192xbf16>
    %swap3A_497 = arith.constant 3264 : index
    %swap3A_498 = arith.constant 0 : index
    %swap3A_499 = vector.load %arg5[%swap3A_497, %swap3A_498] : memref<3840x192xbf16, #tpu.memory_space<vmem>>, vector<56x192xbf16>
    tpu.vector_store %arg5[%swap3A_497, %swap3A_498], %convert_element_type3A_496 {strides = array<i32>} : memref<3840x192xbf16, #tpu.memory_space<vmem>>, vector<56x192xbf16>,
    %get3A_500 = arith.constant 0 : index
    %get3A_501 = arith.constant 50 : index
    %get3A_502 = arith.constant 0 : index
    %get3A_503 = arith.constant 0 : index
    %get3A_504 = vector.load %arg1[%get3A_500, %get3A_501, %get3A_502, %get3A_503] : memref<1x56x56x192xf32, #tpu.memory_space<vmem>>, vector<1x1x56x192xf32>
    %get3A_505 = vector.shape_cast %get3A_504 : vector<1x1x56x192xf32> to vector<56x192xf32>
    %convert_element_type3A_506 = arith.truncf %get3A_505 : vector<56x192xf32> to vector<56x192xbf16>
    %swap3A_507 = arith.constant 3328 : index
    %swap3A_508 = arith.constant 0 : index
    %swap3A_509 = vector.load %arg5[%swap3A_507, %swap3A_508] : memref<3840x192xbf16, #tpu.memory_space<vmem>>, vector<56x192xbf16>
    tpu.vector_store %arg5[%swap3A_507, %swap3A_508], %convert_element_type3A_506 {strides = array<i32>} : memref<3840x192xbf16, #tpu.memory_space<vmem>>, vector<56x192xbf16>,
    %get3A_510 = arith.constant 0 : index
    %get3A_511 = arith.constant 51 : index
    %get3A_512 = arith.constant 0 : index
    %get3A_513 = arith.constant 0 : index
    %get3A_514 = vector.load %arg1[%get3A_510, %get3A_511, %get3A_512, %get3A_513] : memref<1x56x56x192xf32, #tpu.memory_space<vmem>>, vector<1x1x56x192xf32>
    %get3A_515 = vector.shape_cast %get3A_514 : vector<1x1x56x192xf32> to vector<56x192xf32>
    %convert_element_type3A_516 = arith.truncf %get3A_515 : vector<56x192xf32> to vector<56x192xbf16>
    %swap3A_517 = arith.constant 3392 : index
    %swap3A_518 = arith.constant 0 : index
    %swap3A_519 = vector.load %arg5[%swap3A_517, %swap3A_518] : memref<3840x192xbf16, #tpu.memory_space<vmem>>, vector<56x192xbf16>
    tpu.vector_store %arg5[%swap3A_517, %swap3A_518], %convert_element_type3A_516 {strides = array<i32>} : memref<3840x192xbf16, #tpu.memory_space<vmem>>, vector<56x192xbf16>,
    %get3A_520 = arith.constant 0 : index
    %get3A_521 = arith.constant 52 : index
    %get3A_522 = arith.constant 0 : index
    %get3A_523 = arith.constant 0 : index
    %get3A_524 = vector.load %arg1[%get3A_520, %get3A_521, %get3A_522, %get3A_523] : memref<1x56x56x192xf32, #tpu.memory_space<vmem>>, vector<1x1x56x192xf32>
    %get3A_525 = vector.shape_cast %get3A_524 : vector<1x1x56x192xf32> to vector<56x192xf32>
    %convert_element_type3A_526 = arith.truncf %get3A_525 : vector<56x192xf32> to vector<56x192xbf16>
    %swap3A_527 = arith.constant 3456 : index
    %swap3A_528 = arith.constant 0 : index
    %swap3A_529 = vector.load %arg5[%swap3A_527, %swap3A_528] : memref<3840x192xbf16, #tpu.memory_space<vmem>>, vector<56x192xbf16>
    tpu.vector_store %arg5[%swap3A_527, %swap3A_528], %convert_element_type3A_526 {strides = array<i32>} : memref<3840x192xbf16, #tpu.memory_space<vmem>>, vector<56x192xbf16>,
    %get3A_530 = arith.constant 0 : index
    %get3A_531 = arith.constant 53 : index
    %get3A_532 = arith.constant 0 : index
    %get3A_533 = arith.constant 0 : index
    %get3A_534 = vector.load %arg1[%get3A_530, %get3A_531, %get3A_532, %get3A_533] : memref<1x56x56x192xf32, #tpu.memory_space<vmem>>, vector<1x1x56x192xf32>
    %get3A_535 = vector.shape_cast %get3A_534 : vector<1x1x56x192xf32> to vector<56x192xf32>
    %convert_element_type3A_536 = arith.truncf %get3A_535 : vector<56x192xf32> to vector<56x192xbf16>
    %swap3A_537 = arith.constant 3520 : index
    %swap3A_538 = arith.constant 0 : index
    %swap3A_539 = vector.load %arg5[%swap3A_537, %swap3A_538] : memref<3840x192xbf16, #tpu.memory_space<vmem>>, vector<56x192xbf16>
    tpu.vector_store %arg5[%swap3A_537, %swap3A_538], %convert_element_type3A_536 {strides = array<i32>} : memref<3840x192xbf16, #tpu.memory_space<vmem>>, vector<56x192xbf16>,
    %get3A_540 = arith.constant 0 : index
    %get3A_541 = arith.constant 54 : index
    %get3A_542 = arith.constant 0 : index
    %get3A_543 = arith.constant 0 : index
    %get3A_544 = vector.load %arg1[%get3A_540, %get3A_541, %get3A_542, %get3A_543] : memref<1x56x56x192xf32, #tpu.memory_space<vmem>>, vector<1x1x56x192xf32>
    %get3A_545 = vector.shape_cast %get3A_544 : vector<1x1x56x192xf32> to vector<56x192xf32>
    %convert_element_type3A_546 = arith.truncf %get3A_545 : vector<56x192xf32> to vector<56x192xbf16>
    %swap3A_547 = arith.constant 3584 : index
    %swap3A_548 = arith.constant 0 : index
    %swap3A_549 = vector.load %arg5[%swap3A_547, %swap3A_548] : memref<3840x192xbf16, #tpu.memory_space<vmem>>, vector<56x192xbf16>
    tpu.vector_store %arg5[%swap3A_547, %swap3A_548], %convert_element_type3A_546 {strides = array<i32>} : memref<3840x192xbf16, #tpu.memory_space<vmem>>, vector<56x192xbf16>,
    %get3A_550 = arith.constant 0 : index
    %get3A_551 = arith.constant 55 : index
    %get3A_552 = arith.constant 0 : index
    %get3A_553 = arith.constant 0 : index
    %get3A_554 = vector.load %arg1[%get3A_550, %get3A_551, %get3A_552, %get3A_553] : memref<1x56x56x192xf32, #tpu.memory_space<vmem>>, vector<1x1x56x192xf32>
    %get3A_555 = vector.shape_cast %get3A_554 : vector<1x1x56x192xf32> to vector<56x192xf32>
    %convert_element_type3A_556 = arith.truncf %get3A_555 : vector<56x192xf32> to vector<56x192xbf16>
    %swap3A_557 = arith.constant 3648 : index
    %swap3A_558 = arith.constant 0 : index
    %swap3A_559 = vector.load %arg5[%swap3A_557, %swap3A_558] : memref<3840x192xbf16, #tpu.memory_space<vmem>>, vector<56x192xbf16>
    tpu.vector_store %arg5[%swap3A_557, %swap3A_558], %convert_element_type3A_556 {strides = array<i32>} : memref<3840x192xbf16, #tpu.memory_space<vmem>>, vector<56x192xbf16>,
    %get3A_560 = arith.constant 0 : index
    %get3A_561 = arith.constant 0 : index
    %get3A_562 = vector.load %arg5[%get3A_560, %get3A_561] : memref<3840x192xbf16, #tpu.memory_space<vmem>>, vector<3840x192xbf16>
    %roll3A = arith.constant 1 : i32
    %roll3A_563 = tpu.dynamic_rotate %get3A_562 by %roll3A dim 0 : vector<3840x192xbf16>, i32 -> vector<3840x192xbf16>
    %roll3A_564 = arith.constant 3839 : i32
    %roll3A_565 = tpu.dynamic_rotate %get3A_562 by %roll3A_564 dim 0 : vector<3840x192xbf16>, i32 -> vector<3840x192xbf16>
    %get3A_566 = arith.constant 0 : index
    %get3A_567 = arith.constant 0 : index
    %get3A_568 = vector.load %arg3[%get3A_566, %get3A_567] : memref<1x192xf32, #tpu.memory_space<vmem>>, vector<1x192xf32>
    %broadcast_in_dim3A = arith.constant 0.000000e+00 : f32
    %broadcast_in_dim3A_569 = vector.broadcast %broadcast_in_dim3A : f32 to vector<3584x192xf32>
    %add3A = vector.broadcast %get3A_568 : vector<1x192xf32> to vector<3584x192xf32>
    %add3A_570 = arith.addf %add3A, %broadcast_in_dim3A_569 : vector<3584x192xf32>
    %slice3A = vector.extract_strided_slice %roll3A_563 {offsets = [64, 0], sizes = [3584, 192], strides = [1, 1]} : vector<3840x192xbf16> to vector<3584x192xbf16>
    %get3A_571 = arith.constant 0 : index
    %get3A_572 = arith.constant 0 : index
    %get3A_573 = arith.constant 0 : index
    %get3A_574 = vector.load %arg6[%get3A_571, %get3A_572, %get3A_573] : memref<9x192x192xbf16, #tpu.memory_space<vmem>>, vector<1x192x192xbf16>
    %get3A_575 = vector.shape_cast %get3A_574 : vector<1x192x192xbf16> to vector<192x192xbf16>
    %dot_general3A = arith.constant dense<0.000000e+00> : vector<3584x192xf32>
    %dot_general3A_576 = tpu.matmul %slice3A, %get3A_575, %dot_general3A {dimension_numbers = #tpu.dot_dimension_numbers<[1], [1], [0], [0], [0, 0, 1, 0], [], []>, transpose_lhs_hint = false} : vector<3584x192xbf16>, vector<192x192xbf16>, vector<3584x192xf32> -> vector<3584x192xf32>
    %add3A_577 = arith.addf %add3A_570, %dot_general3A_576 : vector<3584x192xf32>
    %slice3A_578 = vector.extract_strided_slice %get3A_562 {offsets = [64, 0], sizes = [3584, 192], strides = [1, 1]} : vector<3840x192xbf16> to vector<3584x192xbf16>
    %get3A_579 = arith.constant 1 : index
    %get3A_580 = arith.constant 0 : index
    %get3A_581 = arith.constant 0 : index
    %get3A_582 = vector.load %arg6[%get3A_579, %get3A_580, %get3A_581] : memref<9x192x192xbf16, #tpu.memory_space<vmem>>, vector<1x192x192xbf16>
    %get3A_583 = vector.shape_cast %get3A_582 : vector<1x192x192xbf16> to vector<192x192xbf16>
    %dot_general3A_584 = arith.constant dense<0.000000e+00> : vector<3584x192xf32>
    %dot_general3A_585 = tpu.matmul %slice3A_578, %get3A_583, %dot_general3A_584 {dimension_numbers = #tpu.dot_dimension_numbers<[1], [1], [0], [0], [0, 0, 1, 0], [], []>, transpose_lhs_hint = false} : vector<3584x192xbf16>, vector<192x192xbf16>, vector<3584x192xf32> -> vector<3584x192xf32>
    %add3A_586 = arith.addf %add3A_577, %dot_general3A_585 : vector<3584x192xf32>
    %slice3A_587 = vector.extract_strided_slice %roll3A_565 {offsets = [64, 0], sizes = [3584, 192], strides = [1, 1]} : vector<3840x192xbf16> to vector<3584x192xbf16>
    %get3A_588 = arith.constant 2 : index
    %get3A_589 = arith.constant 0 : index
    %get3A_590 = arith.constant 0 : index
    %get3A_591 = vector.load %arg6[%get3A_588, %get3A_589, %get3A_590] : memref<9x192x192xbf16, #tpu.memory_space<vmem>>, vector<1x192x192xbf16>
    %get3A_592 = vector.shape_cast %get3A_591 : vector<1x192x192xbf16> to vector<192x192xbf16>
    %dot_general3A_593 = arith.constant dense<0.000000e+00> : vector<3584x192xf32>
    %dot_general3A_594 = tpu.matmul %slice3A_587, %get3A_592, %dot_general3A_593 {dimension_numbers = #tpu.dot_dimension_numbers<[1], [1], [0], [0], [0, 0, 1, 0], [], []>, transpose_lhs_hint = false} : vector<3584x192xbf16>, vector<192x192xbf16>, vector<3584x192xf32> -> vector<3584x192xf32>
    %add3A_595 = arith.addf %add3A_586, %dot_general3A_594 : vector<3584x192xf32>
    %slice3A_596 = vector.extract_strided_slice %roll3A_563 {offsets = [128, 0], sizes = [3584, 192], strides = [1, 1]} : vector<3840x192xbf16> to vector<3584x192xbf16>
    %get3A_597 = arith.constant 3 : index
    %get3A_598 = arith.constant 0 : index
    %get3A_599 = arith.constant 0 : index
    %get3A_600 = vector.load %arg6[%get3A_597, %get3A_598, %get3A_599] : memref<9x192x192xbf16, #tpu.memory_space<vmem>>, vector<1x192x192xbf16>
    %get3A_601 = vector.shape_cast %get3A_600 : vector<1x192x192xbf16> to vector<192x192xbf16>
    %dot_general3A_602 = arith.constant dense<0.000000e+00> : vector<3584x192xf32>
    %dot_general3A_603 = tpu.matmul %slice3A_596, %get3A_601, %dot_general3A_602 {dimension_numbers = #tpu.dot_dimension_numbers<[1], [1], [0], [0], [0, 0, 1, 0], [], []>, transpose_lhs_hint = false} : vector<3584x192xbf16>, vector<192x192xbf16>, vector<3584x192xf32> -> vector<3584x192xf32>
    %add3A_604 = arith.addf %add3A_595, %dot_general3A_603 : vector<3584x192xf32>
    %slice3A_605 = vector.extract_strided_slice %get3A_562 {offsets = [128, 0], sizes = [3584, 192], strides = [1, 1]} : vector<3840x192xbf16> to vector<3584x192xbf16>
    %get3A_606 = arith.constant 4 : index
    %get3A_607 = arith.constant 0 : index
    %get3A_608 = arith.constant 0 : index
    %get3A_609 = vector.load %arg6[%get3A_606, %get3A_607, %get3A_608] : memref<9x192x192xbf16, #tpu.memory_space<vmem>>, vector<1x192x192xbf16>
    %get3A_610 = vector.shape_cast %get3A_609 : vector<1x192x192xbf16> to vector<192x192xbf16>
    %dot_general3A_611 = arith.constant dense<0.000000e+00> : vector<3584x192xf32>
    %dot_general3A_612 = tpu.matmul %slice3A_605, %get3A_610, %dot_general3A_611 {dimension_numbers = #tpu.dot_dimension_numbers<[1], [1], [0], [0], [0, 0, 1, 0], [], []>, transpose_lhs_hint = false} : vector<3584x192xbf16>, vector<192x192xbf16>, vector<3584x192xf32> -> vector<3584x192xf32>
    %add3A_613 = arith.addf %add3A_604, %dot_general3A_612 : vector<3584x192xf32>
    %slice3A_614 = vector.extract_strided_slice %roll3A_565 {offsets = [128, 0], sizes = [3584, 192], strides = [1, 1]} : vector<3840x192xbf16> to vector<3584x192xbf16>
    %get3A_615 = arith.constant 5 : index
    %get3A_616 = arith.constant 0 : index
    %get3A_617 = arith.constant 0 : index
    %get3A_618 = vector.load %arg6[%get3A_615, %get3A_616, %get3A_617] : memref<9x192x192xbf16, #tpu.memory_space<vmem>>, vector<1x192x192xbf16>
    %get3A_619 = vector.shape_cast %get3A_618 : vector<1x192x192xbf16> to vector<192x192xbf16>
    %dot_general3A_620 = arith.constant dense<0.000000e+00> : vector<3584x192xf32>
    %dot_general3A_621 = tpu.matmul %slice3A_614, %get3A_619, %dot_general3A_620 {dimension_numbers = #tpu.dot_dimension_numbers<[1], [1], [0], [0], [0, 0, 1, 0], [], []>, transpose_lhs_hint = false} : vector<3584x192xbf16>, vector<192x192xbf16>, vector<3584x192xf32> -> vector<3584x192xf32>
    %add3A_622 = arith.addf %add3A_613, %dot_general3A_621 : vector<3584x192xf32>
    %slice3A_623 = vector.extract_strided_slice %roll3A_563 {offsets = [192, 0], sizes = [3584, 192], strides = [1, 1]} : vector<3840x192xbf16> to vector<3584x192xbf16>
    %get3A_624 = arith.constant 6 : index
    %get3A_625 = arith.constant 0 : index
    %get3A_626 = arith.constant 0 : index
    %get3A_627 = vector.load %arg6[%get3A_624, %get3A_625, %get3A_626] : memref<9x192x192xbf16, #tpu.memory_space<vmem>>, vector<1x192x192xbf16>
    %get3A_628 = vector.shape_cast %get3A_627 : vector<1x192x192xbf16> to vector<192x192xbf16>
    %dot_general3A_629 = arith.constant dense<0.000000e+00> : vector<3584x192xf32>
    %dot_general3A_630 = tpu.matmul %slice3A_623, %get3A_628, %dot_general3A_629 {dimension_numbers = #tpu.dot_dimension_numbers<[1], [1], [0], [0], [0, 0, 1, 0], [], []>, transpose_lhs_hint = false} : vector<3584x192xbf16>, vector<192x192xbf16>, vector<3584x192xf32> -> vector<3584x192xf32>
    %add3A_631 = arith.addf %add3A_622, %dot_general3A_630 : vector<3584x192xf32>
    %slice3A_632 = vector.extract_strided_slice %get3A_562 {offsets = [192, 0], sizes = [3584, 192], strides = [1, 1]} : vector<3840x192xbf16> to vector<3584x192xbf16>
    %get3A_633 = arith.constant 7 : index
    %get3A_634 = arith.constant 0 : index
    %get3A_635 = arith.constant 0 : index
    %get3A_636 = vector.load %arg6[%get3A_633, %get3A_634, %get3A_635] : memref<9x192x192xbf16, #tpu.memory_space<vmem>>, vector<1x192x192xbf16>
    %get3A_637 = vector.shape_cast %get3A_636 : vector<1x192x192xbf16> to vector<192x192xbf16>
    %dot_general3A_638 = arith.constant dense<0.000000e+00> : vector<3584x192xf32>
    %dot_general3A_639 = tpu.matmul %slice3A_632, %get3A_637, %dot_general3A_638 {dimension_numbers = #tpu.dot_dimension_numbers<[1], [1], [0], [0], [0, 0, 1, 0], [], []>, transpose_lhs_hint = false} : vector<3584x192xbf16>, vector<192x192xbf16>, vector<3584x192xf32> -> vector<3584x192xf32>
    %add3A_640 = arith.addf %add3A_631, %dot_general3A_639 : vector<3584x192xf32>
    %slice3A_641 = vector.extract_strided_slice %roll3A_565 {offsets = [192, 0], sizes = [3584, 192], strides = [1, 1]} : vector<3840x192xbf16> to vector<3584x192xbf16>
    %get3A_642 = arith.constant 8 : index
    %get3A_643 = arith.constant 0 : index
    %get3A_644 = arith.constant 0 : index
    %get3A_645 = vector.load %arg6[%get3A_642, %get3A_643, %get3A_644] : memref<9x192x192xbf16, #tpu.memory_space<vmem>>, vector<1x192x192xbf16>
    %get3A_646 = vector.shape_cast %get3A_645 : vector<1x192x192xbf16> to vector<192x192xbf16>
    %dot_general3A_647 = arith.constant dense<0.000000e+00> : vector<3584x192xf32>
    %dot_general3A_648 = tpu.matmul %slice3A_641, %get3A_646, %dot_general3A_647 {dimension_numbers = #tpu.dot_dimension_numbers<[1], [1], [0], [0], [0, 0, 1, 0], [], []>, transpose_lhs_hint = false} : vector<3584x192xbf16>, vector<192x192xbf16>, vector<3584x192xf32> -> vector<3584x192xf32>
    %add3A_649 = arith.addf %add3A_640, %dot_general3A_648 : vector<3584x192xf32>
    %slice3A_650 = vector.extract_strided_slice %add3A_649 {offsets = [0, 0], sizes = [56, 192], strides = [1, 1]} : vector<3584x192xf32> to vector<56x192xf32>
    %swap3A_651 = arith.constant 0 : index
    %swap3A_652 = arith.constant 0 : index
    %swap3A_653 = arith.constant 0 : index
    %swap3A_654 = arith.constant 0 : index
    %swap3A_655 = vector.load %arg4[%swap3A_651, %swap3A_652, %swap3A_653, %swap3A_654] : memref<1x56x56x192xf32, #tpu.memory_space<vmem>>, vector<1x1x56x192xf32>
    %swap3A_656 = vector.shape_cast %swap3A_655 : vector<1x1x56x192xf32> to vector<56x192xf32>
    %swap3A_657 = vector.shape_cast %slice3A_650 : vector<56x192xf32> to vector<1x1x56x192xf32>
    tpu.vector_store %arg4[%swap3A_651, %swap3A_652, %swap3A_653, %swap3A_654], %swap3A_657 {strides = array<i32>} : memref<1x56x56x192xf32, #tpu.memory_space<vmem>>, vector<1x1x56x192xf32>,
    %slice3A_658 = vector.extract_strided_slice %add3A_649 {offsets = [64, 0], sizes = [56, 192], strides = [1, 1]} : vector<3584x192xf32> to vector<56x192xf32>
    %swap3A_659 = arith.constant 0 : index
    %swap3A_660 = arith.constant 1 : index
    %swap3A_661 = arith.constant 0 : index
    %swap3A_662 = arith.constant 0 : index
    %swap3A_663 = vector.load %arg4[%swap3A_659, %swap3A_660, %swap3A_661, %swap3A_662] : memref<1x56x56x192xf32, #tpu.memory_space<vmem>>, vector<1x1x56x192xf32>
    %swap3A_664 = vector.shape_cast %swap3A_663 : vector<1x1x56x192xf32> to vector<56x192xf32>
    %swap3A_665 = vector.shape_cast %slice3A_658 : vector<56x192xf32> to vector<1x1x56x192xf32>
    tpu.vector_store %arg4[%swap3A_659, %swap3A_660, %swap3A_661, %swap3A_662], %swap3A_665 {strides = array<i32>} : memref<1x56x56x192xf32, #tpu.memory_space<vmem>>, vector<1x1x56x192xf32>,
    %slice3A_666 = vector.extract_strided_slice %add3A_649 {offsets = [128, 0], sizes = [56, 192], strides = [1, 1]} : vector<3584x192xf32> to vector<56x192xf32>
    %swap3A_667 = arith.constant 0 : index
    %swap3A_668 = arith.constant 2 : index
    %swap3A_669 = arith.constant 0 : index
    %swap3A_670 = arith.constant 0 : index
    %swap3A_671 = vector.load %arg4[%swap3A_667, %swap3A_668, %swap3A_669, %swap3A_670] : memref<1x56x56x192xf32, #tpu.memory_space<vmem>>, vector<1x1x56x192xf32>
    %swap3A_672 = vector.shape_cast %swap3A_671 : vector<1x1x56x192xf32> to vector<56x192xf32>
    %swap3A_673 = vector.shape_cast %slice3A_666 : vector<56x192xf32> to vector<1x1x56x192xf32>
    tpu.vector_store %arg4[%swap3A_667, %swap3A_668, %swap3A_669, %swap3A_670], %swap3A_673 {strides = array<i32>} : memref<1x56x56x192xf32, #tpu.memory_space<vmem>>, vector<1x1x56x192xf32>,
    %slice3A_674 = vector.extract_strided_slice %add3A_649 {offsets = [192, 0], sizes = [56, 192], strides = [1, 1]} : vector<3584x192xf32> to vector<56x192xf32>
    %swap3A_675 = arith.constant 0 : index
    %swap3A_676 = arith.constant 3 : index
    %swap3A_677 = arith.constant 0 : index
    %swap3A_678 = arith.constant 0 : index
    %swap3A_679 = vector.load %arg4[%swap3A_675, %swap3A_676, %swap3A_677, %swap3A_678] : memref<1x56x56x192xf32, #tpu.memory_space<vmem>>, vector<1x1x56x192xf32>
    %swap3A_680 = vector.shape_cast %swap3A_679 : vector<1x1x56x192xf32> to vector<56x192xf32>
    %swap3A_681 = vector.shape_cast %slice3A_674 : vector<56x192xf32> to vector<1x1x56x192xf32>
    tpu.vector_store %arg4[%swap3A_675, %swap3A_676, %swap3A_677, %swap3A_678], %swap3A_681 {strides = array<i32>} : memref<1x56x56x192xf32, #tpu.memory_space<vmem>>, vector<1x1x56x192xf32>,
    %slice3A_682 = vector.extract_strided_slice %add3A_649 {offsets = [256, 0], sizes = [56, 192], strides = [1, 1]} : vector<3584x192xf32> to vector<56x192xf32>
    %swap3A_683 = arith.constant 0 : index
    %swap3A_684 = arith.constant 4 : index
    %swap3A_685 = arith.constant 0 : index
    %swap3A_686 = arith.constant 0 : index
    %swap3A_687 = vector.load %arg4[%swap3A_683, %swap3A_684, %swap3A_685, %swap3A_686] : memref<1x56x56x192xf32, #tpu.memory_space<vmem>>, vector<1x1x56x192xf32>
    %swap3A_688 = vector.shape_cast %swap3A_687 : vector<1x1x56x192xf32> to vector<56x192xf32>
    %swap3A_689 = vector.shape_cast %slice3A_682 : vector<56x192xf32> to vector<1x1x56x192xf32>
    tpu.vector_store %arg4[%swap3A_683, %swap3A_684, %swap3A_685, %swap3A_686], %swap3A_689 {strides = array<i32>} : memref<1x56x56x192xf32, #tpu.memory_space<vmem>>, vector<1x1x56x192xf32>,
    %slice3A_690 = vector.extract_strided_slice %add3A_649 {offsets = [320, 0], sizes = [56, 192], strides = [1, 1]} : vector<3584x192xf32> to vector<56x192xf32>
    %swap3A_691 = arith.constant 0 : index
    %swap3A_692 = arith.constant 5 : index
    %swap3A_693 = arith.constant 0 : index
    %swap3A_694 = arith.constant 0 : index
    %swap3A_695 = vector.load %arg4[%swap3A_691, %swap3A_692, %swap3A_693, %swap3A_694] : memref<1x56x56x192xf32, #tpu.memory_space<vmem>>, vector<1x1x56x192xf32>
    %swap3A_696 = vector.shape_cast %swap3A_695 : vector<1x1x56x192xf32> to vector<56x192xf32>
    %swap3A_697 = vector.shape_cast %slice3A_690 : vector<56x192xf32> to vector<1x1x56x192xf32>
    tpu.vector_store %arg4[%swap3A_691, %swap3A_692, %swap3A_693, %swap3A_694], %swap3A_697 {strides = array<i32>} : memref<1x56x56x192xf32, #tpu.memory_space<vmem>>, vector<1x1x56x192xf32>,
    %slice3A_698 = vector.extract_strided_slice %add3A_649 {offsets = [384, 0], sizes = [56, 192], strides = [1, 1]} : vector<3584x192xf32> to vector<56x192xf32>
    %swap3A_699 = arith.constant 0 : index
    %swap3A_700 = arith.constant 6 : index
    %swap3A_701 = arith.constant 0 : index
    %swap3A_702 = arith.constant 0 : index
    %swap3A_703 = vector.load %arg4[%swap3A_699, %swap3A_700, %swap3A_701, %swap3A_702] : memref<1x56x56x192xf32, #tpu.memory_space<vmem>>, vector<1x1x56x192xf32>
    %swap3A_704 = vector.shape_cast %swap3A_703 : vector<1x1x56x192xf32> to vector<56x192xf32>
    %swap3A_705 = vector.shape_cast %slice3A_698 : vector<56x192xf32> to vector<1x1x56x192xf32>
    tpu.vector_store %arg4[%swap3A_699, %swap3A_700, %swap3A_701, %swap3A_702], %swap3A_705 {strides = array<i32>} : memref<1x56x56x192xf32, #tpu.memory_space<vmem>>, vector<1x1x56x192xf32>,
    %slice3A_706 = vector.extract_strided_slice %add3A_649 {offsets = [448, 0], sizes = [56, 192], strides = [1, 1]} : vector<3584x192xf32> to vector<56x192xf32>
    %swap3A_707 = arith.constant 0 : index
    %swap3A_708 = arith.constant 7 : index
    %swap3A_709 = arith.constant 0 : index
    %swap3A_710 = arith.constant 0 : index
    %swap3A_711 = vector.load %arg4[%swap3A_707, %swap3A_708, %swap3A_709, %swap3A_710] : memref<1x56x56x192xf32, #tpu.memory_space<vmem>>, vector<1x1x56x192xf32>
    %swap3A_712 = vector.shape_cast %swap3A_711 : vector<1x1x56x192xf32> to vector<56x192xf32>
    %swap3A_713 = vector.shape_cast %slice3A_706 : vector<56x192xf32> to vector<1x1x56x192xf32>
    tpu.vector_store %arg4[%swap3A_707, %swap3A_708, %swap3A_709, %swap3A_710], %swap3A_713 {strides = array<i32>} : memref<1x56x56x192xf32, #tpu.memory_space<vmem>>, vector<1x1x56x192xf32>,
    %slice3A_714 = vector.extract_strided_slice %add3A_649 {offsets = [512, 0], sizes = [56, 192], strides = [1, 1]} : vector<3584x192xf32> to vector<56x192xf32>
    %swap3A_715 = arith.constant 0 : index
    %swap3A_716 = arith.constant 8 : index
    %swap3A_717 = arith.constant 0 : index
    %swap3A_718 = arith.constant 0 : index
    %swap3A_719 = vector.load %arg4[%swap3A_715, %swap3A_716, %swap3A_717, %swap3A_718] : memref<1x56x56x192xf32, #tpu.memory_space<vmem>>, vector<1x1x56x192xf32>
    %swap3A_720 = vector.shape_cast %swap3A_719 : vector<1x1x56x192xf32> to vector<56x192xf32>
    %swap3A_721 = vector.shape_cast %slice3A_714 : vector<56x192xf32> to vector<1x1x56x192xf32>
    tpu.vector_store %arg4[%swap3A_715, %swap3A_716, %swap3A_717, %swap3A_718], %swap3A_721 {strides = array<i32>} : memref<1x56x56x192xf32, #tpu.memory_space<vmem>>, vector<1x1x56x192xf32>,
    %slice3A_722 = vector.extract_strided_slice %add3A_649 {offsets = [576, 0], sizes = [56, 192], strides = [1, 1]} : vector<3584x192xf32> to vector<56x192xf32>
    %swap3A_723 = arith.constant 0 : index
    %swap3A_724 = arith.constant 9 : index
    %swap3A_725 = arith.constant 0 : index
    %swap3A_726 = arith.constant 0 : index
    %swap3A_727 = vector.load %arg4[%swap3A_723, %swap3A_724, %swap3A_725, %swap3A_726] : memref<1x56x56x192xf32, #tpu.memory_space<vmem>>, vector<1x1x56x192xf32>
    %swap3A_728 = vector.shape_cast %swap3A_727 : vector<1x1x56x192xf32> to vector<56x192xf32>
    %swap3A_729 = vector.shape_cast %slice3A_722 : vector<56x192xf32> to vector<1x1x56x192xf32>
    tpu.vector_store %arg4[%swap3A_723, %swap3A_724, %swap3A_725, %swap3A_726], %swap3A_729 {strides = array<i32>} : memref<1x56x56x192xf32, #tpu.memory_space<vmem>>, vector<1x1x56x192xf32>,
    %slice3A_730 = vector.extract_strided_slice %add3A_649 {offsets = [640, 0], sizes = [56, 192], strides = [1, 1]} : vector<3584x192xf32> to vector<56x192xf32>
    %swap3A_731 = arith.constant 0 : index
    %swap3A_732 = arith.constant 10 : index
    %swap3A_733 = arith.constant 0 : index
    %swap3A_734 = arith.constant 0 : index
    %swap3A_735 = vector.load %arg4[%swap3A_731, %swap3A_732, %swap3A_733, %swap3A_734] : memref<1x56x56x192xf32, #tpu.memory_space<vmem>>, vector<1x1x56x192xf32>
    %swap3A_736 = vector.shape_cast %swap3A_735 : vector<1x1x56x192xf32> to vector<56x192xf32>
    %swap3A_737 = vector.shape_cast %slice3A_730 : vector<56x192xf32> to vector<1x1x56x192xf32>
    tpu.vector_store %arg4[%swap3A_731, %swap3A_732, %swap3A_733, %swap3A_734], %swap3A_737 {strides = array<i32>} : memref<1x56x56x192xf32, #tpu.memory_space<vmem>>, vector<1x1x56x192xf32>,
    %slice3A_738 = vector.extract_strided_slice %add3A_649 {offsets = [704, 0], sizes = [56, 192], strides = [1, 1]} : vector<3584x192xf32> to vector<56x192xf32>
    %swap3A_739 = arith.constant 0 : index
    %swap3A_740 = arith.constant 11 : index
    %swap3A_741 = arith.constant 0 : index
    %swap3A_742 = arith.constant 0 : index
    %swap3A_743 = vector.load %arg4[%swap3A_739, %swap3A_740, %swap3A_741, %swap3A_742] : memref<1x56x56x192xf32, #tpu.memory_space<vmem>>, vector<1x1x56x192xf32>
    %swap3A_744 = vector.shape_cast %swap3A_743 : vector<1x1x56x192xf32> to vector<56x192xf32>
    %swap3A_745 = vector.shape_cast %slice3A_738 : vector<56x192xf32> to vector<1x1x56x192xf32>
    tpu.vector_store %arg4[%swap3A_739, %swap3A_740, %swap3A_741, %swap3A_742], %swap3A_745 {strides = array<i32>} : memref<1x56x56x192xf32, #tpu.memory_space<vmem>>, vector<1x1x56x192xf32>,
    %slice3A_746 = vector.extract_strided_slice %add3A_649 {offsets = [768, 0], sizes = [56, 192], strides = [1, 1]} : vector<3584x192xf32> to vector<56x192xf32>
    %swap3A_747 = arith.constant 0 : index
    %swap3A_748 = arith.constant 12 : index
    %swap3A_749 = arith.constant 0 : index
    %swap3A_750 = arith.constant 0 : index
    %swap3A_751 = vector.load %arg4[%swap3A_747, %swap3A_748, %swap3A_749, %swap3A_750] : memref<1x56x56x192xf32, #tpu.memory_space<vmem>>, vector<1x1x56x192xf32>
    %swap3A_752 = vector.shape_cast %swap3A_751 : vector<1x1x56x192xf32> to vector<56x192xf32>
    %swap3A_753 = vector.shape_cast %slice3A_746 : vector<56x192xf32> to vector<1x1x56x192xf32>
    tpu.vector_store %arg4[%swap3A_747, %swap3A_748, %swap3A_749, %swap3A_750], %swap3A_753 {strides = array<i32>} : memref<1x56x56x192xf32, #tpu.memory_space<vmem>>, vector<1x1x56x192xf32>,
    %slice3A_754 = vector.extract_strided_slice %add3A_649 {offsets = [832, 0], sizes = [56, 192], strides = [1, 1]} : vector<3584x192xf32> to vector<56x192xf32>
    %swap3A_755 = arith.constant 0 : index
    %swap3A_756 = arith.constant 13 : index
    %swap3A_757 = arith.constant 0 : index
    %swap3A_758 = arith.constant 0 : index
    %swap3A_759 = vector.load %arg4[%swap3A_755, %swap3A_756, %swap3A_757, %swap3A_758] : memref<1x56x56x192xf32, #tpu.memory_space<vmem>>, vector<1x1x56x192xf32>
    %swap3A_760 = vector.shape_cast %swap3A_759 : vector<1x1x56x192xf32> to vector<56x192xf32>
    %swap3A_761 = vector.shape_cast %slice3A_754 : vector<56x192xf32> to vector<1x1x56x192xf32>
    tpu.vector_store %arg4[%swap3A_755, %swap3A_756, %swap3A_757, %swap3A_758], %swap3A_761 {strides = array<i32>} : memref<1x56x56x192xf32, #tpu.memory_space<vmem>>, vector<1x1x56x192xf32>,
    %slice3A_762 = vector.extract_strided_slice %add3A_649 {offsets = [896, 0], sizes = [56, 192], strides = [1, 1]} : vector<3584x192xf32> to vector<56x192xf32>
    %swap3A_763 = arith.constant 0 : index
    %swap3A_764 = arith.constant 14 : index
    %swap3A_765 = arith.constant 0 : index
    %swap3A_766 = arith.constant 0 : index
    %swap3A_767 = vector.load %arg4[%swap3A_763, %swap3A_764, %swap3A_765, %swap3A_766] : memref<1x56x56x192xf32, #tpu.memory_space<vmem>>, vector<1x1x56x192xf32>
    %swap3A_768 = vector.shape_cast %swap3A_767 : vector<1x1x56x192xf32> to vector<56x192xf32>
    %swap3A_769 = vector.shape_cast %slice3A_762 : vector<56x192xf32> to vector<1x1x56x192xf32>
    tpu.vector_store %arg4[%swap3A_763, %swap3A_764, %swap3A_765, %swap3A_766], %swap3A_769 {strides = array<i32>} : memref<1x56x56x192xf32, #tpu.memory_space<vmem>>, vector<1x1x56x192xf32>,
    %slice3A_770 = vector.extract_strided_slice %add3A_649 {offsets = [960, 0], sizes = [56, 192], strides = [1, 1]} : vector<3584x192xf32> to vector<56x192xf32>
    %swap3A_771 = arith.constant 0 : index
    %swap3A_772 = arith.constant 15 : index
    %swap3A_773 = arith.constant 0 : index
    %swap3A_774 = arith.constant 0 : index
    %swap3A_775 = vector.load %arg4[%swap3A_771, %swap3A_772, %swap3A_773, %swap3A_774] : memref<1x56x56x192xf32, #tpu.memory_space<vmem>>, vector<1x1x56x192xf32>
    %swap3A_776 = vector.shape_cast %swap3A_775 : vector<1x1x56x192xf32> to vector<56x192xf32>
    %swap3A_777 = vector.shape_cast %slice3A_770 : vector<56x192xf32> to vector<1x1x56x192xf32>
    tpu.vector_store %arg4[%swap3A_771, %swap3A_772, %swap3A_773, %swap3A_774], %swap3A_777 {strides = array<i32>} : memref<1x56x56x192xf32, #tpu.memory_space<vmem>>, vector<1x1x56x192xf32>,
    %slice3A_778 = vector.extract_strided_slice %add3A_649 {offsets = [1024, 0], sizes = [56, 192], strides = [1, 1]} : vector<3584x192xf32> to vector<56x192xf32>
    %swap3A_779 = arith.constant 0 : index
    %swap3A_780 = arith.constant 16 : index
    %swap3A_781 = arith.constant 0 : index
    %swap3A_782 = arith.constant 0 : index
    %swap3A_783 = vector.load %arg4[%swap3A_779, %swap3A_780, %swap3A_781, %swap3A_782] : memref<1x56x56x192xf32, #tpu.memory_space<vmem>>, vector<1x1x56x192xf32>
    %swap3A_784 = vector.shape_cast %swap3A_783 : vector<1x1x56x192xf32> to vector<56x192xf32>
    %swap3A_785 = vector.shape_cast %slice3A_778 : vector<56x192xf32> to vector<1x1x56x192xf32>
    tpu.vector_store %arg4[%swap3A_779, %swap3A_780, %swap3A_781, %swap3A_782], %swap3A_785 {strides = array<i32>} : memref<1x56x56x192xf32, #tpu.memory_space<vmem>>, vector<1x1x56x192xf32>,
    %slice3A_786 = vector.extract_strided_slice %add3A_649 {offsets = [1088, 0], sizes = [56, 192], strides = [1, 1]} : vector<3584x192xf32> to vector<56x192xf32>
    %swap3A_787 = arith.constant 0 : index
    %swap3A_788 = arith.constant 17 : index
    %swap3A_789 = arith.constant 0 : index
    %swap3A_790 = arith.constant 0 : index
    %swap3A_791 = vector.load %arg4[%swap3A_787, %swap3A_788, %swap3A_789, %swap3A_790] : memref<1x56x56x192xf32, #tpu.memory_space<vmem>>, vector<1x1x56x192xf32>
    %swap3A_792 = vector.shape_cast %swap3A_791 : vector<1x1x56x192xf32> to vector<56x192xf32>
    %swap3A_793 = vector.shape_cast %slice3A_786 : vector<56x192xf32> to vector<1x1x56x192xf32>
    tpu.vector_store %arg4[%swap3A_787, %swap3A_788, %swap3A_789, %swap3A_790], %swap3A_793 {strides = array<i32>} : memref<1x56x56x192xf32, #tpu.memory_space<vmem>>, vector<1x1x56x192xf32>,
    %slice3A_794 = vector.extract_strided_slice %add3A_649 {offsets = [1152, 0], sizes = [56, 192], strides = [1, 1]} : vector<3584x192xf32> to vector<56x192xf32>
    %swap3A_795 = arith.constant 0 : index
    %swap3A_796 = arith.constant 18 : index
    %swap3A_797 = arith.constant 0 : index
    %swap3A_798 = arith.constant 0 : index
    %swap3A_799 = vector.load %arg4[%swap3A_795, %swap3A_796, %swap3A_797, %swap3A_798] : memref<1x56x56x192xf32, #tpu.memory_space<vmem>>, vector<1x1x56x192xf32>
    %swap3A_800 = vector.shape_cast %swap3A_799 : vector<1x1x56x192xf32> to vector<56x192xf32>
    %swap3A_801 = vector.shape_cast %slice3A_794 : vector<56x192xf32> to vector<1x1x56x192xf32>
    tpu.vector_store %arg4[%swap3A_795, %swap3A_796, %swap3A_797, %swap3A_798], %swap3A_801 {strides = array<i32>} : memref<1x56x56x192xf32, #tpu.memory_space<vmem>>, vector<1x1x56x192xf32>,
    %slice3A_802 = vector.extract_strided_slice %add3A_649 {offsets = [1216, 0], sizes = [56, 192], strides = [1, 1]} : vector<3584x192xf32> to vector<56x192xf32>
    %swap3A_803 = arith.constant 0 : index
    %swap3A_804 = arith.constant 19 : index
    %swap3A_805 = arith.constant 0 : index
    %swap3A_806 = arith.constant 0 : index
    %swap3A_807 = vector.load %arg4[%swap3A_803, %swap3A_804, %swap3A_805, %swap3A_806] : memref<1x56x56x192xf32, #tpu.memory_space<vmem>>, vector<1x1x56x192xf32>
    %swap3A_808 = vector.shape_cast %swap3A_807 : vector<1x1x56x192xf32> to vector<56x192xf32>
    %swap3A_809 = vector.shape_cast %slice3A_802 : vector<56x192xf32> to vector<1x1x56x192xf32>
    tpu.vector_store %arg4[%swap3A_803, %swap3A_804, %swap3A_805, %swap3A_806], %swap3A_809 {strides = array<i32>} : memref<1x56x56x192xf32, #tpu.memory_space<vmem>>, vector<1x1x56x192xf32>,
    %slice3A_810 = vector.extract_strided_slice %add3A_649 {offsets = [1280, 0], sizes = [56, 192], strides = [1, 1]} : vector<3584x192xf32> to vector<56x192xf32>
    %swap3A_811 = arith.constant 0 : index
    %swap3A_812 = arith.constant 20 : index
    %swap3A_813 = arith.constant 0 : index
    %swap3A_814 = arith.constant 0 : index
    %swap3A_815 = vector.load %arg4[%swap3A_811, %swap3A_812, %swap3A_813, %swap3A_814] : memref<1x56x56x192xf32, #tpu.memory_space<vmem>>, vector<1x1x56x192xf32>
    %swap3A_816 = vector.shape_cast %swap3A_815 : vector<1x1x56x192xf32> to vector<56x192xf32>
    %swap3A_817 = vector.shape_cast %slice3A_810 : vector<56x192xf32> to vector<1x1x56x192xf32>
    tpu.vector_store %arg4[%swap3A_811, %swap3A_812, %swap3A_813, %swap3A_814], %swap3A_817 {strides = array<i32>} : memref<1x56x56x192xf32, #tpu.memory_space<vmem>>, vector<1x1x56x192xf32>,
    %slice3A_818 = vector.extract_strided_slice %add3A_649 {offsets = [1344, 0], sizes = [56, 192], strides = [1, 1]} : vector<3584x192xf32> to vector<56x192xf32>
    %swap3A_819 = arith.constant 0 : index
    %swap3A_820 = arith.constant 21 : index
    %swap3A_821 = arith.constant 0 : index
    %swap3A_822 = arith.constant 0 : index
    %swap3A_823 = vector.load %arg4[%swap3A_819, %swap3A_820, %swap3A_821, %swap3A_822] : memref<1x56x56x192xf32, #tpu.memory_space<vmem>>, vector<1x1x56x192xf32>
    %swap3A_824 = vector.shape_cast %swap3A_823 : vector<1x1x56x192xf32> to vector<56x192xf32>
    %swap3A_825 = vector.shape_cast %slice3A_818 : vector<56x192xf32> to vector<1x1x56x192xf32>
    tpu.vector_store %arg4[%swap3A_819, %swap3A_820, %swap3A_821, %swap3A_822], %swap3A_825 {strides = array<i32>} : memref<1x56x56x192xf32, #tpu.memory_space<vmem>>, vector<1x1x56x192xf32>,
    %slice3A_826 = vector.extract_strided_slice %add3A_649 {offsets = [1408, 0], sizes = [56, 192], strides = [1, 1]} : vector<3584x192xf32> to vector<56x192xf32>
    %swap3A_827 = arith.constant 0 : index
    %swap3A_828 = arith.constant 22 : index
    %swap3A_829 = arith.constant 0 : index
    %swap3A_830 = arith.constant 0 : index
    %swap3A_831 = vector.load %arg4[%swap3A_827, %swap3A_828, %swap3A_829, %swap3A_830] : memref<1x56x56x192xf32, #tpu.memory_space<vmem>>, vector<1x1x56x192xf32>
    %swap3A_832 = vector.shape_cast %swap3A_831 : vector<1x1x56x192xf32> to vector<56x192xf32>
    %swap3A_833 = vector.shape_cast %slice3A_826 : vector<56x192xf32> to vector<1x1x56x192xf32>
    tpu.vector_store %arg4[%swap3A_827, %swap3A_828, %swap3A_829, %swap3A_830], %swap3A_833 {strides = array<i32>} : memref<1x56x56x192xf32, #tpu.memory_space<vmem>>, vector<1x1x56x192xf32>,
    %slice3A_834 = vector.extract_strided_slice %add3A_649 {offsets = [1472, 0], sizes = [56, 192], strides = [1, 1]} : vector<3584x192xf32> to vector<56x192xf32>
    %swap3A_835 = arith.constant 0 : index
    %swap3A_836 = arith.constant 23 : index
    %swap3A_837 = arith.constant 0 : index
    %swap3A_838 = arith.constant 0 : index
    %swap3A_839 = vector.load %arg4[%swap3A_835, %swap3A_836, %swap3A_837, %swap3A_838] : memref<1x56x56x192xf32, #tpu.memory_space<vmem>>, vector<1x1x56x192xf32>
    %swap3A_840 = vector.shape_cast %swap3A_839 : vector<1x1x56x192xf32> to vector<56x192xf32>
    %swap3A_841 = vector.shape_cast %slice3A_834 : vector<56x192xf32> to vector<1x1x56x192xf32>
    tpu.vector_store %arg4[%swap3A_835, %swap3A_836, %swap3A_837, %swap3A_838], %swap3A_841 {strides = array<i32>} : memref<1x56x56x192xf32, #tpu.memory_space<vmem>>, vector<1x1x56x192xf32>,
    %slice3A_842 = vector.extract_strided_slice %add3A_649 {offsets = [1536, 0], sizes = [56, 192], strides = [1, 1]} : vector<3584x192xf32> to vector<56x192xf32>
    %swap3A_843 = arith.constant 0 : index
    %swap3A_844 = arith.constant 24 : index
    %swap3A_845 = arith.constant 0 : index
    %swap3A_846 = arith.constant 0 : index
    %swap3A_847 = vector.load %arg4[%swap3A_843, %swap3A_844, %swap3A_845, %swap3A_846] : memref<1x56x56x192xf32, #tpu.memory_space<vmem>>, vector<1x1x56x192xf32>
    %swap3A_848 = vector.shape_cast %swap3A_847 : vector<1x1x56x192xf32> to vector<56x192xf32>
    %swap3A_849 = vector.shape_cast %slice3A_842 : vector<56x192xf32> to vector<1x1x56x192xf32>
    tpu.vector_store %arg4[%swap3A_843, %swap3A_844, %swap3A_845, %swap3A_846], %swap3A_849 {strides = array<i32>} : memref<1x56x56x192xf32, #tpu.memory_space<vmem>>, vector<1x1x56x192xf32>,
    %slice3A_850 = vector.extract_strided_slice %add3A_649 {offsets = [1600, 0], sizes = [56, 192], strides = [1, 1]} : vector<3584x192xf32> to vector<56x192xf32>
    %swap3A_851 = arith.constant 0 : index
    %swap3A_852 = arith.constant 25 : index
    %swap3A_853 = arith.constant 0 : index
    %swap3A_854 = arith.constant 0 : index
    %swap3A_855 = vector.load %arg4[%swap3A_851, %swap3A_852, %swap3A_853, %swap3A_854] : memref<1x56x56x192xf32, #tpu.memory_space<vmem>>, vector<1x1x56x192xf32>
    %swap3A_856 = vector.shape_cast %swap3A_855 : vector<1x1x56x192xf32> to vector<56x192xf32>
    %swap3A_857 = vector.shape_cast %slice3A_850 : vector<56x192xf32> to vector<1x1x56x192xf32>
    tpu.vector_store %arg4[%swap3A_851, %swap3A_852, %swap3A_853, %swap3A_854], %swap3A_857 {strides = array<i32>} : memref<1x56x56x192xf32, #tpu.memory_space<vmem>>, vector<1x1x56x192xf32>,
    %slice3A_858 = vector.extract_strided_slice %add3A_649 {offsets = [1664, 0], sizes = [56, 192], strides = [1, 1]} : vector<3584x192xf32> to vector<56x192xf32>
    %swap3A_859 = arith.constant 0 : index
    %swap3A_860 = arith.constant 26 : index
    %swap3A_861 = arith.constant 0 : index
    %swap3A_862 = arith.constant 0 : index
    %swap3A_863 = vector.load %arg4[%swap3A_859, %swap3A_860, %swap3A_861, %swap3A_862] : memref<1x56x56x192xf32, #tpu.memory_space<vmem>>, vector<1x1x56x192xf32>
    %swap3A_864 = vector.shape_cast %swap3A_863 : vector<1x1x56x192xf32> to vector<56x192xf32>
    %swap3A_865 = vector.shape_cast %slice3A_858 : vector<56x192xf32> to vector<1x1x56x192xf32>
    tpu.vector_store %arg4[%swap3A_859, %swap3A_860, %swap3A_861, %swap3A_862], %swap3A_865 {strides = array<i32>} : memref<1x56x56x192xf32, #tpu.memory_space<vmem>>, vector<1x1x56x192xf32>,
    %slice3A_866 = vector.extract_strided_slice %add3A_649 {offsets = [1728, 0], sizes = [56, 192], strides = [1, 1]} : vector<3584x192xf32> to vector<56x192xf32>
    %swap3A_867 = arith.constant 0 : index
    %swap3A_868 = arith.constant 27 : index
    %swap3A_869 = arith.constant 0 : index
    %swap3A_870 = arith.constant 0 : index
    %swap3A_871 = vector.load %arg4[%swap3A_867, %swap3A_868, %swap3A_869, %swap3A_870] : memref<1x56x56x192xf32, #tpu.memory_space<vmem>>, vector<1x1x56x192xf32>
    %swap3A_872 = vector.shape_cast %swap3A_871 : vector<1x1x56x192xf32> to vector<56x192xf32>
    %swap3A_873 = vector.shape_cast %slice3A_866 : vector<56x192xf32> to vector<1x1x56x192xf32>
    tpu.vector_store %arg4[%swap3A_867, %swap3A_868, %swap3A_869, %swap3A_870], %swap3A_873 {strides = array<i32>} : memref<1x56x56x192xf32, #tpu.memory_space<vmem>>, vector<1x1x56x192xf32>,
    %slice3A_874 = vector.extract_strided_slice %add3A_649 {offsets = [1792, 0], sizes = [56, 192], strides = [1, 1]} : vector<3584x192xf32> to vector<56x192xf32>
    %swap3A_875 = arith.constant 0 : index
    %swap3A_876 = arith.constant 28 : index
    %swap3A_877 = arith.constant 0 : index
    %swap3A_878 = arith.constant 0 : index
    %swap3A_879 = vector.load %arg4[%swap3A_875, %swap3A_876, %swap3A_877, %swap3A_878] : memref<1x56x56x192xf32, #tpu.memory_space<vmem>>, vector<1x1x56x192xf32>
    %swap3A_880 = vector.shape_cast %swap3A_879 : vector<1x1x56x192xf32> to vector<56x192xf32>
    %swap3A_881 = vector.shape_cast %slice3A_874 : vector<56x192xf32> to vector<1x1x56x192xf32>
    tpu.vector_store %arg4[%swap3A_875, %swap3A_876, %swap3A_877, %swap3A_878], %swap3A_881 {strides = array<i32>} : memref<1x56x56x192xf32, #tpu.memory_space<vmem>>, vector<1x1x56x192xf32>,
    %slice3A_882 = vector.extract_strided_slice %add3A_649 {offsets = [1856, 0], sizes = [56, 192], strides = [1, 1]} : vector<3584x192xf32> to vector<56x192xf32>
    %swap3A_883 = arith.constant 0 : index
    %swap3A_884 = arith.constant 29 : index
    %swap3A_885 = arith.constant 0 : index
    %swap3A_886 = arith.constant 0 : index
    %swap3A_887 = vector.load %arg4[%swap3A_883, %swap3A_884, %swap3A_885, %swap3A_886] : memref<1x56x56x192xf32, #tpu.memory_space<vmem>>, vector<1x1x56x192xf32>
    %swap3A_888 = vector.shape_cast %swap3A_887 : vector<1x1x56x192xf32> to vector<56x192xf32>
    %swap3A_889 = vector.shape_cast %slice3A_882 : vector<56x192xf32> to vector<1x1x56x192xf32>
    tpu.vector_store %arg4[%swap3A_883, %swap3A_884, %swap3A_885, %swap3A_886], %swap3A_889 {strides = array<i32>} : memref<1x56x56x192xf32, #tpu.memory_space<vmem>>, vector<1x1x56x192xf32>,
    %slice3A_890 = vector.extract_strided_slice %add3A_649 {offsets = [1920, 0], sizes = [56, 192], strides = [1, 1]} : vector<3584x192xf32> to vector<56x192xf32>
    %swap3A_891 = arith.constant 0 : index
    %swap3A_892 = arith.constant 30 : index
    %swap3A_893 = arith.constant 0 : index
    %swap3A_894 = arith.constant 0 : index
    %swap3A_895 = vector.load %arg4[%swap3A_891, %swap3A_892, %swap3A_893, %swap3A_894] : memref<1x56x56x192xf32, #tpu.memory_space<vmem>>, vector<1x1x56x192xf32>
    %swap3A_896 = vector.shape_cast %swap3A_895 : vector<1x1x56x192xf32> to vector<56x192xf32>
    %swap3A_897 = vector.shape_cast %slice3A_890 : vector<56x192xf32> to vector<1x1x56x192xf32>
    tpu.vector_store %arg4[%swap3A_891, %swap3A_892, %swap3A_893, %swap3A_894], %swap3A_897 {strides = array<i32>} : memref<1x56x56x192xf32, #tpu.memory_space<vmem>>, vector<1x1x56x192xf32>,
    %slice3A_898 = vector.extract_strided_slice %add3A_649 {offsets = [1984, 0], sizes = [56, 192], strides = [1, 1]} : vector<3584x192xf32> to vector<56x192xf32>
    %swap3A_899 = arith.constant 0 : index
    %swap3A_900 = arith.constant 31 : index
    %swap3A_901 = arith.constant 0 : index
    %swap3A_902 = arith.constant 0 : index
    %swap3A_903 = vector.load %arg4[%swap3A_899, %swap3A_900, %swap3A_901, %swap3A_902] : memref<1x56x56x192xf32, #tpu.memory_space<vmem>>, vector<1x1x56x192xf32>
    %swap3A_904 = vector.shape_cast %swap3A_903 : vector<1x1x56x192xf32> to vector<56x192xf32>
    %swap3A_905 = vector.shape_cast %slice3A_898 : vector<56x192xf32> to vector<1x1x56x192xf32>
    tpu.vector_store %arg4[%swap3A_899, %swap3A_900, %swap3A_901, %swap3A_902], %swap3A_905 {strides = array<i32>} : memref<1x56x56x192xf32, #tpu.memory_space<vmem>>, vector<1x1x56x192xf32>,
    %slice3A_906 = vector.extract_strided_slice %add3A_649 {offsets = [2048, 0], sizes = [56, 192], strides = [1, 1]} : vector<3584x192xf32> to vector<56x192xf32>
    %swap3A_907 = arith.constant 0 : index
    %swap3A_908 = arith.constant 32 : index
    %swap3A_909 = arith.constant 0 : index
    %swap3A_910 = arith.constant 0 : index
    %swap3A_911 = vector.load %arg4[%swap3A_907, %swap3A_908, %swap3A_909, %swap3A_910] : memref<1x56x56x192xf32, #tpu.memory_space<vmem>>, vector<1x1x56x192xf32>
    %swap3A_912 = vector.shape_cast %swap3A_911 : vector<1x1x56x192xf32> to vector<56x192xf32>
    %swap3A_913 = vector.shape_cast %slice3A_906 : vector<56x192xf32> to vector<1x1x56x192xf32>
    tpu.vector_store %arg4[%swap3A_907, %swap3A_908, %swap3A_909, %swap3A_910], %swap3A_913 {strides = array<i32>} : memref<1x56x56x192xf32, #tpu.memory_space<vmem>>, vector<1x1x56x192xf32>,
    %slice3A_914 = vector.extract_strided_slice %add3A_649 {offsets = [2112, 0], sizes = [56, 192], strides = [1, 1]} : vector<3584x192xf32> to vector<56x192xf32>
    %swap3A_915 = arith.constant 0 : index
    %swap3A_916 = arith.constant 33 : index
    %swap3A_917 = arith.constant 0 : index
    %swap3A_918 = arith.constant 0 : index
    %swap3A_919 = vector.load %arg4[%swap3A_915, %swap3A_916, %swap3A_917, %swap3A_918] : memref<1x56x56x192xf32, #tpu.memory_space<vmem>>, vector<1x1x56x192xf32>
    %swap3A_920 = vector.shape_cast %swap3A_919 : vector<1x1x56x192xf32> to vector<56x192xf32>
    %swap3A_921 = vector.shape_cast %slice3A_914 : vector<56x192xf32> to vector<1x1x56x192xf32>
    tpu.vector_store %arg4[%swap3A_915, %swap3A_916, %swap3A_917, %swap3A_918], %swap3A_921 {strides = array<i32>} : memref<1x56x56x192xf32, #tpu.memory_space<vmem>>, vector<1x1x56x192xf32>,
    %slice3A_922 = vector.extract_strided_slice %add3A_649 {offsets = [2176, 0], sizes = [56, 192], strides = [1, 1]} : vector<3584x192xf32> to vector<56x192xf32>
    %swap3A_923 = arith.constant 0 : index
    %swap3A_924 = arith.constant 34 : index
    %swap3A_925 = arith.constant 0 : index
    %swap3A_926 = arith.constant 0 : index
    %swap3A_927 = vector.load %arg4[%swap3A_923, %swap3A_924, %swap3A_925, %swap3A_926] : memref<1x56x56x192xf32, #tpu.memory_space<vmem>>, vector<1x1x56x192xf32>
    %swap3A_928 = vector.shape_cast %swap3A_927 : vector<1x1x56x192xf32> to vector<56x192xf32>
    %swap3A_929 = vector.shape_cast %slice3A_922 : vector<56x192xf32> to vector<1x1x56x192xf32>
    tpu.vector_store %arg4[%swap3A_923, %swap3A_924, %swap3A_925, %swap3A_926], %swap3A_929 {strides = array<i32>} : memref<1x56x56x192xf32, #tpu.memory_space<vmem>>, vector<1x1x56x192xf32>,
    %slice3A_930 = vector.extract_strided_slice %add3A_649 {offsets = [2240, 0], sizes = [56, 192], strides = [1, 1]} : vector<3584x192xf32> to vector<56x192xf32>
    %swap3A_931 = arith.constant 0 : index
    %swap3A_932 = arith.constant 35 : index
    %swap3A_933 = arith.constant 0 : index
    %swap3A_934 = arith.constant 0 : index
    %swap3A_935 = vector.load %arg4[%swap3A_931, %swap3A_932, %swap3A_933, %swap3A_934] : memref<1x56x56x192xf32, #tpu.memory_space<vmem>>, vector<1x1x56x192xf32>
    %swap3A_936 = vector.shape_cast %swap3A_935 : vector<1x1x56x192xf32> to vector<56x192xf32>
    %swap3A_937 = vector.shape_cast %slice3A_930 : vector<56x192xf32> to vector<1x1x56x192xf32>
    tpu.vector_store %arg4[%swap3A_931, %swap3A_932, %swap3A_933, %swap3A_934], %swap3A_937 {strides = array<i32>} : memref<1x56x56x192xf32, #tpu.memory_space<vmem>>, vector<1x1x56x192xf32>,
    %slice3A_938 = vector.extract_strided_slice %add3A_649 {offsets = [2304, 0], sizes = [56, 192], strides = [1, 1]} : vector<3584x192xf32> to vector<56x192xf32>
    %swap3A_939 = arith.constant 0 : index
    %swap3A_940 = arith.constant 36 : index
    %swap3A_941 = arith.constant 0 : index
    %swap3A_942 = arith.constant 0 : index
    %swap3A_943 = vector.load %arg4[%swap3A_939, %swap3A_940, %swap3A_941, %swap3A_942] : memref<1x56x56x192xf32, #tpu.memory_space<vmem>>, vector<1x1x56x192xf32>
    %swap3A_944 = vector.shape_cast %swap3A_943 : vector<1x1x56x192xf32> to vector<56x192xf32>
    %swap3A_945 = vector.shape_cast %slice3A_938 : vector<56x192xf32> to vector<1x1x56x192xf32>
    tpu.vector_store %arg4[%swap3A_939, %swap3A_940, %swap3A_941, %swap3A_942], %swap3A_945 {strides = array<i32>} : memref<1x56x56x192xf32, #tpu.memory_space<vmem>>, vector<1x1x56x192xf32>,
    %slice3A_946 = vector.extract_strided_slice %add3A_649 {offsets = [2368, 0], sizes = [56, 192], strides = [1, 1]} : vector<3584x192xf32> to vector<56x192xf32>
    %swap3A_947 = arith.constant 0 : index
    %swap3A_948 = arith.constant 37 : index
    %swap3A_949 = arith.constant 0 : index
    %swap3A_950 = arith.constant 0 : index
    %swap3A_951 = vector.load %arg4[%swap3A_947, %swap3A_948, %swap3A_949, %swap3A_950] : memref<1x56x56x192xf32, #tpu.memory_space<vmem>>, vector<1x1x56x192xf32>
    %swap3A_952 = vector.shape_cast %swap3A_951 : vector<1x1x56x192xf32> to vector<56x192xf32>
    %swap3A_953 = vector.shape_cast %slice3A_946 : vector<56x192xf32> to vector<1x1x56x192xf32>
    tpu.vector_store %arg4[%swap3A_947, %swap3A_948, %swap3A_949, %swap3A_950], %swap3A_953 {strides = array<i32>} : memref<1x56x56x192xf32, #tpu.memory_space<vmem>>, vector<1x1x56x192xf32>,
    %slice3A_954 = vector.extract_strided_slice %add3A_649 {offsets = [2432, 0], sizes = [56, 192], strides = [1, 1]} : vector<3584x192xf32> to vector<56x192xf32>
    %swap3A_955 = arith.constant 0 : index
    %swap3A_956 = arith.constant 38 : index
    %swap3A_957 = arith.constant 0 : index
    %swap3A_958 = arith.constant 0 : index
    %swap3A_959 = vector.load %arg4[%swap3A_955, %swap3A_956, %swap3A_957, %swap3A_958] : memref<1x56x56x192xf32, #tpu.memory_space<vmem>>, vector<1x1x56x192xf32>
    %swap3A_960 = vector.shape_cast %swap3A_959 : vector<1x1x56x192xf32> to vector<56x192xf32>
    %swap3A_961 = vector.shape_cast %slice3A_954 : vector<56x192xf32> to vector<1x1x56x192xf32>
    tpu.vector_store %arg4[%swap3A_955, %swap3A_956, %swap3A_957, %swap3A_958], %swap3A_961 {strides = array<i32>} : memref<1x56x56x192xf32, #tpu.memory_space<vmem>>, vector<1x1x56x192xf32>,
    %slice3A_962 = vector.extract_strided_slice %add3A_649 {offsets = [2496, 0], sizes = [56, 192], strides = [1, 1]} : vector<3584x192xf32> to vector<56x192xf32>
    %swap3A_963 = arith.constant 0 : index
    %swap3A_964 = arith.constant 39 : index
    %swap3A_965 = arith.constant 0 : index
    %swap3A_966 = arith.constant 0 : index
    %swap3A_967 = vector.load %arg4[%swap3A_963, %swap3A_964, %swap3A_965, %swap3A_966] : memref<1x56x56x192xf32, #tpu.memory_space<vmem>>, vector<1x1x56x192xf32>
    %swap3A_968 = vector.shape_cast %swap3A_967 : vector<1x1x56x192xf32> to vector<56x192xf32>
    %swap3A_969 = vector.shape_cast %slice3A_962 : vector<56x192xf32> to vector<1x1x56x192xf32>
    tpu.vector_store %arg4[%swap3A_963, %swap3A_964, %swap3A_965, %swap3A_966], %swap3A_969 {strides = array<i32>} : memref<1x56x56x192xf32, #tpu.memory_space<vmem>>, vector<1x1x56x192xf32>,
    %slice3A_970 = vector.extract_strided_slice %add3A_649 {offsets = [2560, 0], sizes = [56, 192], strides = [1, 1]} : vector<3584x192xf32> to vector<56x192xf32>
    %swap3A_971 = arith.constant 0 : index
    %swap3A_972 = arith.constant 40 : index
    %swap3A_973 = arith.constant 0 : index
    %swap3A_974 = arith.constant 0 : index
    %swap3A_975 = vector.load %arg4[%swap3A_971, %swap3A_972, %swap3A_973, %swap3A_974] : memref<1x56x56x192xf32, #tpu.memory_space<vmem>>, vector<1x1x56x192xf32>
    %swap3A_976 = vector.shape_cast %swap3A_975 : vector<1x1x56x192xf32> to vector<56x192xf32>
    %swap3A_977 = vector.shape_cast %slice3A_970 : vector<56x192xf32> to vector<1x1x56x192xf32>
    tpu.vector_store %arg4[%swap3A_971, %swap3A_972, %swap3A_973, %swap3A_974], %swap3A_977 {strides = array<i32>} : memref<1x56x56x192xf32, #tpu.memory_space<vmem>>, vector<1x1x56x192xf32>,
    %slice3A_978 = vector.extract_strided_slice %add3A_649 {offsets = [2624, 0], sizes = [56, 192], strides = [1, 1]} : vector<3584x192xf32> to vector<56x192xf32>
    %swap3A_979 = arith.constant 0 : index
    %swap3A_980 = arith.constant 41 : index
    %swap3A_981 = arith.constant 0 : index
    %swap3A_982 = arith.constant 0 : index
    %swap3A_983 = vector.load %arg4[%swap3A_979, %swap3A_980, %swap3A_981, %swap3A_982] : memref<1x56x56x192xf32, #tpu.memory_space<vmem>>, vector<1x1x56x192xf32>
    %swap3A_984 = vector.shape_cast %swap3A_983 : vector<1x1x56x192xf32> to vector<56x192xf32>
    %swap3A_985 = vector.shape_cast %slice3A_978 : vector<56x192xf32> to vector<1x1x56x192xf32>
    tpu.vector_store %arg4[%swap3A_979, %swap3A_980, %swap3A_981, %swap3A_982], %swap3A_985 {strides = array<i32>} : memref<1x56x56x192xf32, #tpu.memory_space<vmem>>, vector<1x1x56x192xf32>,
    %slice3A_986 = vector.extract_strided_slice %add3A_649 {offsets = [2688, 0], sizes = [56, 192], strides = [1, 1]} : vector<3584x192xf32> to vector<56x192xf32>
    %swap3A_987 = arith.constant 0 : index
    %swap3A_988 = arith.constant 42 : index
    %swap3A_989 = arith.constant 0 : index
    %swap3A_990 = arith.constant 0 : index
    %swap3A_991 = vector.load %arg4[%swap3A_987, %swap3A_988, %swap3A_989, %swap3A_990] : memref<1x56x56x192xf32, #tpu.memory_space<vmem>>, vector<1x1x56x192xf32>
    %swap3A_992 = vector.shape_cast %swap3A_991 : vector<1x1x56x192xf32> to vector<56x192xf32>
    %swap3A_993 = vector.shape_cast %slice3A_986 : vector<56x192xf32> to vector<1x1x56x192xf32>
    tpu.vector_store %arg4[%swap3A_987, %swap3A_988, %swap3A_989, %swap3A_990], %swap3A_993 {strides = array<i32>} : memref<1x56x56x192xf32, #tpu.memory_space<vmem>>, vector<1x1x56x192xf32>,
    %slice3A_994 = vector.extract_strided_slice %add3A_649 {offsets = [2752, 0], sizes = [56, 192], strides = [1, 1]} : vector<3584x192xf32> to vector<56x192xf32>
    %swap3A_995 = arith.constant 0 : index
    %swap3A_996 = arith.constant 43 : index
    %swap3A_997 = arith.constant 0 : index
    %swap3A_998 = arith.constant 0 : index
    %swap3A_999 = vector.load %arg4[%swap3A_995, %swap3A_996, %swap3A_997, %swap3A_998] : memref<1x56x56x192xf32, #tpu.memory_space<vmem>>, vector<1x1x56x192xf32>
    %swap3A_1000 = vector.shape_cast %swap3A_999 : vector<1x1x56x192xf32> to vector<56x192xf32>
    %swap3A_1001 = vector.shape_cast %slice3A_994 : vector<56x192xf32> to vector<1x1x56x192xf32>
    tpu.vector_store %arg4[%swap3A_995, %swap3A_996, %swap3A_997, %swap3A_998], %swap3A_1001 {strides = array<i32>} : memref<1x56x56x192xf32, #tpu.memory_space<vmem>>, vector<1x1x56x192xf32>,
    %slice3A_1002 = vector.extract_strided_slice %add3A_649 {offsets = [2816, 0], sizes = [56, 192], strides = [1, 1]} : vector<3584x192xf32> to vector<56x192xf32>
    %swap3A_1003 = arith.constant 0 : index
    %swap3A_1004 = arith.constant 44 : index
    %swap3A_1005 = arith.constant 0 : index
    %swap3A_1006 = arith.constant 0 : index
    %swap3A_1007 = vector.load %arg4[%swap3A_1003, %swap3A_1004, %swap3A_1005, %swap3A_1006] : memref<1x56x56x192xf32, #tpu.memory_space<vmem>>, vector<1x1x56x192xf32>
    %swap3A_1008 = vector.shape_cast %swap3A_1007 : vector<1x1x56x192xf32> to vector<56x192xf32>
    %swap3A_1009 = vector.shape_cast %slice3A_1002 : vector<56x192xf32> to vector<1x1x56x192xf32>
    tpu.vector_store %arg4[%swap3A_1003, %swap3A_1004, %swap3A_1005, %swap3A_1006], %swap3A_1009 {strides = array<i32>} : memref<1x56x56x192xf32, #tpu.memory_space<vmem>>, vector<1x1x56x192xf32>,
    %slice3A_1010 = vector.extract_strided_slice %add3A_649 {offsets = [2880, 0], sizes = [56, 192], strides = [1, 1]} : vector<3584x192xf32> to vector<56x192xf32>
    %swap3A_1011 = arith.constant 0 : index
    %swap3A_1012 = arith.constant 45 : index
    %swap3A_1013 = arith.constant 0 : index
    %swap3A_1014 = arith.constant 0 : index
    %swap3A_1015 = vector.load %arg4[%swap3A_1011, %swap3A_1012, %swap3A_1013, %swap3A_1014] : memref<1x56x56x192xf32, #tpu.memory_space<vmem>>, vector<1x1x56x192xf32>
    %swap3A_1016 = vector.shape_cast %swap3A_1015 : vector<1x1x56x192xf32> to vector<56x192xf32>
    %swap3A_1017 = vector.shape_cast %slice3A_1010 : vector<56x192xf32> to vector<1x1x56x192xf32>
    tpu.vector_store %arg4[%swap3A_1011, %swap3A_1012, %swap3A_1013, %swap3A_1014], %swap3A_1017 {strides = array<i32>} : memref<1x56x56x192xf32, #tpu.memory_space<vmem>>, vector<1x1x56x192xf32>,
    %slice3A_1018 = vector.extract_strided_slice %add3A_649 {offsets = [2944, 0], sizes = [56, 192], strides = [1, 1]} : vector<3584x192xf32> to vector<56x192xf32>
    %swap3A_1019 = arith.constant 0 : index
    %swap3A_1020 = arith.constant 46 : index
    %swap3A_1021 = arith.constant 0 : index
    %swap3A_1022 = arith.constant 0 : index
    %swap3A_1023 = vector.load %arg4[%swap3A_1019, %swap3A_1020, %swap3A_1021, %swap3A_1022] : memref<1x56x56x192xf32, #tpu.memory_space<vmem>>, vector<1x1x56x192xf32>
    %swap3A_1024 = vector.shape_cast %swap3A_1023 : vector<1x1x56x192xf32> to vector<56x192xf32>
    %swap3A_1025 = vector.shape_cast %slice3A_1018 : vector<56x192xf32> to vector<1x1x56x192xf32>
    tpu.vector_store %arg4[%swap3A_1019, %swap3A_1020, %swap3A_1021, %swap3A_1022], %swap3A_1025 {strides = array<i32>} : memref<1x56x56x192xf32, #tpu.memory_space<vmem>>, vector<1x1x56x192xf32>,
    %slice3A_1026 = vector.extract_strided_slice %add3A_649 {offsets = [3008, 0], sizes = [56, 192], strides = [1, 1]} : vector<3584x192xf32> to vector<56x192xf32>
    %swap3A_1027 = arith.constant 0 : index
    %swap3A_1028 = arith.constant 47 : index
    %swap3A_1029 = arith.constant 0 : index
    %swap3A_1030 = arith.constant 0 : index
    %swap3A_1031 = vector.load %arg4[%swap3A_1027, %swap3A_1028, %swap3A_1029, %swap3A_1030] : memref<1x56x56x192xf32, #tpu.memory_space<vmem>>, vector<1x1x56x192xf32>
    %swap3A_1032 = vector.shape_cast %swap3A_1031 : vector<1x1x56x192xf32> to vector<56x192xf32>
    %swap3A_1033 = vector.shape_cast %slice3A_1026 : vector<56x192xf32> to vector<1x1x56x192xf32>
    tpu.vector_store %arg4[%swap3A_1027, %swap3A_1028, %swap3A_1029, %swap3A_1030], %swap3A_1033 {strides = array<i32>} : memref<1x56x56x192xf32, #tpu.memory_space<vmem>>, vector<1x1x56x192xf32>,
    %slice3A_1034 = vector.extract_strided_slice %add3A_649 {offsets = [3072, 0], sizes = [56, 192], strides = [1, 1]} : vector<3584x192xf32> to vector<56x192xf32>
    %swap3A_1035 = arith.constant 0 : index
    %swap3A_1036 = arith.constant 48 : index
    %swap3A_1037 = arith.constant 0 : index
    %swap3A_1038 = arith.constant 0 : index
    %swap3A_1039 = vector.load %arg4[%swap3A_1035, %swap3A_1036, %swap3A_1037, %swap3A_1038] : memref<1x56x56x192xf32, #tpu.memory_space<vmem>>, vector<1x1x56x192xf32>
    %swap3A_1040 = vector.shape_cast %swap3A_1039 : vector<1x1x56x192xf32> to vector<56x192xf32>
    %swap3A_1041 = vector.shape_cast %slice3A_1034 : vector<56x192xf32> to vector<1x1x56x192xf32>
    tpu.vector_store %arg4[%swap3A_1035, %swap3A_1036, %swap3A_1037, %swap3A_1038], %swap3A_1041 {strides = array<i32>} : memref<1x56x56x192xf32, #tpu.memory_space<vmem>>, vector<1x1x56x192xf32>,
    %slice3A_1042 = vector.extract_strided_slice %add3A_649 {offsets = [3136, 0], sizes = [56, 192], strides = [1, 1]} : vector<3584x192xf32> to vector<56x192xf32>
    %swap3A_1043 = arith.constant 0 : index
    %swap3A_1044 = arith.constant 49 : index
    %swap3A_1045 = arith.constant 0 : index
    %swap3A_1046 = arith.constant 0 : index
    %swap3A_1047 = vector.load %arg4[%swap3A_1043, %swap3A_1044, %swap3A_1045, %swap3A_1046] : memref<1x56x56x192xf32, #tpu.memory_space<vmem>>, vector<1x1x56x192xf32>
    %swap3A_1048 = vector.shape_cast %swap3A_1047 : vector<1x1x56x192xf32> to vector<56x192xf32>
    %swap3A_1049 = vector.shape_cast %slice3A_1042 : vector<56x192xf32> to vector<1x1x56x192xf32>
    tpu.vector_store %arg4[%swap3A_1043, %swap3A_1044, %swap3A_1045, %swap3A_1046], %swap3A_1049 {strides = array<i32>} : memref<1x56x56x192xf32, #tpu.memory_space<vmem>>, vector<1x1x56x192xf32>,
    %slice3A_1050 = vector.extract_strided_slice %add3A_649 {offsets = [3200, 0], sizes = [56, 192], strides = [1, 1]} : vector<3584x192xf32> to vector<56x192xf32>
    %swap3A_1051 = arith.constant 0 : index
    %swap3A_1052 = arith.constant 50 : index
    %swap3A_1053 = arith.constant 0 : index
    %swap3A_1054 = arith.constant 0 : index
    %swap3A_1055 = vector.load %arg4[%swap3A_1051, %swap3A_1052, %swap3A_1053, %swap3A_1054] : memref<1x56x56x192xf32, #tpu.memory_space<vmem>>, vector<1x1x56x192xf32>
    %swap3A_1056 = vector.shape_cast %swap3A_1055 : vector<1x1x56x192xf32> to vector<56x192xf32>
    %swap3A_1057 = vector.shape_cast %slice3A_1050 : vector<56x192xf32> to vector<1x1x56x192xf32>
    tpu.vector_store %arg4[%swap3A_1051, %swap3A_1052, %swap3A_1053, %swap3A_1054], %swap3A_1057 {strides = array<i32>} : memref<1x56x56x192xf32, #tpu.memory_space<vmem>>, vector<1x1x56x192xf32>,
    %slice3A_1058 = vector.extract_strided_slice %add3A_649 {offsets = [3264, 0], sizes = [56, 192], strides = [1, 1]} : vector<3584x192xf32> to vector<56x192xf32>
    %swap3A_1059 = arith.constant 0 : index
    %swap3A_1060 = arith.constant 51 : index
    %swap3A_1061 = arith.constant 0 : index
    %swap3A_1062 = arith.constant 0 : index
    %swap3A_1063 = vector.load %arg4[%swap3A_1059, %swap3A_1060, %swap3A_1061, %swap3A_1062] : memref<1x56x56x192xf32, #tpu.memory_space<vmem>>, vector<1x1x56x192xf32>
    %swap3A_1064 = vector.shape_cast %swap3A_1063 : vector<1x1x56x192xf32> to vector<56x192xf32>
    %swap3A_1065 = vector.shape_cast %slice3A_1058 : vector<56x192xf32> to vector<1x1x56x192xf32>
    tpu.vector_store %arg4[%swap3A_1059, %swap3A_1060, %swap3A_1061, %swap3A_1062], %swap3A_1065 {strides = array<i32>} : memref<1x56x56x192xf32, #tpu.memory_space<vmem>>, vector<1x1x56x192xf32>,
    %slice3A_1066 = vector.extract_strided_slice %add3A_649 {offsets = [3328, 0], sizes = [56, 192], strides = [1, 1]} : vector<3584x192xf32> to vector<56x192xf32>
    %swap3A_1067 = arith.constant 0 : index
    %swap3A_1068 = arith.constant 52 : index
    %swap3A_1069 = arith.constant 0 : index
    %swap3A_1070 = arith.constant 0 : index
    %swap3A_1071 = vector.load %arg4[%swap3A_1067, %swap3A_1068, %swap3A_1069, %swap3A_1070] : memref<1x56x56x192xf32, #tpu.memory_space<vmem>>, vector<1x1x56x192xf32>
    %swap3A_1072 = vector.shape_cast %swap3A_1071 : vector<1x1x56x192xf32> to vector<56x192xf32>
    %swap3A_1073 = vector.shape_cast %slice3A_1066 : vector<56x192xf32> to vector<1x1x56x192xf32>
    tpu.vector_store %arg4[%swap3A_1067, %swap3A_1068, %swap3A_1069, %swap3A_1070], %swap3A_1073 {strides = array<i32>} : memref<1x56x56x192xf32, #tpu.memory_space<vmem>>, vector<1x1x56x192xf32>,
    %slice3A_1074 = vector.extract_strided_slice %add3A_649 {offsets = [3392, 0], sizes = [56, 192], strides = [1, 1]} : vector<3584x192xf32> to vector<56x192xf32>
    %swap3A_1075 = arith.constant 0 : index
    %swap3A_1076 = arith.constant 53 : index
    %swap3A_1077 = arith.constant 0 : index
    %swap3A_1078 = arith.constant 0 : index
    %swap3A_1079 = vector.load %arg4[%swap3A_1075, %swap3A_1076, %swap3A_1077, %swap3A_1078] : memref<1x56x56x192xf32, #tpu.memory_space<vmem>>, vector<1x1x56x192xf32>
    %swap3A_1080 = vector.shape_cast %swap3A_1079 : vector<1x1x56x192xf32> to vector<56x192xf32>
    %swap3A_1081 = vector.shape_cast %slice3A_1074 : vector<56x192xf32> to vector<1x1x56x192xf32>
    tpu.vector_store %arg4[%swap3A_1075, %swap3A_1076, %swap3A_1077, %swap3A_1078], %swap3A_1081 {strides = array<i32>} : memref<1x56x56x192xf32, #tpu.memory_space<vmem>>, vector<1x1x56x192xf32>,
    %slice3A_1082 = vector.extract_strided_slice %add3A_649 {offsets = [3456, 0], sizes = [56, 192], strides = [1, 1]} : vector<3584x192xf32> to vector<56x192xf32>
    %swap3A_1083 = arith.constant 0 : index
    %swap3A_1084 = arith.constant 54 : index
    %swap3A_1085 = arith.constant 0 : index
    %swap3A_1086 = arith.constant 0 : index
    %swap3A_1087 = vector.load %arg4[%swap3A_1083, %swap3A_1084, %swap3A_1085, %swap3A_1086] : memref<1x56x56x192xf32, #tpu.memory_space<vmem>>, vector<1x1x56x192xf32>
    %swap3A_1088 = vector.shape_cast %swap3A_1087 : vector<1x1x56x192xf32> to vector<56x192xf32>
    %swap3A_1089 = vector.shape_cast %slice3A_1082 : vector<56x192xf32> to vector<1x1x56x192xf32>
    tpu.vector_store %arg4[%swap3A_1083, %swap3A_1084, %swap3A_1085, %swap3A_1086], %swap3A_1089 {strides = array<i32>} : memref<1x56x56x192xf32, #tpu.memory_space<vmem>>, vector<1x1x56x192xf32>,
    %slice3A_1090 = vector.extract_strided_slice %add3A_649 {offsets = [3520, 0], sizes = [56, 192], strides = [1, 1]} : vector<3584x192xf32> to vector<56x192xf32>
    %swap3A_1091 = arith.constant 0 : index
    %swap3A_1092 = arith.constant 55 : index
    %swap3A_1093 = arith.constant 0 : index
    %swap3A_1094 = arith.constant 0 : index
    %swap3A_1095 = vector.load %arg4[%swap3A_1091, %swap3A_1092, %swap3A_1093, %swap3A_1094] : memref<1x56x56x192xf32, #tpu.memory_space<vmem>>, vector<1x1x56x192xf32>
    %swap3A_1096 = vector.shape_cast %swap3A_1095 : vector<1x1x56x192xf32> to vector<56x192xf32>
    %swap3A_1097 = vector.shape_cast %slice3A_1090 : vector<56x192xf32> to vector<1x1x56x192xf32>
    tpu.vector_store %arg4[%swap3A_1091, %swap3A_1092, %swap3A_1093, %swap3A_1094], %swap3A_1097 {strides = array<i32>} : memref<1x56x56x192xf32, #tpu.memory_space<vmem>>, vector<1x1x56x192xf32>,
    return
  }
  func.func @transform_0(%arg0: i32) -> (i32, i32, i32, i32) {
    %c0_i32 = arith.constant 0 : i32
    %c0_i32_0 = arith.constant 0 : i32
    %c0_i32_1 = arith.constant 0 : i32
    %c0_i32_2 = arith.constant 0 : i32
    return %arg0, %c0_i32, %c0_i32_0, %c0_i32_1 : i32, i32, i32, i32
  }
  func.func @transform_1(%arg0: i32) -> (i32, i32, i32) {
    %c0_i32 = arith.constant 0 : i32
    %c0_i32_0 = arith.constant 0 : i32
    %c0_i32_1 = arith.constant 0 : i32
    %c0_i32_2 = arith.constant 0 : i32
    return %c0_i32, %c0_i32_0, %c0_i32_1 : i32, i32, i32
  }
  func.func @transform_2(%arg0: i32) -> (i32, i32) {
    %c0_i32 = arith.constant 0 : i32
    %c0_i32_0 = arith.constant 0 : i32
    %c0_i32_1 = arith.constant 0 : i32
    return %c0_i32, %c0_i32_0 : i32, i32
  }
  func.func @transform_3(%arg0: i32) -> (i32, i32, i32, i32) {
    %c0_i32 = arith.constant 0 : i32
    %c0_i32_0 = arith.constant 0 : i32
    %c0_i32_1 = arith.constant 0 : i32
    %c0_i32_2 = arith.constant 0 : i32
    return %arg0, %c0_i32, %c0_i32_0, %c0_i32_1 : i32, i32, i32, i32
  }
}

</mosaic_0001>

<sc_bundles>
// kernel: kernel.4.cloned.1.call-start
scs
__scs_entry_jumppad:
0x0: {  	(pc) =	sbr.rel $0x88, $3  }
0x1: {  	(tag) =	ssettag $0x0;
	lr =	simm.s32 $0x1  }
0x2: {  	[smem:$0x3F9D] =	sst lr;
	_ =	strace $0xD0000000  }
0x3: {  	_ = 	snop  }
0x4: {  	_ = 	snop  }
0x5: {  	_ = 	snop  }
0x6: {  	_ = 	snop  }
0x7: {  	_ = 	snop  }
__scs_overlays_trampoline_lowered:
0x8: {  	[smem:$0x3FAC] =	sst s0  }
0x9: {  	[smem:$0x3FAD] =	sst s1  }
0xa: {  	[smem:$0x3FAE] =	sst s2  }
0xb: {  	[smem:$0x3FAF] =	sst s3  }
0xc: {  	[smem:$0x3FB0] =	sst s4  }
0xd: {  	[smem:$0x3FB1] =	sst s5  }
0xe: {  	[smem:$0x3FB2] =	sst s6  }
0xf: {  	[smem:$0x3FB3] =	sst s7  }
0x10: {  	[smem:$0x3FB4] =	sst s8  }
0x11: {  	[smem:$0x3FB5] =	sst s9;
	s0 =	simm.s32 @!p0 $0x0  }
0x12: {  	s1 =	sld [smem:$0x3F9B];
	s0 =	simm.s32 @p0 $0x1  }
0x13: {  	[smem:$0x3FB6] =	sst s0;
	s0 =	simm.s32 @!p1 $0x0  }
0x14: {  	s2 =	sld [smem:$0x3F9A];
	s0 =	simm.s32 @p1 $0x1  }
0x15: {  	[smem:$0x3FB7] =	sst s0;
	s0 =	simm.s32 @!p2 $0x0  }
0x16: {  	s3 =	sld [smem:$0x3FDB];
	s0 =	simm.s32 @p2 $0x1  }
0x17: {  	s4 =	simm.s32 $0x1BF5;
	[smem:$0x3FB9] =	sst s0  }
0x18: {  	s0 =	sld [smem:$0x3F9C];
	_ =	swait.ge [sflag:s4], $0x0  }
0x19: {  	s7 =	sld [smem:$0x3F9D]  }
0x1a: {  	s8 =	sadd.s32 $0xFFFFE003, lr  }
0x1b: {  	s9 =	sadd.s32 $0xFFFFFEF7, lr;
	s5 =	simm.s32 $0xFFFFFFFF;
	p2 =	slt.u32 s8, $0xFFFFF086  }
0x1c: {  	p1 =	slt.u32 s9, $0xF7A;
	s5 =	simm.s32 @!p2 $0x0  }
0x1d: {  	s5 =	simm.s32 @p1 $0x1;
	p0 =	seq.s32 s7, s2  }
0x1e: {  	s7 =	smul.u32 @!p0 $0xF7A, s2;
	p2 =	seq.s32 @!p0 s5, $0x0  }
0x1f: {  	s9 =	smul.u32 $0xF7A, s1;
	s8 =	simm.s32 @!p0 $0x1BF5;
	p2 =	por !p2, p0  }
0x20: {  	[sflag:s8] =	ssyncset.s32 @!p0 $0xFFFFF086;
	s6 =	sadd.s32 @!p0 s3, s7;
	s7 =	simm.s32 @!p0 $0x108  }
0x21: {  	s3 =	sadd.s32 s3, s9;
	s6 =	sadd.s32 @!p0 $0x88, s6;
	s7 =	simm.s32 @p2 $0x1082  }
0x22: {  	[simem:s7], [sflag:s8] =	dma.local @!p0 [hbm:s6], $0xF7A  }
0x23: {  	s9 =	sor.u32 $0xD0000000, s2;
	s6 =	simm.s32 $0x108;
	_ =	swait.ge @!p0 [sflag:s8], $0x0  }
0x24: {  	s3 =	sadd.s32 $0x88, s3;
	s6 =	simm.s32 @!p1 $0x1082;
	[sflag:s4] =	ssyncset.s32 $0xFFFFF086  }
0x25: {  	[simem:s6], [sflag:s4] =	dma.local [hbm:s3], $0xF7A  }
0x26: {  	[smem:$0x3F9D] =	sst s1;
	(tag) =	ssettag s2;
	_ =	strace s9  }
0x27: {  	s1 =	sld [smem:$0x3FAD]  }
0x28: {  	s2 =	sld [smem:$0x3FAE]  }
0x29: {  	s4 =	sld [smem:$0x3FB0]  }
0x2a: {  	p0 =	seq.s32 s5, $0x0;
	s5 =	sld [smem:$0x3FB1]  }
0x2b: {  	s6 =	sld [smem:$0x3FB2]  }
0x2c: {  	s7 =	sld [smem:$0x3FB3]  }
0x2d: {  	s3 =	simm.s32 $0x108;
	s8 =	sld [smem:$0x3FB4]  }
0x2e: {  	s3 =	simm.s32 @!p0 $0x1082;
	s9 =	sld [smem:$0x3FB5]  }
0x2f: {  	lr =	sadd.s32 s0, s3;
	s0 =	sld [smem:$0x3FAC]  }
0x30: {  	s3 =	sld [smem:$0x3FAF]  }
0x31: {  	[smem:$0x3FB8] =	sst s10  }
0x32: {  	s10 =	sld [smem:$0x3FB6];
	_ =	sdelay $0x3  }
0x33: {  	p0 =	seq.s32 s10, $0x1;
	s10 =	sld [smem:$0x3FB8];
	_ =	sdelay $0x3  }
0x34: {  	[smem:$0x3FB8] =	sst s10  }
0x35: {  	s10 =	sld [smem:$0x3FB7];
	_ =	sdelay $0x3  }
0x36: {  	p1 =	seq.s32 s10, $0x1;
	s10 =	sld [smem:$0x3FB8];
	_ =	sdelay $0x3  }
0x37: {  	[smem:$0x3FB8] =	sst s10  }
0x38: {  	s10 =	sld [smem:$0x3FB9]  }
0x39: {  	_ = 	snop;
	(pc) =	sbr.ind lr, $3  }
0x3a: {  	_ = 	snop  }
0x3b: {  	_ = 	snop  }
0x3c: {  	p2 =	seq.s32 s10, $0x1;
	s10 =	sld [smem:$0x3FB8]  }
0x3d: {  	_ =	shalt  }
0x3e: {  	_ =	shalt  }
0x3f: {  	_ =	shalt  }
0x40: {  	_ =	shalt  }
0x41: {  	_ =	shalt  }
0x42: {  	_ =	shalt  }
0x43: {  	_ =	shalt  }
0x44: {  	_ =	shalt  }
0x45: {  	_ =	shalt  }
0x46: {  	_ =	shalt  }
0x47: {  	_ =	shalt  }
0x48: {  	_ =	shalt  }
0x49: {  	_ =	shalt  }
0x4a: {  	_ =	shalt  }
0x4b: {  	_ =	shalt  }
0x4c: {  	_ =	shalt  }
0x4d: {  	_ =	shalt  }
0x4e: {  	_ =	shalt  }
0x4f: {  	_ =	shalt  }
0x50: {  	_ =	shalt  }
0x51: {  	_ =	shalt  }
0x52: {  	_ =	shalt  }
0x53: {  	_ =	shalt  }
0x54: {  	_ =	shalt  }
0x55: {  	_ =	shalt  }
0x56: {  	_ =	shalt  }
0x57: {  	_ =	shalt  }
0x58: {  	_ =	shalt  }
0x59: {  	_ =	shalt  }
0x5a: {  	_ =	shalt  }
0x5b: {  	_ =	shalt  }
0x5c: {  	_ =	shalt  }
0x5d: {  	_ =	shalt  }
0x5e: {  	_ =	shalt  }
0x5f: {  	_ =	shalt  }
0x60: {  	_ =	shalt  }
0x61: {  	_ =	shalt  }
0x62: {  	_ =	shalt  }
0x63: {  	_ =	shalt  }
0x64: {  	_ =	shalt  }
0x65: {  	_ =	shalt  }
0x66: {  	_ =	shalt  }
0x67: {  	_ =	shalt  }
0x68: {  	_ =	shalt  }
0x69: {  	_ =	shalt  }
0x6a: {  	_ =	shalt  }
0x6b: {  	_ =	shalt  }
0x6c: {  	_ =	shalt  }
0x6d: {  	_ =	shalt  }
0x6e: {  	_ =	shalt  }
0x6f: {  	_ =	shalt  }
0x70: {  	_ =	shalt  }
0x71: {  	_ =	shalt  }
0x72: {  	_ =	shalt  }
0x73: {  	_ =	shalt  }
0x74: {  	_ =	shalt  }
0x75: {  	_ =	shalt  }
0x76: {  	_ =	shalt  }
0x77: {  	_ =	shalt  }
0x78: {  	_ =	shalt  }
0x79: {  	_ =	shalt  }
0x7a: {  	_ =	shalt  }
0x7b: {  	_ =	shalt  }
0x7c: {  	_ =	shalt  }
0x7d: {  	_ =	shalt  }
0x7e: {  	_ =	shalt  }
0x7f: {  	_ =	shalt  }
0x80: {  	_ =	shalt  }
0x81: {  	_ =	shalt  }
0x82: {  	_ =	shalt  }
0x83: {  	_ =	shalt  }
0x84: {  	_ =	shalt  }
0x85: {  	_ =	shalt  }
0x86: {  	_ =	shalt  }
0x87: {  	_ =	shalt  }
.Lfunc_end0:
.L_simem_size_0:
called_computation_lowered:
.L_overlay_start_0:
0x88: {  	s2 =	sld [smem:$0x3FD9]  }
0x89: {  	s3 =	sld [smem:$0x3FFE];
	_ =	sdelay $0x1  }
0x8a: {  	s1 =	srdreg.scid  }
0x8b: {  	s0 =	sand.u32 $0x1, s1  }
0x8c: {  	s17 =	sshll.u32 s0, $0xA;
	s2 =	sadd.s32 s3, s2  }
0x8d: {  	s2 =	sadd.s32 s2, s17  }
0x8e: {  	[smem:$0x3FC4] =	sst s2  }
0x8f: {  	_ = 	snop  }
0x90: {  	s2 =	sld [smem:$0x3FD0];
	(tm) =	ssettm $0x1  }
0x91: {  	s18 =	sld [smem:$0x3FFB];
	_ =	sdelay $0x3  }
0x92: {  	_ =	strace s18  }
0x93: {  	s3 =	sld [smem:$0x3FFC];
	_ =	sdelay $0x3  }
0x94: {  	_ =	strace s3  }
0x95: {  	s3 =	sld [smem:$0x3FFD];
	_ =	sdelay $0x3  }
0x96: {  	_ =	strace s3  }
0x97: {  	_ =	strace $0x8FFFFFFF  }
0x98: {  	s19 =	sld [smem:$0x3FDB];
	_ =	sdelay $0x1  }
0x99: {  	s4 =	simm.s32 $_scs_section_size  }
0x9a: {  	s5 =	simm.s32 $_size__tile_overlayer_lowered;
	s6 =	simm.s32 $_tile_overlayer_lowered  }
0x9b: {  	s22 =	simm.s32 $0x1BFF;
	s21 =	sshll.u32 s6, $0x1;
	s3 =	sadd.s32 s4, s19  }
0x9c: {  	s7 =	simm.s32 $0x0;
	s20 =	sshll.u32 s5, $0x1;
	s5 =	sadd.s32 s21, s3  }
0x9d: {  	[timem:s7], [sflag:s22] =	dma.local [hbm:s5], s20  }
0x9e: {  	_ =	swait.ge [sflag:s22], s20  }
0x9f: {  	s4 =	ssub.s32 $0x0, s20;
	[sflag:s22] =	ssyncset.done $0x0  }
0xa0: {  	[sflag:s22] =	ssyncadd.s32 s4;
	_ =	sdelay $0x1  }
0xa1: {  	s23 =	simm.s32 $0x1B8B  }
0xa2: {  	_ =	swait.ge [sflag:s23], $0x1  }
0xa3: {  	[sflag:s23] =	ssyncset.done $0x0  }
0xa4: {  	s25 =	simm.s32 $0x1B8E;
	s24 =	sld [smem:$0x3FFE];
	[sflag:s23] =	ssyncadd.s32 $0xFFFFFFFF  }
0xa5: {  	s26 =	simm.s32 $execute0_lowered;
	[smem:$0x3FD2] =	sst s25  }
0xa6: {  	s5 =	sshll.u32 s26, $0x1;
	_ =	strace $0x80000046;
	[dreg:$0x1] =	wrdreg $0xFFFFFFFF  }
0xa7: {  	s28 =	simm.s32 $_size_execute0_lowered;
	s3 =	sadd.s32 s3, s5;
	[dreg:$0x0] =	wrdreg $0x0  }
0xa8: {  	s5 =	sshll.u32 s28, $0x1;
	[dreg:$0x2] =	wrdreg s3  }
0xa9: {  	[dreg:$0x3] =	wrdreg s5  }
0xaa: {  	[dreg:$0x4] =	wrdreg $0xC0  }
0xab: {  	_ =	task [dreg:s7], $0x5FFFF  }
0xac: {  	[dreg:$0x1] =	wrdreg $0xFFFFFFFF  }
0xad: {  	[dreg:$0x0] =	wrdreg $0x60  }
0xae: {  	[dreg:$0x2] =	wrdreg s24  }
0xaf: {  	[dreg:$0x3] =	wrdreg s2  }
0xb0: {  	[dreg:$0x4] =	wrdreg $0x9  }
0xb1: {  	_ =	task.clear_ibuf [dreg:s7], $0x5FFFF;
	_ =	strace $0x90000046  }
0xb2: {  	s29 =	simm.s32 $0x9;
	_ =	strace $0x80000048  }
0xb3: {  	_ =	swait.ge [sflag:s29], $0x1  }
0xb4: {  	[sflag:s29] =	ssyncadd.s32 $0xFFFFFFFF  }
0xb5: {  	_ =	strace $0x90000048  }
0xb6: {  	_ =	sfence  }
0xb7: {  	s30 =	sld [smem:$0x0];
	_ =	sdelay $0x2  }
0xb8: {  	s31 =	sshll.u32 s1, $0xD;
	s1 =	sshrl.u32 s1, $0x2  }
0xb9: {  	s3 =	sand.u32 $0x4000, s31;
	s1 =	sadd.s32 s1, s30  }
0xba: {  	s0 =	sor.u32 s3, s0;
	s1 =	sshll.u32 s1, $0x11  }
0xbb: {  	s0 =	sor.u32 s1, s0  }
0xbc: {  	s0 =	sadd.s32 $0x8F2B, s0  }
0xbd: {  	[sflag:s0] =	ssyncadd.remote.s32 $0x1  }
0xbe: {  	_ =	sfence.sel $0xFFFF  }
0xbf: {  	[dreg:$0x0] =	wrdreg $0xFFFFFFFF;
	(pc) =	sbr.abs _section_cstart, $3  }
0xc0: {  	[dreg:$0x1] =	wrdreg $0xFFFFFFFF  }
0xc1: {  	_ =	task.clear_ibuf [dreg:s7], $0x2FFFF;
	_ =	strace $0x9FFFFFFF  }
0xc2: {  	(tm) =	ssettm $0x7FFFFFFF  }
0xc3: {  	_ =	shalt  }
tec
execute0_lowered:
.L_overlay_start_1:
0x0: {  	(tag) =	ssettag $0x1  }
0x1: {  	s1 =	rddreg [dreg:$0x0]  }
0x2: {  	s0 =	rddreg [dreg:$0x1]  }
0x3: {  	s4 =	simm.s32 $0x0;
	s2 =	srdreg.scid;
	s3 =	stileid.u32  }
0x4: {  	[smem:$0x7FF] =	sst s4;
	s2 =	sand.u32 $0x1, s2;
	s5 =	sshll.u32 s3, $0x1  }
0x5: {  	s6 =	sadd.s32 $0x1200, s1;
	s1 =	sadd.s32 $0x2400, s1;
	_ =	strace $0x80000047  }
0x6: {  	[dreg:$0x3] =	wrdreg s6;
	s16 =	ssub.s32 $0x2, s2;
	s2 =	sor.u32 s2, s5  }
0x7: {  	s9 =	sshll.u32 s3, $0x3;
	[dreg:$0x4] =	wrdreg s1;
	s7 =	smul.u32 $0x480, s2  }
0x8: {  	s21 =	sand.u32 $0x40, s9;
	s17 =	sshrl.u32 s16, $0x1;
	s18 =	smul.u32 $0xFFFFD780, s2  }
0x9: {  	s8 =	sand.u32 $0xF, s2;
	s2 =	sadd.s32 $0x1, s2;
	s5 =	ssub.s32 s16, s17  }
0xa: {  	s19 =	sand.u32 $0xF, s2;
	s7 =	sshrl.u32 s7, $0x3;
	s30 =	smax.u32 s5, $0x1  }
0xb: {  	s2 =	sshll.u32 s2, $0x2;
	s20 =	sadd.s32 s0, s7;
	[dreg:$0xe] =	wrdreg s30  }
0xc: {  	s2 =	sand.u32 $0xC0, s2;
	s0 =	sshrl.u32 s21, $0x2;
	[dreg:$0x5] =	wrdreg s20  }
0xd: {  	v3 =	vlaneseq.u32;
	v4 =	vimm.s32 $0xECA86420;
	vm2 =	vcmask $0xB08;
	s31 =	sshrl.u32 s2, $0x2;
	[dreg:$0xf] =	wrdreg s0  }
0xe: {  	vm3 =	vcmask $0x1310;
	vm4 =	vcmask $0x1B18;
	vm5 =	vcmask $0x300;
	s22 =	sadd.s32 $0x1200, s20;
	[dreg:$0x10] =	wrdreg s31  }
0xf: {  	vm6 =	vcmask $0x2320;
	vm7 =	vcmask $0x2B28;
	vm8 =	vcmask $0x3330;
	s23 =	sadd.s32 $0x2400, s20;
	[dreg:$0x6] =	wrdreg s22  }
0x10: {  	vm9 =	vcmask $0x3B38;
	vm10 =	vmmov $0xff;
	vm12 =	vcmask $0x704;
	s24 =	sadd.s32 $0x3600, s20;
	[dreg:$0x7] =	wrdreg s23  }
0x11: {  	vm14 =	vcmask $0x1714;
	vm1 =	vcmask $0x2724;
	vm15 =	vcmask $0x2F2C;
	s25 =	sadd.s32 $0x4800, s20;
	[dreg:$0x8] =	wrdreg s24  }
.Ltmp0:
0x12: {  	v4 =	vunpack.c.l.s4.s8 v4;
	v2 =	vmov s8;
	v1 =	vmov s19;
	s26 =	sadd.s32 $0x5A00, s20;
	[dreg:$0x9] =	wrdreg s25;
	(pc) =	sbr.rel .LBB2_1-.Ltmp0, $4  }
0x13: {  	v0 =	vmov s18;
	vm0 =	veq.s32 v1, v3;
	v1 =	vimm.s32 $0x0;
	s28 =	sadd.s32 $0x6C00, s20;
	[dreg:$0xa] =	wrdreg s26  }
0x14: {  	v1 =	vsel vm0, $0xFFFFFFFF, v1;
	s29 =	sadd.s32 $0x7E00, s20;
	vm0 =	veq.s32 v2, v3;
	v2 =	vimm.s32 $0x0;
	[dreg:$0xb] =	wrdreg s28  }
0x15: {  	s1 =	sadd.s32 $0x9000, s20;
	v3 =	vmul.u32 $0x2, v3;
	[tilespmem:$0x1FFE0] =	vst v1;
	[dreg:$0xc] =	wrdreg s29;
	v1 =	vimm.f32 $0.0e+00;
	v2 =	vsel vm0, $0xFFFFFFFF, v2  }
0x16: {  	s3 =	simm.s32 $0x2080;
	s2 =	simm.s32 $0x0;
	[dreg:$0xd] =	wrdreg s1;
	vm0 =	vcmask $0x1F1C;
	[tilespmem:$0x1FFF0] =	vst v2;
	v2 =	vunpack.c.0.s8.s32 v4;
	v4 =	vimm.s32 $0x0  }
.LBB2_8:
0x17: {  	s0 =	rddreg [dreg:$0x5];
	s1 =	simm.s32 $0x2  }
0x18: {  	[hbm4b:s0+s4] =	stream.linear.scatter [tilespmem:s3], [sflag:$0x2], $0x480, $0x38;
	[tilespmem:$0x4900] =	vst v63  }
0x19: {  	_ =	swait.ge [sflag:s1], $0x480  }
0x1a: {  	[sflag:s1] =	ssyncset.done $0x0  }
0x1b: {  	s2 =	simm.s32 $0x2500;
	s14 =	rddreg [dreg:$0x6];
	[sflag:s1] =	ssyncadd.s32 $0xFFFFFB80  }
0x1c: {  	[hbm4b:s14+s4] =	stream.linear.scatter [tilespmem:s2], [sflag:$0x2], $0x480, $0x38;
	[tilespmem:$0x4900] =	vst v63  }
0x1d: {  	_ =	swait.ge [sflag:s1], $0x480  }
0x1e: {  	[sflag:s1] =	ssyncset.done $0x0  }
0x1f: {  	s16 =	simm.s32 $0x2980;
	s15 =	rddreg [dreg:$0x7];
	[sflag:s1] =	ssyncadd.s32 $0xFFFFFB80  }
0x20: {  	[hbm4b:s15+s4] =	stream.linear.scatter [tilespmem:s16], [sflag:$0x2], $0x480, $0x38;
	[tilespmem:$0x4900] =	vst v63  }
0x21: {  	_ =	swait.ge [sflag:s1], $0x480  }
0x22: {  	[sflag:s1] =	ssyncset.done $0x0  }
0x23: {  	s18 =	simm.s32 $0x2E00;
	s17 =	rddreg [dreg:$0x8];
	[sflag:s1] =	ssyncadd.s32 $0xFFFFFB80  }
0x24: {  	[hbm4b:s17+s4] =	stream.linear.scatter [tilespmem:s18], [sflag:$0x2], $0x480, $0x38;
	[tilespmem:$0x4900] =	vst v63  }
0x25: {  	_ =	swait.ge [sflag:s1], $0x480  }
0x26: {  	[sflag:s1] =	ssyncset.done $0x0  }
0x27: {  	s20 =	simm.s32 $0x3280;
	s19 =	rddreg [dreg:$0x9];
	[sflag:s1] =	ssyncadd.s32 $0xFFFFFB80  }
0x28: {  	[hbm4b:s19+s4] =	stream.linear.scatter [tilespmem:s20], [sflag:$0x2], $0x480, $0x38;
	[tilespmem:$0x4900] =	vst v63  }
0x29: {  	_ =	swait.ge [sflag:s1], $0x480  }
0x2a: {  	[sflag:s1] =	ssyncset.done $0x0  }
0x2b: {  	s22 =	simm.s32 $0x3700;
	s21 =	rddreg [dreg:$0xa];
	[sflag:s1] =	ssyncadd.s32 $0xFFFFFB80  }
0x2c: {  	[hbm4b:s21+s4] =	stream.linear.scatter [tilespmem:s22], [sflag:$0x2], $0x480, $0x38;
	[tilespmem:$0x4900] =	vst v63  }
0x2d: {  	_ =	swait.ge [sflag:s1], $0x480  }
0x2e: {  	[sflag:s1] =	ssyncset.done $0x0  }
0x2f: {  	s24 =	simm.s32 $0x3B80;
	s23 =	rddreg [dreg:$0xb];
	[sflag:s1] =	ssyncadd.s32 $0xFFFFFB80  }
0x30: {  	[hbm4b:s23+s4] =	stream.linear.scatter [tilespmem:s24], [sflag:$0x2], $0x480, $0x38;
	[tilespmem:$0x4900] =	vst v63  }
0x31: {  	_ =	swait.ge [sflag:s1], $0x480  }
0x32: {  	[sflag:s1] =	ssyncset.done $0x0  }
0x33: {  	s26 =	simm.s32 $0x4000;
	s25 =	rddreg [dreg:$0xc];
	[sflag:s1] =	ssyncadd.s32 $0xFFFFFB80  }
0x34: {  	[hbm4b:s25+s4] =	stream.linear.scatter [tilespmem:s26], [sflag:$0x2], $0x480, $0x38;
	[tilespmem:$0x4900] =	vst v63  }
0x35: {  	_ =	swait.ge [sflag:s1], $0x480  }
0x36: {  	[sflag:s1] =	ssyncset.done $0x0  }
0x37: {  	s29 =	simm.s32 $0x4480;
	s28 =	rddreg [dreg:$0xd];
	[sflag:s1] =	ssyncadd.s32 $0xFFFFFB80  }
0x38: {  	[hbm4b:s28+s4] =	stream.linear.scatter [tilespmem:s29], [sflag:$0x2], $0x480, $0x38;
	[tilespmem:$0x4900] =	vst v63  }
0x39: {  	_ =	swait.ge [sflag:s1], $0x480  }
0x3a: {  	s30 =	rddreg [dreg:$0x11]  }
0x3b: {  	s31 =	rddreg [dreg:$0xe];
	s2 =	sadd.s32 $0x1, s30  }
0x3c: {  	p0 =	sne.s32 s2, s31  }
.Ltmp1:
0x3d: {  	_ = 	snop;
	(pc) =	sbr.rel @!p0 .LBB2_9-.Ltmp1, $3  }
0x3e: {  	_ =	sdelay $0x1  }
0x3f: {  	[sflag:s1] =	ssyncset.done $0x0  }
0x40: {  	[sflag:s1] =	ssyncadd.s32 $0xFFFFFB80  }
.LBB2_1:
0x41: {  	[dreg:$0x11] =	wrdreg s2  }
0x42: {  	s0 =	rddreg [dreg:$0x4]  }
0x43: {  	s1 =	simm.s32 $0x2000;
	s2 =	simm.s32 $0x40;
	s5 =	simm.s32 $0x0  }
0x44: {  	[tilespmem:s1], [sflag:$0x1] =	stream.linear.gather [hbm4b:s0+s4], $0x80, $0x38;
	[tilespmem:$0x4900] =	vst v63  }
.LBB2_2:
0x45: {  	p0 =	sne.s32 s2, $0xA1C0;
	[tilespmem:s5+$0x2080] =	vst v1;
	s5 =	smov.u32 s2;
	s2 =	sadd.s32 $0x40, s2  }
.Ltmp2:
0x46: {  	(pc) =	sbr.rel @p0 .LBB2_2-.Ltmp2, $2  }
0x47: {  	_ =	sdelay $0x2  }
0x48: {  	s5 =	sshra.s32 s5, $0x2  }
0x49: {  	[tilespmem:s5+$0x2080] =	vst v1;
	s0 =	simm.s32 $0x1  }
0x4a: {  	_ =	swait.ge [sflag:s0], $0x80  }
0x4b: {  	[sflag:s0] =	ssyncset.done $0x0  }
0x4c: {  	s22 =	rddreg [dreg:$0xf];
	v6 =	vld [tilespmem:$0x1FFF0];
	[sflag:s0] =	ssyncadd.s32 $0xFFFFFF80  }
0x4d: {  	v5 =	vld [tilespmem:s22+$0x2000];
	_ =	sdelay $0x3  }
0x4e: {  	vm11 =	vnez.u8 v6  }
0x4f: {  	v5 =	vnsel vm11, $0x0, v5  }
0x50: {  	s23 =	rddreg [dreg:$0x10];
	v7 =	vld [tilespmem:$0x1FFE0];
	(xrf0) =	vadd.scan.msk.s32 $0xffff, v5  }
0x51: {  	v5 =	vld [tilespmem:s23+$0x2000];
	_ =	sdelay $0x3  }
0x52: {  	vm11 =	vnez.u8 v7  }
0x53: {  	v5 =	vnsel vm11, $0x0, v5;
	v6, _, _ =	vpop (xrf0)  }
0x54: {  	(xrf0) =	vadd.scan.msk.s32 $0xffff, v5;
	(v2sf) =	vpush v6, $0xF;
	_ =	sdelay $0x5  }
0x55: {  	v5, _, _ =	vpop (xrf0)  }
0x56: {  	(v2sf) =	vpush v5, $0xF;
	_ =	sdelay $0x7  }
0x57: {  	s24 =	spop (v2sf)  }
0x58: {  	s25 =	sand.u32 $0x7, s24  }
0x59: {  	s6 =	sshra.s32 s24, $0x1F;
	p0 =	slt.s32 s24, $0x1;
	p1 =	sne.s32 s25, $0x0  }
0x5a: {  	s26 =	sshrl.u32 s6, $0x1D;
	p0 =	por !p0, !p1  }
0x5b: {  	s6 =	simm.s32 $0x1;
	s5 =	sadd.s32 s26, s24;
	p0 =	por !p0, !p0  }
0x5c: {  	s5 =	sshrl.u32 s5, $0x3;
	s6 =	simm.s32 @!p0 $0x0  }
0x5d: {  	s5 =	ssub.s32 s5, s6  }
0x5e: {  	s28 =	spop (v2sf);
	s1 =	sshll.u32 s5, $0x3  }
0x5f: {  	s5 =	ssub.s32 s28, s1  }
0x60: {  	s5 =	sadd.s32 $0xFFF, s5  }
0x61: {  	s29 =	sand.u32 $0xFFF, s5  }
0x62: {  	s7 =	sshra.s32 s5, $0x1F;
	p5 =	slt.s32 s5, $0x1;
	p6 =	sne.s32 s29, $0x0  }
0x63: {  	s30 =	sshrl.u32 s7, $0x14;
	p0 =	por !p5, !p6  }
0x64: {  	s6 =	simm.s32 $0x1;
	s5 =	sadd.s32 s30, s5;
	p0 =	por !p0, !p0  }
0x65: {  	s5 =	sshra.s32 s5, $0xC;
	s6 =	simm.s32 @!p0 $0x0  }
0x66: {  	s31 =	ssub.s32 s5, s6  }
0x67: {  	p0 =	slt.s32 s31, $0x1  }
.Ltmp3:
0x68: {  	[dreg:$0x12] =	wrdreg s24;
	(pc) =	sbr.rel @!p0 .LBB2_4-.Ltmp3, $4  }
.Ltmp4:
0x69: {  	[dreg:$0x13] =	wrdreg s28;
	(pc) =	sbr.rel @p0 .LBB2_8-.Ltmp4, $4  }
0x6a: {  	[dreg:$0x14] =	wrdreg s1  }
0x6b: {  	[dreg:$0x17] =	wrdreg s1  }
0x6c: {  	s2 =	simm.s32 $0x0;
	vm11 =	vcmask $0x3734;
	[dreg:$0x15] =	wrdreg s31  }
0x6d: {  	_ = 	snop  }
.LBB2_7:
0x6e: {  	s2 =	rddreg [dreg:$0x16]  }
0x6f: {  	s0 =	rddreg [dreg:$0x15];
	s2 =	sadd.s32 $0x1, s2  }
0x70: {  	p0 =	sne.s32 s2, s0  }
.Ltmp5:
0x71: {  	_ = 	snop;
	(pc) =	sbr.rel @!p0 .LBB2_8-.Ltmp5, $4  }
0x72: {  	_ = 	snop  }
0x73: {  	s31 =	rddreg [dreg:$0x17]  }
0x74: {  	s0 =	sadd.s32 $0x1000, s31  }
0x75: {  	s4 =	simm.s32 $0x0;
	[dreg:$0x17] =	wrdreg s0  }
.LBB2_4:
0x76: {  	s5 =	sshll.u32 s2, $0xC;
	s0 =	rddreg [dreg:$0x14]  }
0x77: {  	s5 =	sadd.s32 s0, s5  }
0x78: {  	p0 =	slt.s32 s5, $0x71A0  }
0x79: {  	s21 =	rddreg [dreg:$0x3];
	s5 =	simm.s32 @!p0 $0x71A0  }
0x7a: {  	s22 =	rddreg [dreg:$0x0];
	s6 =	sshrl.u32 s5, $0x3  }
0x7b: {  	s24 =	rddreg [dreg:$0x12];
	s7 =	sadd.s32 s21, s6  }
0x7c: {  	[tilespmem:s4], [sflag:$0x1] =	stream.linear.gather [hbm4b:s7+s4], $0x1000, $0x38;
	[tilespmem:$0x4900] =	vst v63  }
0x7d: {  	s23 =	simm.s32 $0x1000;
	s25 =	rddreg [dreg:$0x13];
	s6 =	sadd.s32 s22, s6  }
0x7e: {  	[tilespmem:s23], [sflag:$0x1] =	stream.linear.gather [hbm4b:s6+s4], $0x1000, $0x38;
	[tilespmem:$0x4900] =	vst v63  }
0x7f: {  	[dreg:$0x16] =	wrdreg s2;
	s6 =	ssub.s32 s24, s5;
	s5 =	ssub.s32 s25, s5  }
0x80: {  	p1 =	sgt.s32 s6, $0x0;
	p5 =	slt.s32 s6, $0x1;
	s5 =	sadd.s32 $0xF, s5  }
0x81: {  	s6 =	simm.s32 @!p1 $0x0;
	s30 =	sand.u32 $0xF, s5;
	s31 =	sshra.s32 s5, $0x1F  }
0x82: {  	p3 =	slt.s32 s5, $0x1;
	s28 =	sand.u32 $0xF, s6;
	p2 =	sne.s32 s30, $0x0  }
0x83: {  	s7 =	sshrl.u32 s31, $0x1C;
	p6 =	sne.s32 s28, $0x0;
	p2 =	por !p3, !p2  }
0x84: {  	s5 =	sadd.s32 s7, s5;
	s7 =	simm.s32 $0x1;
	p2 =	por !p2, !p2  }
0x85: {  	p0 =	por !p5, !p6;
	s5 =	sshra.s32 s5, $0x4;
	s7 =	simm.s32 @!p2 $0x0  }
0x86: {  	p0 =	por !p0, !p0;
	s1 =	ssub.s32 s5, s7;
	s5 =	simm.s32 $0x1  }
0x87: {  	s6 =	sshrl.u32 s6, $0x4;
	s5 =	simm.s32 @!p0 $0x0;
	p1 =	slt.s32 s1, $0x100  }
0x88: {  	s26 =	simm.s32 $0x1;
	s29 =	ssub.s32 s6, s5;
	s1 =	simm.s32 @!p1 $0x100  }
0x89: {  	_ =	swait.ge [sflag:s26], $0x1000;
	p1 =	sge.s32 s29, s1  }
.Ltmp6:
0x8a: {  	[sflag:s26] =	ssyncset.done $0x0;
	(pc) =	sbr.rel @p1 .LBB2_7-.Ltmp6, $4  }
0x8b: {  	[sflag:s26] =	ssyncadd.s32 $0xFFFFF000  }
0x8c: {  	_ =	swait.ge [sflag:s26], $0x1000  }
0x8d: {  	[sflag:s26] =	ssyncset.done $0x0  }
0x8e: {  	[sflag:s26] =	ssyncadd.s32 $0xFFFFF000  }
0x8f: {  	s5 =	rddreg [dreg:$0x17]  }
0x90: {  	p1 =	slt.s32 s5, $0x71A0  }
0x91: {  	s0 =	rddreg [dreg:$0x12];
	s5 =	simm.s32 @!p1 $0x71A0  }
0x92: {  	s5 =	ssub.s32 s0, s5  }
0x93: {  	p1 =	sgt.s32 s5, $0x0  }
0x94: {  	s6 =	simm.s32 $0xFFFFFFFF;
	s5 =	simm.s32 @!p1 $0x0  }
0x95: {  	s6 =	simm.s32 @!p0 $0x0;
	s5 =	sshrl.u32 s5, $0x4  }
0x96: {  	s5 =	sadd.s32 s6, s5  }
0x97: {  	s5 =	sshll.u32 s5, $0x6  }
0x98: {  	s30 =	sshra.s32 s5, $0x2  }
0x99: {  	[dreg:$0x18] =	wrdreg s1;
	s31 =	sadd.s32 $0x1000, s30  }
.LBB2_6:
0x9a: {  	v5 =	vld [tilespmem:s30+$0x0];
	_ =	sdelay $0x4  }
0x9b: {  	v5 =	vadd.s32 v0, v5  }
0x9c: {  	v6 =	vimm.s32 $0x0;
	vm13 =	vlt.u32 v5, $0x2880  }
0x9d: {  	v6 =	vsel vm13, $0xFFFFFFFF, v6  }
0x9e: {  	[tilespmem:$0x1FFD0] =	vst v6;
	v6 =	vnsel vm13, $0x0, v5  }
0x9f: {  	(v2sf) =	vpush v6, $0xD;
	_ =	sdelay $0x1  }
0xa0: {  	(v2sf) =	vpush v6, $0xC;
	_ =	sdelay $0x1  }
0xa1: {  	(v2sf) =	vpush v6, $0xE;
	_ =	sdelay $0x1  }
0xa2: {  	(v2sf) =	vpush v6, $0xF;
	_ =	sdelay $0x1  }
0xa3: {  	(v2sf) =	vpush v6, $0x9;
	_ =	sdelay $0x1  }
0xa4: {  	(v2sf) =	vpush v6, $0x8;
	_ =	sdelay $0x1  }
0xa5: {  	(v2sf) =	vpush v6, $0xA;
	_ =	sdelay $0x1  }
0xa6: {  	(v2sf) =	vpush v6, $0xB  }
0xa7: {  	s5 =	spop (v2sf)  }
0xa8: {  	(v2sf) =	vpush v6, $0x0;
	s6 =	smulhi.u32 $0x4BDA12F7, s5;
	s5 =	sshra.s32 s5, $0x1F  }
0xa9: {  	s7 =	spop (v2sf);
	(v2sf) =	vpush v6, $0x1;
	s5 =	smul.u32 $0x4BDA12F7, s5  }
0xaa: {  	s8 =	smulhi.u32 $0x4BDA12F7, s7;
	s7 =	sshra.s32 s7, $0x1F;
	(v2sf) =	vpush v6, $0x2  }
0xab: {  	s9 =	spop (v2sf);
	s7 =	smul.u32 $0x4BDA12F7, s7;
	(v2sf) =	vpush v6, $0x3  }
0xac: {  	s10 =	smulhi.u32 $0x4BDA12F7, s9;
	s9 =	sshra.s32 s9, $0x1F;
	(v2sf) =	vpush v6, $0x4  }
0xad: {  	s17 =	spop (v2sf);
	s11 =	smul.u32 $0x4BDA12F7, s9;
	(v2sf) =	vpush v6, $0x5  }
0xae: {  	s18 =	smulhi.u32 $0x4BDA12F7, s17;
	s9 =	sshra.s32 s17, $0x1F;
	(v2sf) =	vpush v6, $0x6  }
0xaf: {  	s5 =	sadd.s32 s5, s6;
	s13 =	spop (v2sf);
	s12 =	smul.u32 $0x4BDA12F7, s9;
	(v2sf) =	vpush v6, $0x7  }
0xb0: {  	s15 =	sshrl.u32 s5, $0x1F;
	s14 =	smulhi.u32 $0x4BDA12F7, s13;
	s19 =	sshra.s32 s13, $0x1F  }
0xb1: {  	s9 =	sadd.s32 s7, s8;
	s20 =	spop (v2sf);
	s13 =	smul.u32 $0x4BDA12F7, s19  }
0xb2: {  	s0 =	sshrl.u32 s9, $0x1F;
	s21 =	smulhi.u32 $0x4BDA12F7, s20;
	s8 =	sshra.s32 s20, $0x1F  }
0xb3: {  	s7 =	sadd.s32 s11, s10;
	s23 =	spop (v2sf);
	s1 =	smul.u32 $0x4BDA12F7, s8  }
0xb4: {  	s8 =	sadd.s32 s12, s18;
	s12 =	smulhi.u32 $0x4BDA12F7, s23;
	s10 =	sshra.s32 s23, $0x1F  }
0xb5: {  	s19 =	sshrl.u32 s7, $0x1F;
	s18 =	spop (v2sf);
	s20 =	smul.u32 $0x4BDA12F7, s10  }
0xb6: {  	s6 =	sshrl.u32 s8, $0x1F;
	s22 =	smulhi.u32 $0x4BDA12F7, s18;
	s24 =	sshra.s32 s18, $0x1F  }
0xb7: {  	s10 =	sadd.s32 s13, s14;
	s4 =	smul.u32 $0x4BDA12F7, s24;
	s25 =	spop (v2sf)  }
0xb8: {  	s3 =	smulhi.u32 $0x4BDA12F7, s25;
	s26 =	sshra.s32 s25, $0x1F;
	s16 =	spop (v2sf)  }
0xb9: {  	s13 =	sadd.s32 s1, s21;
	s1 =	smul.u32 $0x4BDA12F7, s26;
	s28 =	spop (v2sf)  }
0xba: {  	s24 =	smulhi.u32 $0x4BDA12F7, s16;
	s23 =	sshra.s32 s16, $0x1F;
	s16 =	spop (v2sf)  }
0xbb: {  	s18 =	sshrl.u32 s10, $0x1F;
	s2 =	smul.u32 $0x4BDA12F7, s23;
	s17 =	spop (v2sf)  }
0xbc: {  	s21 =	smulhi.u32 $0x4BDA12F7, s28;
	s11 =	sshra.s32 s28, $0x1F;
	s23 =	spop (v2sf)  }
0xbd: {  	s14 =	sadd.s32 s20, s12;
	s12 =	smul.u32 $0x4BDA12F7, s11;
	s20 =	spop (v2sf)  }
0xbe: {  	s11 =	sadd.s32 s4, s22;
	s4 =	smulhi.u32 $0x4BDA12F7, s16;
	s25 =	spop (v2sf)  }
0xbf: {  	s26 =	sshrl.u32 s13, $0x1F;
	s28 =	smulhi.u32 $0x4BDA12F7, s25;
	s22 =	sshra.s32 s25, $0x1F  }
0xc0: {  	v9 =	vmov s26;
	s1 =	sadd.s32 s1, s3;
	s16 =	sshra.s32 s16, $0x1F;
	s22 =	smul.u32 $0x4BDA12F7, s22  }
0xc1: {  	v9 =	vsel vm2, s18, v9;
	s18 =	sshra.s32 s10, $0x9;
	s2 =	sadd.s32 s2, s24;
	s16 =	smul.u32 $0x4BDA12F7, s16  }
0xc2: {  	s3 =	sshrl.u32 s1, $0x1F;
	s21 =	sadd.s32 s12, s21;
	s12 =	sadd.s32 s22, s28  }
0xc3: {  	v7 =	vmov s0;
	v8 =	vmov s3;
	s3 =	smulhi.u32 $0x4BDA12F7, s23;
	s23 =	sshra.s32 s23, $0x1F;
	s22 =	sshra.s32 s12, $0x1F  }
0xc4: {  	v7 =	vsel vm2, s15, v7;
	s4 =	sadd.s32 s16, s4;
	s16 =	smulhi.u32 $0x4BDA12F7, s17;
	s28 =	sshra.s32 s1, $0x9;
	v5 =	vmov s22  }
0xc5: {  	v7 =	vsel vm3, s19, v7;
	s24 =	sshrl.u32 s14, $0x1F;
	s15 =	smul.u32 $0x4BDA12F7, s23;
	s1 =	sshra.s32 s1, $0x1F;
	v5 =	vsel vm5, s28, v5  }
0xc6: {  	v7 =	vsel vm4, s6, v7;
	s17 =	sshra.s32 s17, $0x1F;
	s6 =	smulhi.u32 $0x4BDA12F7, s20;
	s28 =	sshra.s32 s2, $0x9;
	v5 =	vsel vm12, s1, v5  }
0xc7: {  	vm13 =	vcmask $0xF0C;
	s23 =	sshra.s32 s20, $0x1F;
	s22 =	sshrl.u32 s2, $0x1F;
	s2 =	sshra.s32 s2, $0x1F;
	v5 =	vsel vm2, s28, v5  }
0xc8: {  	v9 =	vsel vm3, s24, v9;
	s25 =	sshrl.u32 s11, $0x1F;
	s0 =	smul.u32 $0x4BDA12F7, s17;
	s28 =	sshra.s32 s21, $0x9;
	v5 =	vsel vm13, s2, v5  }
0xc9: {  	s17 =	sshrl.u32 s21, $0x1F;
	s20 =	smul.u32 $0x4BDA12F7, s23;
	v9 =	vsel vm4, s25, v9;
	s21 =	sshra.s32 s21, $0x1F;
	v5 =	vsel vm3, s28, v5  }
0xca: {  	v8 =	vnsel vm5, $0x0, v8;
	s23 =	sshra.s32 s4, $0x9;
	s3 =	sadd.s32 s15, s3;
	s15 =	sshra.s32 s9, $0x9;
	v7 =	vcombine.low v9, v7;
	v5 =	vsel vm14, s21, v5  }
0xcb: {  	s26 =	sshra.s32 s4, $0x1F;
	s0 =	sadd.s32 s0, s16;
	s16 =	sshra.s32 s13, $0x9;
	v56 =	vmov s15;
	v8 =	vsel vm2, s22, v8;
	v5 =	vsel vm4, s23, v5  }
0xcc: {  	s24 =	sshrl.u32 s3, $0x1F;
	v10 =	vmov s16;
	s1 =	sshrl.u32 s4, $0x1F;
	v8 =	vsel vm3, s17, v8;
	s4 =	sshra.s32 s0, $0x9;
	v5 =	vsel vm0, s26, v5  }
0xcd: {  	v10 =	vsel vm2, s18, v10;
	s22 =	sshrl.u32 s0, $0x1F;
	s0 =	sshra.s32 s0, $0x1F;
	s17 =	sshra.s32 s5, $0x9;
	v8 =	vsel vm4, s1, v8;
	v5 =	vsel vm6, s4, v5  }
0xce: {  	s6 =	sadd.s32 s20, s6;
	s19 =	sshra.s32 s3, $0x9;
	s20 =	sshra.s32 s7, $0x9;
	v9 =	vsel vm2, s17, v56;
	v8 =	vsel vm6, s22, v8;
	v5 =	vsel vm1, s0, v5  }
0xcf: {  	s22 =	sshra.s32 s3, $0x1F;
	v9 =	vsel vm3, s20, v9;
	v8 =	vsel vm7, s24, v8;
	s28 =	sshrl.u32 s6, $0x1F;
	s21 =	sshra.s32 s14, $0x9;
	v5 =	vsel vm7, s19, v5  }
0xd0: {  	s25 =	sshra.s32 s6, $0x9;
	s24 =	sshra.s32 s11, $0x9;
	v8 =	vsel vm8, s28, v8;
	s23 =	sshra.s32 s8, $0x9;
	v10 =	vsel vm3, s21, v10;
	v5 =	vsel vm15, s22, v5  }
0xd1: {  	s28 =	sshra.s32 s6, $0x1F;
	s26 =	sshrl.u32 s12, $0x1F;
	v9 =	vsel vm4, s23, v9;
	v10 =	vsel vm4, s24, v10;
	v5 =	vsel vm8, s25, v5  }
0xd2: {  	s1 =	sshra.s32 s12, $0x9;
	v8 =	vsel vm9, s26, v8;
	v9 =	vcombine.low v10, v9;
	v5 =	vsel vm11, s28, v5  }
0xd3: {  	v7 =	vperm.xlane v7, v2;
	v8 =	vperm.xlane v8, v3;
	v5 =	vsel vm9, s1, v5  }
0xd4: {  	v9 =	vperm.xlane v9, v2;
	v5 =	vperm.xlane v5, v3;
	_ =	sdelay $0x1  }
0xd5: {  	v7 =	vsel vm10, v8, v7;
	v5 =	vsel vm10, v5, v9  }
0xd6: {  	v5 =	vadd.s32 v7, v5  }
0xd7: {  	v57 =	vsub.s32 $0x0, v6;
	v7 =	vmul.u32 $0xFFFFF940, v5  }
0xd8: {  	vm1 =	vmmov vm14;
	vm14 =	vmmov vm12;
	vm12 =	vlt.s32 v6, $0x1  }
0xd9: {  	vm11 =	vmmov vm0;
	vm0 =	vmmov vm13;
	vm13 =	vne.s32 v7, v57  }
0xda: {  	vm12 =	vmand vm12, vm13  }
0xdb: {  	v7 =	vsel vm12, $0xFFFFFFFF, v4  }
0xdc: {  	v5 =	vadd.s32 v7, v5  }
0xdd: {  	v7 =	vmul.u32 $0xFFFFF940, v5;
	_ =	sdelay $0x1  }
0xde: {  	v6 =	vadd.s32 v6, v7  }
0xdf: {  	(v2sf) =	vpush v6, $0xD;
	_ =	sdelay $0x1  }
0xe0: {  	(v2sf) =	vpush v6, $0xC;
	_ =	sdelay $0x1  }
0xe1: {  	(v2sf) =	vpush v6, $0xE;
	_ =	sdelay $0x1  }
0xe2: {  	(v2sf) =	vpush v6, $0xF;
	_ =	sdelay $0x1  }
0xe3: {  	(v2sf) =	vpush v6, $0x9;
	_ =	sdelay $0x1  }
0xe4: {  	(v2sf) =	vpush v6, $0x8;
	_ =	sdelay $0x1  }
0xe5: {  	(v2sf) =	vpush v6, $0xA;
	_ =	sdelay $0x1  }
0xe6: {  	(v2sf) =	vpush v6, $0xB  }
0xe7: {  	s2 =	spop (v2sf)  }
0xe8: {  	(v2sf) =	vpush v6, $0x0;
	s3 =	smulhi.u32 $0x38E38E39, s2;
	s0 =	sshra.s32 s2, $0x1F  }
0xe9: {  	s7 =	spop (v2sf);
	s0 =	smul.u32 $0x38E38E39, s0  }
0xea: {  	(v2sf) =	vpush v6, $0x1;
	s8 =	smulhi.u32 $0x38E38E39, s7;
	s2 =	sshra.s32 s7, $0x1F  }
0xeb: {  	s13 =	spop (v2sf);
	s2 =	smul.u32 $0x38E38E39, s2  }
0xec: {  	(v2sf) =	vpush v6, $0x2;
	s15 =	smulhi.u32 $0x38E38E39, s13;
	s4 =	sshra.s32 s13, $0x1F  }
0xed: {  	(v2sf) =	vpush v6, $0x3;
	s14 =	spop (v2sf);
	s4 =	smul.u32 $0x38E38E39, s4  }
0xee: {  	(v2sf) =	vpush v6, $0x4;
	s10 =	smulhi.u32 $0x38E38E39, s14;
	s5 =	sshra.s32 s14, $0x1F  }
0xef: {  	(v2sf) =	vpush v6, $0x5;
	s22 =	spop (v2sf);
	s5 =	smul.u32 $0x38E38E39, s5  }
0xf0: {  	(v2sf) =	vpush v6, $0x6;
	s11 =	smulhi.u32 $0x38E38E39, s22;
	s6 =	sshra.s32 s22, $0x1F  }
0xf1: {  	(v2sf) =	vpush v6, $0x7;
	s23 =	spop (v2sf);
	s14 =	smul.u32 $0x38E38E39, s6  }
0xf2: {  	s16 =	smulhi.u32 $0x38E38E39, s23;
	s23 =	sshra.s32 s23, $0x1F  }
0xf3: {  	s24 =	spop (v2sf);
	s18 =	smul.u32 $0x38E38E39, s23  }
0xf4: {  	s7 =	sadd.s32 s0, s3;
	s20 =	smulhi.u32 $0x38E38E39, s24;
	s24 =	sshra.s32 s24, $0x1F  }
0xf5: {  	s9 =	sadd.s32 s2, s8;
	s25 =	spop (v2sf);
	s22 =	smul.u32 $0x38E38E39, s24  }
0xf6: {  	s3 =	sshrl.u32 s7, $0x1F;
	s24 =	smulhi.u32 $0x38E38E39, s25;
	s25 =	sshra.s32 s25, $0x1F  }
0xf7: {  	s8 =	sadd.s32 s4, s15;
	s26 =	spop (v2sf);
	s0 =	smul.u32 $0x38E38E39, s25  }
0xf8: {  	s15 =	sshrl.u32 s8, $0x1F;
	s1 =	smulhi.u32 $0x38E38E39, s26;
	s26 =	sshra.s32 s26, $0x1F  }
0xf9: {  	s5 =	sadd.s32 s5, s10;
	s28 =	spop (v2sf);
	s2 =	smul.u32 $0x38E38E39, s26  }
0xfa: {  	s13 =	sadd.s32 s14, s11;
	s4 =	smulhi.u32 $0x38E38E39, s28;
	s28 =	sshra.s32 s28, $0x1F  }
0xfb: {  	s25 =	sshrl.u32 s9, $0x1F;
	s17 =	spop (v2sf);
	s12 =	smul.u32 $0x38E38E39, s28  }
0xfc: {  	s14 =	sadd.s32 s18, s16;
	s19 =	spop (v2sf);
	s26 =	smulhi.u32 $0x38E38E39, s17  }
0xfd: {  	s11 =	sshra.s32 s17, $0x1F;
	s17 =	sshrl.u32 s5, $0x1F;
	s21 =	spop (v2sf)  }
0xfe: {  	s10 =	sadd.s32 s0, s24;
	s16 =	smul.u32 $0x38E38E39, s11;
	s23 =	spop (v2sf)  }
0xff: {  	s18 =	smulhi.u32 $0x38E38E39, s19;
	s19 =	sshra.s32 s19, $0x1F;
	s6 =	spop (v2sf)  }
0x100: {  	s11 =	sadd.s32 s22, s20;
	s0 =	smul.u32 $0x38E38E39, s19;
	s24 =	spop (v2sf)  }
0x101: {  	s1 =	sadd.s32 s2, s1;
	s28 =	smulhi.u32 $0x38E38E39, s24;
	s19 =	sshra.s32 s24, $0x1F  }
0x102: {  	s20 =	sshrl.u32 s13, $0x1F;
	s22 =	sshrl.u32 s14, $0x1F;
	s24 =	smul.u32 $0x38E38E39, s19  }
0x103: {  	v58 =	vmov s25;
	s4 =	sadd.s32 s12, s4;
	s2 =	sshrl.u32 s11, $0x1F;
	s25 =	sshrl.u32 s1, $0x1F  }
0x104: {  	s16 =	sadd.s32 s16, s26;
	s26 =	smulhi.u32 $0x38E38E39, s21;
	s12 =	sadd.s32 s24, s28  }
0x105: {  	v8 =	vsel vm2, s3, v58;
	s21 =	sshra.s32 s21, $0x1F;
	s3 =	smulhi.u32 $0x38E38E39, s23;
	s28 =	sshra.s32 s12, $0x1F  }
0x106: {  	s23 =	sshra.s32 s23, $0x1F;
	s21 =	smul.u32 $0x38E38E39, s21;
	s24 =	sshra.s32 s1, $0x1;
	v7 =	vmov s28  }
0x107: {  	v8 =	vsel vm3, s15, v8;
	s0 =	sadd.s32 s0, s18;
	s15 =	sshrl.u32 s16, $0x1F;
	s1 =	sshra.s32 s1, $0x1F;
	v7 =	vsel vm5, s24, v7  }
0x108: {  	v8 =	vsel vm4, s17, v8;
	v59 =	vmov s25;
	s25 =	sshra.s32 s16, $0x1;
	s17 =	smulhi.u32 $0x38E38E39, s6;
	s28 =	sshra.s32 s4, $0x1;
	v7 =	vsel vm14, s1, v7  }
0x109: {  	vm12 =	vcmask $0x2724;
	v60 =	vmov s22;
	s19 =	sadd.s32 s21, s26;
	s26 =	sshrl.u32 s4, $0x1F;
	s4 =	sshra.s32 s4, $0x1F;
	v7 =	vsel vm2, s28, v7  }
0x10a: {  	v10 =	vsel vm2, s20, v60;
	v9 =	vnsel vm5, $0x0, v59;
	s18 =	sshra.s32 s16, $0x1F;
	s16 =	sshra.s32 s13, $0x1;
	s24 =	smul.u32 $0x38E38E39, s23;
	v7 =	vsel vm0, s4, v7  }
0x10b: {  	v10 =	vsel vm3, s2, v10;
	s6 =	sshra.s32 s6, $0x1F;
	s21 =	sshrl.u32 s10, $0x1F;
	v9 =	vsel vm2, s26, v9;
	s26 =	sshrl.u32 s0, $0x1F;
	v7 =	vsel vm3, s25, v7  }
0x10c: {  	v10 =	vsel vm4, s21, v10;
	v9 =	vsel vm3, s15, v9;
	s23 =	sshrl.u32 s19, $0x1F;
	s22 =	sadd.s32 s24, s3;
	s24 =	sshra.s32 s0, $0x1;
	v7 =	vsel vm1, s18, v7  }
0x10d: {  	v8 =	vcombine.low v10, v8;
	v9 =	vsel vm4, s26, v9;
	s28 =	smul.u32 $0x38E38E39, s6;
	s0 =	sshra.s32 s0, $0x1F;
	s6 =	sshra.s32 s9, $0x1;
	v7 =	vsel vm4, s24, v7  }
0x10e: {  	s15 =	sshra.s32 s7, $0x1;
	v9 =	vsel vm6, s23, v9;
	s9 =	sshra.s32 s14, $0x1;
	s4 =	sshra.s32 s19, $0x1;
	v61 =	vmov s6;
	v7 =	vsel vm11, s0, v7  }
0x10f: {  	s14 =	sshra.s32 s19, $0x1F;
	v11 =	vmov s9;
	s25 =	sshrl.u32 s22, $0x1F;
	s26 =	sadd.s32 s28, s17;
	v10 =	vsel vm2, s15, v61;
	v7 =	vsel vm6, s4, v7  }
0x110: {  	s19 =	sshra.s32 s11, $0x1;
	s17 =	sshra.s32 s22, $0x1;
	v11 =	vsel vm2, s16, v11;
	v9 =	vsel vm7, s25, v9;
	s28 =	sshrl.u32 s26, $0x1F;
	v7 =	vsel vm12, s14, v7  }
0x111: {  	s20 =	sshra.s32 s22, $0x1F;
	s22 =	sshra.s32 s10, $0x1;
	s18 =	sshra.s32 s8, $0x1;
	v11 =	vsel vm3, s19, v11;
	v9 =	vsel vm8, s28, v9;
	v7 =	vsel vm7, s17, v7  }
0x112: {  	s21 =	sshra.s32 s5, $0x1;
	s23 =	sshra.s32 s26, $0x1;
	v10 =	vsel vm3, s18, v10;
	v11 =	vsel vm4, s22, v11;
	v7 =	vsel vm15, s20, v7  }
0x113: {  	s26 =	sshra.s32 s26, $0x1F;
	s24 =	sshrl.u32 s12, $0x1F;
	v10 =	vsel vm4, s21, v10;
	vm12 =	vcmask $0x3734;
	v7 =	vsel vm8, s23, v7  }
0x114: {  	s28 =	sshra.s32 s12, $0x1;
	v9 =	vsel vm9, s24, v9;
	v10 =	vcombine.low v11, v10;
	v7 =	vsel vm12, s26, v7  }
0x115: {  	v8 =	vperm.xlane v8, v2;
	v9 =	vperm.xlane v9, v3;
	v7 =	vsel vm9, s28, v7  }
0x116: {  	v10 =	vperm.xlane v10, v2;
	v7 =	vperm.xlane v7, v3;
	_ =	sdelay $0x1  }
0x117: {  	v8 =	vsel vm10, v9, v8;
	v7 =	vsel vm10, v7, v10  }
0x118: {  	v7 =	vadd.s32 v8, v7  }
0x119: {  	v8 =	vmul.u32 $0xFFFFFFF7, v7  }
0x11a: {  	v62 =	vsub.s32 $0x0, v6  }
0x11b: {  	vm12 =	vlt.s32 v6, $0x1;
	vm13 =	vne.s32 v8, v62  }
0x11c: {  	vm12 =	vmand vm12, vm13  }
0x11d: {  	v63 =	vsel vm12, $0xFFFFFFFF, v4  }
0x11e: {  	v7 =	vadd.s32 v63, v7  }
0x11f: {  	v8 =	vmul.u32 $0xFFFFFFF7, v7;
	_ =	sdelay $0x1  }
0x120: {  	v5 =	vmul.u32 $0xC0, v5;
	v6 =	vadd.s32 v6, v8  }
0x121: {  	v6 =	vmul.u32 $0x480, v6  }
0x122: {  	v5 =	vadd.s32 v5, v7  }
0x123: {  	v5 =	vadd.s32 v6, v5;
	v6 =	vld [tilespmem:$0x1FFD0];
	_ =	sdelay $0x4  }
0x124: {  	s29 =	sadd.s32 $0x1, s29;
	s25 =	rddreg [dreg:$0x18];
	vm13 =	vnez.u8 v6  }
0x125: {  	p0 =	slt.s32 s29, s25;
	v7 =	vld [tilespmem:s31+$0x0]  }
.Ltmp7:
0x126: {  	_ = 	snop;
	(pc) =	sbr.rel @p0 .LBB2_6-.Ltmp7, $3  }
0x127: {  	_ =	sdelay $0x1  }
0x128: {  	s3 =	simm.s32 $0x2080;
	vm0 =	vmmov vm11;
	vm11 =	vcmask $0x3734  }
0x129: {  	s30 =	sadd.s32 $0x10, s30;
	vm12 =	vmmov vm14;
	vm14 =	vmmov vm1;
	vm1 =	vcmask $0x2724;
	s31 =	sadd.s32 $0x10, s31;
	[tilespmem:v5+s3+$0x0] =	vst.idx.msk vm13, v7  }
.Ltmp8:
0x12a: {  	_ = 	snop;
	(pc) =	sbr.rel .LBB2_7-.Ltmp8, $1  }
0x12b: {  	_ =	sdelay $0x3  }
.LBB2_9:
0x12c: {  	_ =	sfence.sel $0x180000  }
0x12d: {  	[bflag:$0x0] =	sbarrier.arrive $0xFFFF  }
0x12e: {  	_ =	strace $0x90000047  }
0x12f: {  	s0 =	stileid.u32;
	[bflag:$0x2] =	sbarrier.arrive $0xFFFF  }
0x130: {  	p0 =	sne.s32 s0, $0x0;
	s0 =	rddreg [dreg:$0x2]  }
0x131: {  	s0 =	sadd.s32 @!p0 $0x100000, s0  }
0x132: {  	[sflag:s0] =	ssyncadd.tile.s32 @!p0 $0x1;
	_ =	shalt  }
.Lfunc_end2:
_tile_overlayer_lowered:
.L_overlay_start_2:
0x133: {  	(tag) =	ssettag $0x2  }
0x134: {  	s0 =	rddreg [dreg:$0x0];
	s2 =	stileid.u32  }
0x135: {  	s1 =	rddreg [dreg:$0x1];
	p0 =	sne.s32 s2, $0x0  }
0x136: {  	s3 =	rddreg [dreg:$0x2];
	[bflag:$0x3] =	sbarrier.arrive $0xFFFF;
	s2 =	simm.s32 @!p0 $0x1C02  }
0x137: {  	[timem:s3], [sflag:s2] =	dma.local @!p0 [hbm:s0], s1  }
0x138: {  	s0 =	simm.s32 @!p0 $0x2  }
0x139: {  	_ =	swait.ge @!p0 [sflag:s0], s1  }
0x13a: {  	s1 =	ssub.s32 @!p0 $0x0, s1;
	[sflag:s0] =	ssyncset.done @!p0 $0x0  }
0x13b: {  	[sflag:s0] =	ssyncadd.s32 @!p0 s1  }
0x13c: {  	[bflag:$0x3] =	sbarrier.arrive $0xFFFF  }
0x13d: {  	_ =	shalt  }

</sc_bundles>
